<compile_context>
chip_gen: v7x
topology: tpu7x:2x2x1
jax: 0.10.2.dev20260603
libtpu: 0.0.44.dev20260713+nightly
codegen_flags: <defaults>
</compile_context>

<pallas_src>
import jax
import jax.numpy as jnp
from jax import lax
from jax.experimental import pallas as pl
from jax.experimental.pallas import tpu as pltpu
from jax.experimental.pallas import tpu_sc as plsc

N = 10000
N_PAD = 10240
E = 320000
D_IN = 128
D_HID = 128
D_OUT = 40
D_OUT_PAD = 48

NUM_CORES = 2
NUM_SUBCORES = 16
NW = NUM_CORES * NUM_SUBCORES

KB = 80

EPT_D = E // NW
NB_D = EPT_D // KB
RPT = N_PAD // NUM_SUBCORES
ZCH = 128

N_HALF = N_PAD // 2
ACC_ROWS = N_HALF + 16
EPT_A = E // NUM_SUBCORES
NB_A = EPT_A // KB
OPT = N_HALF // NUM_SUBCORES
ZCH_A = 16

_MESH = plsc.VectorSubcoreMesh(core_axis_name="c", subcore_axis_name="s")


def _zero_fill(ref, rows, cols):
    lanes = cols // 16
    zeros16 = jnp.zeros((16,), jnp.float32)

    def body(i, carry):
        r = i // lanes
        c = (i % lanes) * 16
        ref[r, pl.ds(c, 16)] = zeros16
        return carry

    lax.fori_loop(0, rows * lanes, body, 0)


def _deg_kernel(dst3, out, dst_v, ones_v, zbuf, acc, sem):
    cid = lax.axis_index("c")
    sid = lax.axis_index("s")
    wid = cid * NUM_SUBCORES + sid

    _zero_fill(zbuf, ZCH, 16)
    ones16 = jnp.ones((16,), jnp.float32)

    def fill_ones(i, carry):
        ones_v[i, :] = ones16
        return carry

    lax.fori_loop(0, KB, fill_ones, 0)

    row0 = sid * RPT

    def zchunk(j, carry):
        pltpu.sync_copy(zbuf, acc.at[pl.ds(row0 + j * ZCH, ZCH)])
        return carry

    lax.fori_loop(0, RPT // ZCH, zchunk, 0)
    plsc.subcore_barrier()

    pltpu.sync_copy(dst3.at[wid], dst_v)

    def batch(j, carry):
        pltpu.sync_copy(ones_v, acc.at[dst_v.at[j]], add=True)
        return carry

    lax.fori_loop(0, NB_D, batch, 0)
    plsc.subcore_barrier()

    def ochunk(j, carry):
        r = row0 + j * ZCH
        pltpu.sync_copy(acc.at[pl.ds(r, ZCH)], out.at[cid, pl.ds(r, ZCH)])
        return carry

    lax.fori_loop(0, RPT // ZCH, ochunk, 0)


def _agg_kernel(mp, src3, dst3, out, src_v, dst_v, dstp, rows_v, rows_w, zbuf, acc, sem, sem2):
    cid = lax.axis_index("c")
    sid = lax.axis_index("s")
    lo = cid * N_HALF
    trash = N_HALF + sid

    _zero_fill(zbuf, ZCH_A, D_HID)

    def zchunk(j, carry):
        pltpu.sync_copy(zbuf, acc.at[pl.ds((sid * 20 + j) * ZCH_A, ZCH_A)])
        return carry

    lax.fori_loop(0, N_HALF // ZCH_A // NUM_SUBCORES, zchunk, 0)

    @pl.when(sid == 0)
    def _():
        pltpu.sync_copy(zbuf.at[pl.ds(0, 16)], acc.at[pl.ds(N_HALF, 16)])

    plsc.subcore_barrier()

    pltpu.sync_copy(src3.at[sid], src_v)
    pltpu.sync_copy(dst3.at[sid], dst_v)

    def remap(j, dstp_b):
        for c in range(KB // 16):
            d = dst_v[j, pl.ds(c * 16, 16)]
            t = d - lo
            ok = (t >= 0) & (t < N_HALF)
            dstp_b[0, pl.ds(c * 16, 16)] = jnp.where(ok, t, trash)

    pltpu.async_copy(mp.at[src_v.at[0]], rows_v, sem).wait()

    def pair(m, carry):
        j0 = 2 * m
        dg1 = pltpu.async_copy(mp.at[src_v.at[j0 + 1]], rows_w, sem2)
        remap(j0, dstp)
        pltpu.sync_copy(rows_v, acc.at[dstp.at[0]], add=True)
        dg1.wait()

        @pl.when(j0 + 2 < NB_A)
        def _():
            dg2 = pltpu.async_copy(mp.at[src_v.at[j0 + 2]], rows_v, sem)
            remap(j0 + 1, dstp)
            pltpu.sync_copy(rows_w, acc.at[dstp.at[0]], add=True)
            dg2.wait()

        @pl.when(j0 + 2 >= NB_A)
        def _():
            remap(j0 + 1, dstp)
            pltpu.sync_copy(rows_w, acc.at[dstp.at[0]], add=True)

        return carry

    lax.fori_loop(0, NB_A // 2, pair, 0)
    plsc.subcore_barrier()

    r = sid * OPT
    pltpu.sync_copy(acc.at[pl.ds(r, OPT)], out.at[pl.ds(lo + r, OPT)])


_deg = pl.kernel(
    _deg_kernel,
    out_type=jax.ShapeDtypeStruct((NUM_CORES, N_PAD, 16), jnp.float32),
    mesh=_MESH,
    scratch_types=[
        pltpu.VMEM((NB_D, KB), jnp.int32),
        pltpu.VMEM((KB, 16), jnp.float32),
        pltpu.VMEM((ZCH, 16), jnp.float32),
        pltpu.VMEM_SHARED((N_PAD, 16), jnp.float32),
        pltpu.SemaphoreType.DMA,
    ],
)

_agg = pl.kernel(
    _agg_kernel,
    out_type=jax.ShapeDtypeStruct((N_PAD, D_HID), jnp.float32),
    mesh=_MESH,
    scratch_types=[
        pltpu.VMEM((NB_A, KB), jnp.int32),
        pltpu.VMEM((NB_A, KB), jnp.int32),
        pltpu.VMEM((8, KB), jnp.int32),
        pltpu.VMEM((KB, D_HID), jnp.float32),
        pltpu.VMEM((KB, D_HID), jnp.float32),
        pltpu.VMEM((ZCH_A, D_HID), jnp.float32),
        pltpu.VMEM_SHARED((ACC_ROWS, D_HID), jnp.float32),
        pltpu.SemaphoreType.DMA,
        pltpu.SemaphoreType.DMA,
    ],
)



BR = 1024


def _dis_from(degp_ref):
    deg = degp_ref[0, :, 0:1] + degp_ref[1, :, 0:1] + 1.0
    return lax.rsqrt(deg)


def _tc_a_body(x_ref, w_ref, degp_ref, m1p_ref):
    dis = _dis_from(degp_ref)
    m1p_ref[...] = dis * jnp.dot(x_ref[...], w_ref[...],
                                 preferred_element_type=jnp.float32)


def _tc_b_body(a1_ref, m1p_ref, degp_ref, b1_ref, hp_ref):
    dis = _dis_from(degp_ref)
    h = jnp.maximum(dis * (a1_ref[...] + m1p_ref[...]) + b1_ref[...], 0.0)
    hp_ref[...] = dis * h


def _tc_c_body(a2_ref, hp_ref, degp_ref, b2_ref, w2_ref, o_ref):
    dis = _dis_from(degp_ref)
    g = dis * (a2_ref[...] + hp_ref[...])
    o_ref[...] = jnp.dot(g, w2_ref[...], preferred_element_type=jnp.float32) \
        + b2_ref[...]


def _rows_spec(d):
    return pl.BlockSpec((BR, d), lambda i: (i, 0))


def _pair_spec(d):
    return pl.BlockSpec((2, BR, d), lambda i: (0, i, 0))


def _full_spec(shape):
    return pl.BlockSpec(shape, lambda i: tuple(0 for _ in shape))


_GRID = (N_PAD // BR,)

_tc_a = pl.pallas_call(
    _tc_a_body,
    grid=_GRID,
    in_specs=[_rows_spec(D_IN), _full_spec((D_IN, D_HID)), _pair_spec(16)],
    out_specs=_rows_spec(D_HID),
    out_shape=jax.ShapeDtypeStruct((N_PAD, D_HID), jnp.float32),
)

_tc_b = pl.pallas_call(
    _tc_b_body,
    grid=_GRID,
    in_specs=[_rows_spec(D_HID), _rows_spec(D_HID), _pair_spec(16),
              _full_spec((1, D_HID))],
    out_specs=_rows_spec(D_HID),
    out_shape=jax.ShapeDtypeStruct((N_PAD, D_HID), jnp.float32),
)

_tc_c = pl.pallas_call(
    _tc_c_body,
    grid=_GRID,
    in_specs=[_rows_spec(D_HID), _rows_spec(D_HID), _pair_spec(16),
              _full_spec((1, D_OUT_PAD)), _full_spec((D_HID, D_OUT_PAD))],
    out_specs=_rows_spec(D_OUT_PAD),
    out_shape=jax.ShapeDtypeStruct((N_PAD, D_OUT_PAD), jnp.float32),
)


def kernel(x, edge_index, W1, b1, W2, b2):
    xp = jnp.pad(x, ((0, N_PAD - N), (0, 0)))
    dst_d = edge_index[1].reshape(NW, NB_D, KB)
    src_a = edge_index[0].reshape(NUM_SUBCORES, NB_A, KB)
    dst_a = edge_index[1].reshape(NUM_SUBCORES, NB_A, KB)
    w2p = jnp.pad(W2, ((0, 0), (0, D_OUT_PAD - D_OUT)))
    b1r = b1.reshape(1, D_HID)
    b2r = jnp.pad(b2, (0, D_OUT_PAD - D_OUT)).reshape(1, D_OUT_PAD)

    degp = _deg(dst_d)
    m1p = _tc_a(xp, W1, degp)
    a1 = _agg(m1p, src_a, dst_a)
    hp = _tc_b(a1, m1p, degp, b1r)
    a2 = _agg(hp, src_a, dst_a)
    o48 = _tc_c(a2, hp, degp, b2r, w2p)
    return o48[:N, :D_OUT]

# --- scband reference (transcript-rebuilt; emitter-appended) ---
"""Pipeline reference for scband-gcnmodel-75995151336042 (READ-ONLY COPY).

The authoritative reference and input builder live on the scoring server;
editing this copy changes nothing except your own understanding.
"""

import jax, jax.numpy as jnp
import numpy as np

N = 10000
E = 320000
D_IN = 128
D_HID = 128
D_OUT = 40


def setup_inputs(seed: int = 0) -> dict:
    key = jax.random.key(seed)
    k1, k2, k3, k4 = jax.random.split(key, 4)
    x = jax.random.normal(k1, (N, D_IN), dtype=jnp.float32)
    edge_index = jax.random.randint(k2, (2, E), 0, N)
    W1 = jax.random.normal(k3, (D_IN, D_HID), dtype=jnp.float32) * (1.0 / np.sqrt(D_IN))
    b1 = jnp.zeros((D_HID,), dtype=jnp.float32)
    W2 = jax.random.normal(k4, (D_HID, D_OUT), dtype=jnp.float32) * (1.0 / np.sqrt(D_HID))
    b2 = jnp.zeros((D_OUT,), dtype=jnp.float32)
    return {"x": x, "edge_index": edge_index, "W1": W1, "b1": b1, "W2": W2, "b2": b2}


def gcn_conv(x, edge_index, W, b):
    # GCNConv: D^-1/2 (A + I) D^-1/2 X W + b  (PyG semantics: add self-loops, symmetric norm)
    n = x.shape[0]
    loop = jnp.arange(n)
    src = jnp.concatenate([edge_index[0], loop])
    dst = jnp.concatenate([edge_index[1], loop])
    deg = jnp.zeros((n,), x.dtype).at[dst].add(1.0)
    deg_inv_sqrt = jnp.where(deg > 0, jax.lax.rsqrt(jnp.maximum(deg, 1e-12)), 0.0)
    norm = deg_inv_sqrt[src] * deg_inv_sqrt[dst]
    h = x @ W
    msg = h[src] * norm[:, None]
    out = jnp.zeros((n, W.shape[1]), x.dtype).at[dst].add(msg)
    return out + b


def reference(x, edge_index, W1, b1, W2, b2):
    # eval mode: dropout is identity
    h = jax.nn.relu(gcn_conv(x, edge_index, W1, b1))
    return gcn_conv(h, edge_index, W2, b2)

if __name__ == "__main__":
    import jax
    _d = setup_inputs()
    print(jax.jit(kernel)(*tuple(_d.values())))

</pallas_src>

<mosaic_0001>
#map = affine_map<(d0, d1) -> (0, 0)>
#map1 = affine_map<(d0, d1) -> (0, 0, 0)>
module attributes {stable_mosaic.version = 14 : i64} {
  func.func @_agg_kernel(%arg0: i32, %arg1: i32, %arg2: memref<10240x128xf32, #tpu.memory_space<hbm>>, %arg3: memref<16x250x80xi32, #tpu.memory_space<hbm>>, %arg4: memref<16x250x80xi32, #tpu.memory_space<hbm>>, %arg5: memref<10240x128xf32, #tpu.memory_space<hbm>>, %arg6: memref<250x80xi32, #tpu.memory_space<vmem>>, %arg7: memref<250x80xi32, #tpu.memory_space<vmem>>, %arg8: memref<8x80xi32, #tpu.memory_space<vmem>>, %arg9: memref<80x128xf32, #tpu.memory_space<vmem>>, %arg10: memref<80x128xf32, #tpu.memory_space<vmem>>, %arg11: memref<16x128xf32, #tpu.memory_space<vmem>>, %arg12: memref<5136x128xf32, #tpu.memory_space<vmem_shared>>, %arg13: memref<!tpu.dma_semaphore, #tpu.memory_space<semaphore_mem>>, %arg14: memref<!tpu.dma_semaphore, #tpu.memory_space<semaphore_mem>>) attributes {dimension_semantics = [#tpu.dimension_semantics<core_parallel>, #tpu.dimension_semantics<subcore_parallel>], iteration_bounds = array<i64: 2, 16>, scalar_prefetch = 0 : i64, scratch_operands = 9 : i64, tpu.core_type = #tpu.core_type<sc_vector_subcore>, window_params = [{transform_indices = #map}, {transform_indices = #map1}, {transform_indices = #map1}, {transform_indices = #map}]} {
    %mul3A = arith.constant 5120 : i32
    %mul3A_0 = arith.muli %arg0, %mul3A : i32
    %add3A = arith.constant 5120 : i32
    %add3A_1 = arith.addi %add3A, %arg1 : i32
    %broadcast_in_dim3A = arith.constant 0.000000e+00 : f32
    %broadcast_in_dim3A_2 = vector.broadcast %broadcast_in_dim3A : f32 to vector<16xf32>
    %scan3A = arith.constant 0 : i32
    %scan3A_3 = arith.constant 0 : i32
    %scan3A_4 = arith.constant 128 : i32
    %scan3A_5 = arith.addi %scan3A_3, %scan3A_4 : i32
    %scan3A_6 = arith.constant 1 : i32
    scf.for %scan3A_38 = %scan3A_3 to %scan3A_5 step %scan3A_6  : i32 {
      %jit3A = arith.constant 8 : i32
      %div3A = arith.divsi %scan3A_38, %jit3A : i32
      %sign3A = arith.constant 0 : i32
      %sign3A_39 = arith.cmpi sgt, %scan3A_38, %sign3A : i32
      %sign3A_40 = arith.extui %sign3A_39 : i1 to i32
      %sign3A_41 = arith.constant 0 : i32
      %sign3A_42 = arith.cmpi slt, %scan3A_38, %sign3A_41 : i32
      %sign3A_43 = arith.extui %sign3A_42 : i1 to i32
      %sign3A_44 = arith.subi %sign3A_40, %sign3A_43 : i32
      %sign3A_45 = arith.constant 0 : i32
      %sign3A_46 = arith.cmpi sgt, %jit3A, %sign3A_45 : i32
      %sign3A_47 = arith.extui %sign3A_46 : i1 to i32
      %sign3A_48 = arith.constant 0 : i32
      %sign3A_49 = arith.cmpi slt, %jit3A, %sign3A_48 : i32
      %sign3A_50 = arith.extui %sign3A_49 : i1 to i32
      %sign3A_51 = arith.subi %sign3A_47, %sign3A_50 : i32
      %ne3A = arith.cmpi ne, %sign3A_44, %sign3A_51 : i32
      %rem3A = arith.remsi %scan3A_38, %jit3A : i32
      %ne3A_52 = arith.constant 0 : i32
      %ne3A_53 = arith.cmpi ne, %rem3A, %ne3A_52 : i32
      %and3A = arith.andi %ne3A, %ne3A_53 : i1
      %sub3A = arith.constant 1 : i32
      %sub3A_54 = arith.subi %div3A, %sub3A : i32
      %select_n3A = arith.select %and3A, %sub3A_54, %div3A : i32
      %jit3A_55 = arith.constant 8 : i32
      %eq3A_56 = arith.constant 0 : i32
      %eq3A_57 = arith.cmpi eq, %jit3A_55, %eq3A_56 : i32
      %jit3A_58 = arith.constant 1 : i32
      %select_n3A_59 = arith.select %eq3A_57, %jit3A_58, %jit3A_55 : i32
      %rem3A_60 = arith.remsi %scan3A_38, %select_n3A_59 : i32
      %ne3A_61 = arith.constant 0 : i32
      %ne3A_62 = arith.cmpi ne, %rem3A_60, %ne3A_61 : i32
      %lt3A = arith.constant 0 : i32
      %lt3A_63 = arith.cmpi slt, %rem3A_60, %lt3A : i32
      %lt3A_64 = arith.constant 0 : i32
      %lt3A_65 = arith.cmpi slt, %select_n3A_59, %lt3A_64 : i32
      %ne3A_66 = arith.xori %lt3A_63, %lt3A_65 : i1
      %and3A_67 = arith.andi %ne3A_66, %ne3A_62 : i1
      %add3A_68 = arith.addi %rem3A_60, %select_n3A_59 : i32
      %select_n3A_69 = arith.select %and3A_67, %add3A_68, %rem3A_60 : i32
      %mul3A_70 = arith.constant 16 : i32
      %mul3A_71 = arith.muli %select_n3A_69, %mul3A_70 : i32
      %swap3A = arith.index_cast %select_n3A : i32 to index
      %swap3A_72 = arith.index_cast %mul3A_71 : i32 to index
      %swap3A_73 = tpu.vector_load %arg11[%swap3A, %swap3A_72] {strides = array<i32>} : memref<16x128xf32, #tpu.memory_space<vmem>>, vector<1x16xf32>,
      %swap3A_74 = vector.shape_cast %swap3A_73 : vector<1x16xf32> to vector<16xf32>
      %swap3A_75 = vector.shape_cast %broadcast_in_dim3A_2 : vector<16xf32> to vector<1x16xf32>
      tpu.vector_store %arg11[%swap3A, %swap3A_72], %swap3A_75 {strides = array<i32>} : memref<16x128xf32, #tpu.memory_space<vmem>>, vector<1x16xf32>,
    }
    %scan3A_7 = arith.constant 128 : i32
    %scan3A_8 = arith.constant 0 : i32
    %scan3A_9 = arith.constant 0 : i32
    %scan3A_10 = arith.constant 20 : i32
    %scan3A_11 = arith.addi %scan3A_9, %scan3A_10 : i32
    %scan3A_12 = arith.constant 1 : i32
    scf.for %scan3A_38 = %scan3A_9 to %scan3A_11 step %scan3A_12  : i32 {
      %mul3A_39 = arith.constant 20 : i32
      %mul3A_40 = arith.muli %arg1, %mul3A_39 : i32
      %add3A_41 = arith.addi %mul3A_40, %scan3A_38 : i32
      %mul3A_42 = arith.constant 16 : i32
      %mul3A_43 = arith.muli %add3A_41, %mul3A_42 : i32
      "tpu.region"() ({
        %run_scoped3A = tpu.sem_alloc : memref<!tpu.dma_semaphore, #tpu.memory_space<semaphore_mem>>
        %dma_start3A_44 = arith.constant 0 : i32
        %dma_start3A_45 = tpu.memref_slice %arg12[%mul3A_43, %dma_start3A_44] : memref<5136x128xf32, #tpu.memory_space<vmem_shared>> -> memref<16x128xf32, #tpu.memory_space<vmem_shared>>
        %dma_start3A_46 = arith.constant 0 : i32
        %dma_start3A_47 = tpu.memref_slice %arg12[%mul3A_43, %dma_start3A_46] : memref<5136x128xf32, #tpu.memory_space<vmem_shared>> -> memref<16x128xf32, #tpu.memory_space<vmem_shared>>
        tpu.enqueue_dma source(%arg11 : memref<16x128xf32, #tpu.memory_space<vmem>>) target(%dma_start3A_47 : memref<16x128xf32, #tpu.memory_space<vmem_shared>>) target_semaphore(%run_scoped3A : memref<!tpu.dma_semaphore, #tpu.memory_space<semaphore_mem>>)
        %dma_wait3A_48 = arith.constant 0 : i32
        %dma_wait3A_49 = tpu.memref_slice %arg12[%mul3A_43, %dma_wait3A_48] : memref<5136x128xf32, #tpu.memory_space<vmem_shared>> -> memref<16x128xf32, #tpu.memory_space<vmem_shared>>
        %dma_wait3A_50 = arith.constant 0 : i32
        %dma_wait3A_51 = tpu.memref_slice %arg12[%mul3A_43, %dma_wait3A_50] : memref<5136x128xf32, #tpu.memory_space<vmem_shared>> -> memref<16x128xf32, #tpu.memory_space<vmem_shared>>
        tpu.wait_dma2 semaphore(%run_scoped3A : memref<!tpu.dma_semaphore, #tpu.memory_space<semaphore_mem>>) src(%arg11 : memref<16x128xf32, #tpu.memory_space<vmem>>) dst(%dma_wait3A_51 : memref<16x128xf32, #tpu.memory_space<vmem_shared>>)
        tpu.yield
      }) : () -> ()
    }
    %scan3A_13 = arith.constant 20 : i32
    %eq3A = arith.constant 0 : i32
    %eq3A_14 = arith.cmpi eq, %arg1, %eq3A : i32
    %convert_element_type3A = arith.extui %eq3A_14 : i1 to i32
    %cond3A = arith.constant 0 : i32
    %cond3A_15 = arith.cmpi ne, %convert_element_type3A, %cond3A : i32
    scf.if %cond3A_15 {
      "tpu.region"() ({
        %run_scoped3A = tpu.sem_alloc : memref<!tpu.dma_semaphore, #tpu.memory_space<semaphore_mem>>
        %dma_start3A_38 = arith.constant 0 : i32
        %dma_start3A_39 = arith.constant 0 : i32
        %dma_start3A_40 = tpu.memref_slice %arg11[%dma_start3A_38, %dma_start3A_39] : memref<16x128xf32, #tpu.memory_space<vmem>> -> memref<16x128xf32, #tpu.memory_space<vmem>>
        %dma_start3A_41 = arith.constant 5120 : i32
        %dma_start3A_42 = arith.constant 0 : i32
        %dma_start3A_43 = tpu.memref_slice %arg12[%dma_start3A_41, %dma_start3A_42] : memref<5136x128xf32, #tpu.memory_space<vmem_shared>> -> memref<16x128xf32, #tpu.memory_space<vmem_shared>>
        %dma_start3A_44 = arith.constant 5120 : i32
        %dma_start3A_45 = arith.constant 0 : i32
        %dma_start3A_46 = tpu.memref_slice %arg12[%dma_start3A_44, %dma_start3A_45] : memref<5136x128xf32, #tpu.memory_space<vmem_shared>> -> memref<16x128xf32, #tpu.memory_space<vmem_shared>>
        %dma_start3A_47 = arith.constant 0 : i32
        %dma_start3A_48 = arith.constant 0 : i32
        %dma_start3A_49 = tpu.memref_slice %arg11[%dma_start3A_47, %dma_start3A_48] : memref<16x128xf32, #tpu.memory_space<vmem>> -> memref<16x128xf32, #tpu.memory_space<vmem>>
        tpu.enqueue_dma source(%dma_start3A_49 : memref<16x128xf32, #tpu.memory_space<vmem>>) target(%dma_start3A_46 : memref<16x128xf32, #tpu.memory_space<vmem_shared>>) target_semaphore(%run_scoped3A : memref<!tpu.dma_semaphore, #tpu.memory_space<semaphore_mem>>)
        %dma_wait3A_50 = arith.constant 0 : i32
        %dma_wait3A_51 = arith.constant 0 : i32
        %dma_wait3A_52 = tpu.memref_slice %arg11[%dma_wait3A_50, %dma_wait3A_51] : memref<16x128xf32, #tpu.memory_space<vmem>> -> memref<16x128xf32, #tpu.memory_space<vmem>>
        %dma_wait3A_53 = arith.constant 5120 : i32
        %dma_wait3A_54 = arith.constant 0 : i32
        %dma_wait3A_55 = tpu.memref_slice %arg12[%dma_wait3A_53, %dma_wait3A_54] : memref<5136x128xf32, #tpu.memory_space<vmem_shared>> -> memref<16x128xf32, #tpu.memory_space<vmem_shared>>
        %dma_wait3A_56 = arith.constant 5120 : i32
        %dma_wait3A_57 = arith.constant 0 : i32
        %dma_wait3A_58 = tpu.memref_slice %arg12[%dma_wait3A_56, %dma_wait3A_57] : memref<5136x128xf32, #tpu.memory_space<vmem_shared>> -> memref<16x128xf32, #tpu.memory_space<vmem_shared>>
        %dma_wait3A_59 = arith.constant 0 : i32
        %dma_wait3A_60 = arith.constant 0 : i32
        %dma_wait3A_61 = tpu.memref_slice %arg11[%dma_wait3A_59, %dma_wait3A_60] : memref<16x128xf32, #tpu.memory_space<vmem>> -> memref<16x128xf32, #tpu.memory_space<vmem>>
        tpu.wait_dma2 semaphore(%run_scoped3A : memref<!tpu.dma_semaphore, #tpu.memory_space<semaphore_mem>>) src(%dma_wait3A_61 : memref<16x128xf32, #tpu.memory_space<vmem>>) dst(%dma_wait3A_58 : memref<16x128xf32, #tpu.memory_space<vmem_shared>>)
        tpu.yield
      }) : () -> ()
    } else {
    }
    %barrier3A = arith.constant 0 : index
    tpu.barrier barrier_id(%barrier3A)
    "tpu.region"() ({
      %run_scoped3A = tpu.sem_alloc : memref<!tpu.dma_semaphore, #tpu.memory_space<semaphore_mem>>
      %dma_start3A_38 = arith.constant 0 : i32
      %dma_start3A_39 = arith.constant 0 : i32
      %dma_start3A_40 = tpu.memref_slice %arg3[%arg1, %dma_start3A_38, %dma_start3A_39] : memref<16x250x80xi32, #tpu.memory_space<hbm>> -> memref<1x250x80xi32, #tpu.memory_space<hbm>>
      %dma_start3A_41 = tpu.memref_squeeze %dma_start3A_40 : memref<1x250x80xi32, #tpu.memory_space<hbm>> -> memref<250x80xi32, #tpu.memory_space<hbm>>
      %dma_start3A_42 = arith.constant 0 : i32
      %dma_start3A_43 = arith.constant 0 : i32
      %dma_start3A_44 = tpu.memref_slice %arg3[%arg1, %dma_start3A_42, %dma_start3A_43] : memref<16x250x80xi32, #tpu.memory_space<hbm>> -> memref<1x250x80xi32, #tpu.memory_space<hbm>>
      %dma_start3A_45 = tpu.memref_squeeze %dma_start3A_44 : memref<1x250x80xi32, #tpu.memory_space<hbm>> -> memref<250x80xi32, #tpu.memory_space<hbm>>
      tpu.enqueue_dma source(%dma_start3A_45 : memref<250x80xi32, #tpu.memory_space<hbm>>) target(%arg6 : memref<250x80xi32, #tpu.memory_space<vmem>>) target_semaphore(%run_scoped3A : memref<!tpu.dma_semaphore, #tpu.memory_space<semaphore_mem>>)
      %dma_wait3A_46 = arith.constant 0 : i32
      %dma_wait3A_47 = arith.constant 0 : i32
      %dma_wait3A_48 = tpu.memref_slice %arg3[%arg1, %dma_wait3A_46, %dma_wait3A_47] : memref<16x250x80xi32, #tpu.memory_space<hbm>> -> memref<1x250x80xi32, #tpu.memory_space<hbm>>
      %dma_wait3A_49 = tpu.memref_squeeze %dma_wait3A_48 : memref<1x250x80xi32, #tpu.memory_space<hbm>> -> memref<250x80xi32, #tpu.memory_space<hbm>>
      %dma_wait3A_50 = arith.constant 0 : i32
      %dma_wait3A_51 = arith.constant 0 : i32
      %dma_wait3A_52 = tpu.memref_slice %arg3[%arg1, %dma_wait3A_50, %dma_wait3A_51] : memref<16x250x80xi32, #tpu.memory_space<hbm>> -> memref<1x250x80xi32, #tpu.memory_space<hbm>>
      %dma_wait3A_53 = tpu.memref_squeeze %dma_wait3A_52 : memref<1x250x80xi32, #tpu.memory_space<hbm>> -> memref<250x80xi32, #tpu.memory_space<hbm>>
      tpu.wait_dma2 semaphore(%run_scoped3A : memref<!tpu.dma_semaphore, #tpu.memory_space<semaphore_mem>>) src(%dma_wait3A_53 : memref<250x80xi32, #tpu.memory_space<hbm>>) dst(%arg6 : memref<250x80xi32, #tpu.memory_space<vmem>>)
      tpu.yield
    }) : () -> ()
    "tpu.region"() ({
      %run_scoped3A = tpu.sem_alloc : memref<!tpu.dma_semaphore, #tpu.memory_space<semaphore_mem>>
      %dma_start3A_38 = arith.constant 0 : i32
      %dma_start3A_39 = arith.constant 0 : i32
      %dma_start3A_40 = tpu.memref_slice %arg4[%arg1, %dma_start3A_38, %dma_start3A_39] : memref<16x250x80xi32, #tpu.memory_space<hbm>> -> memref<1x250x80xi32, #tpu.memory_space<hbm>>
      %dma_start3A_41 = tpu.memref_squeeze %dma_start3A_40 : memref<1x250x80xi32, #tpu.memory_space<hbm>> -> memref<250x80xi32, #tpu.memory_space<hbm>>
      %dma_start3A_42 = arith.constant 0 : i32
      %dma_start3A_43 = arith.constant 0 : i32
      %dma_start3A_44 = tpu.memref_slice %arg4[%arg1, %dma_start3A_42, %dma_start3A_43] : memref<16x250x80xi32, #tpu.memory_space<hbm>> -> memref<1x250x80xi32, #tpu.memory_space<hbm>>
      %dma_start3A_45 = tpu.memref_squeeze %dma_start3A_44 : memref<1x250x80xi32, #tpu.memory_space<hbm>> -> memref<250x80xi32, #tpu.memory_space<hbm>>
      tpu.enqueue_dma source(%dma_start3A_45 : memref<250x80xi32, #tpu.memory_space<hbm>>) target(%arg7 : memref<250x80xi32, #tpu.memory_space<vmem>>) target_semaphore(%run_scoped3A : memref<!tpu.dma_semaphore, #tpu.memory_space<semaphore_mem>>)
      %dma_wait3A_46 = arith.constant 0 : i32
      %dma_wait3A_47 = arith.constant 0 : i32
      %dma_wait3A_48 = tpu.memref_slice %arg4[%arg1, %dma_wait3A_46, %dma_wait3A_47] : memref<16x250x80xi32, #tpu.memory_space<hbm>> -> memref<1x250x80xi32, #tpu.memory_space<hbm>>
      %dma_wait3A_49 = tpu.memref_squeeze %dma_wait3A_48 : memref<1x250x80xi32, #tpu.memory_space<hbm>> -> memref<250x80xi32, #tpu.memory_space<hbm>>
      %dma_wait3A_50 = arith.constant 0 : i32
      %dma_wait3A_51 = arith.constant 0 : i32
      %dma_wait3A_52 = tpu.memref_slice %arg4[%arg1, %dma_wait3A_50, %dma_wait3A_51] : memref<16x250x80xi32, #tpu.memory_space<hbm>> -> memref<1x250x80xi32, #tpu.memory_space<hbm>>
      %dma_wait3A_53 = tpu.memref_squeeze %dma_wait3A_52 : memref<1x250x80xi32, #tpu.memory_space<hbm>> -> memref<250x80xi32, #tpu.memory_space<hbm>>
      tpu.wait_dma2 semaphore(%run_scoped3A : memref<!tpu.dma_semaphore, #tpu.memory_space<semaphore_mem>>) src(%dma_wait3A_53 : memref<250x80xi32, #tpu.memory_space<hbm>>) dst(%arg7 : memref<250x80xi32, #tpu.memory_space<vmem>>)
      tpu.yield
    }) : () -> ()
    %dma_start3A = arith.constant 0 : i32
    %dma_start3A_16 = arith.constant 0 : i32
    %dma_start3A_17 = tpu.memref_slice %arg6[%dma_start3A, %dma_start3A_16] : memref<250x80xi32, #tpu.memory_space<vmem>> -> memref<1x80xi32, #tpu.memory_space<vmem>>
    %dma_start3A_18 = tpu.memref_squeeze %dma_start3A_17 : memref<1x80xi32, #tpu.memory_space<vmem>> -> memref<80xi32, #tpu.memory_space<vmem>>
    %dma_start3A_19 = arith.constant 0 : i32
    %dma_start3A_20 = arith.constant 0 : i32
    %dma_start3A_21 = tpu.memref_slice %arg2[%dma_start3A_19, %dma_start3A_20] : memref<10240x128xf32, #tpu.memory_space<hbm>> -> memref<10240x128xf32, #tpu.memory_space<hbm>>
    tpu.enqueue_indirect_dma source(%dma_start3A_21 : memref<10240x128xf32, #tpu.memory_space<hbm>>) target(%arg9 : memref<80x128xf32, #tpu.memory_space<vmem>>) offsets(%dma_start3A_18 : memref<80xi32, #tpu.memory_space<vmem>>) semaphore(%arg13 : memref<!tpu.dma_semaphore, #tpu.memory_space<semaphore_mem>>)
    %dma_wait3A = arith.constant 0 : i32
    %dma_wait3A_22 = arith.constant 0 : i32
    %dma_wait3A_23 = tpu.memref_slice %arg6[%dma_wait3A, %dma_wait3A_22] : memref<250x80xi32, #tpu.memory_space<vmem>> -> memref<1x80xi32, #tpu.memory_space<vmem>>
    %dma_wait3A_24 = tpu.memref_squeeze %dma_wait3A_23 : memref<1x80xi32, #tpu.memory_space<vmem>> -> memref<80xi32, #tpu.memory_space<vmem>>
    %dma_wait3A_25 = arith.constant 0 : i32
    %dma_wait3A_26 = arith.constant 0 : i32
    %dma_wait3A_27 = tpu.memref_slice %arg2[%dma_wait3A_25, %dma_wait3A_26] : memref<10240x128xf32, #tpu.memory_space<hbm>> -> memref<10240x128xf32, #tpu.memory_space<hbm>>
    tpu.wait_indirect_dma semaphore(%arg13 : memref<!tpu.dma_semaphore, #tpu.memory_space<semaphore_mem>>) src(%dma_wait3A_27 : memref<10240x128xf32, #tpu.memory_space<hbm>>) dst(%arg9 : memref<80x128xf32, #tpu.memory_space<vmem>>)
    %scan3A_28 = arith.constant 0 : i32
    %scan3A_29 = arith.constant 0 : i32
    %scan3A_30 = arith.constant 125 : i32
    %scan3A_31 = arith.addi %scan3A_29, %scan3A_30 : i32
    %scan3A_32 = arith.constant 1 : i32
    scf.for %scan3A_38 = %scan3A_29 to %scan3A_31 step %scan3A_32  : i32 {
      %mul3A_39 = arith.constant 2 : i32
      %mul3A_40 = arith.muli %mul3A_39, %scan3A_38 : i32
      %add3A_41 = arith.constant 1 : i32
      %add3A_42 = arith.addi %mul3A_40, %add3A_41 : i32
      %dma_start3A_43 = arith.constant 0 : i32
      %dma_start3A_44 = tpu.memref_slice %arg6[%add3A_42, %dma_start3A_43] : memref<250x80xi32, #tpu.memory_space<vmem>> -> memref<1x80xi32, #tpu.memory_space<vmem>>
      %dma_start3A_45 = tpu.memref_squeeze %dma_start3A_44 : memref<1x80xi32, #tpu.memory_space<vmem>> -> memref<80xi32, #tpu.memory_space<vmem>>
      %dma_start3A_46 = arith.constant 0 : i32
      %dma_start3A_47 = arith.constant 0 : i32
      %dma_start3A_48 = tpu.memref_slice %arg2[%dma_start3A_46, %dma_start3A_47] : memref<10240x128xf32, #tpu.memory_space<hbm>> -> memref<10240x128xf32, #tpu.memory_space<hbm>>
      tpu.enqueue_indirect_dma source(%dma_start3A_48 : memref<10240x128xf32, #tpu.memory_space<hbm>>) target(%arg10 : memref<80x128xf32, #tpu.memory_space<vmem>>) offsets(%dma_start3A_45 : memref<80xi32, #tpu.memory_space<vmem>>) semaphore(%arg14 : memref<!tpu.dma_semaphore, #tpu.memory_space<semaphore_mem>>)
      %get3A = arith.index_cast %mul3A_40 : i32 to index
      %get3A_49 = arith.constant 0 : index
      %get3A_50 = tpu.vector_load %arg7[%get3A, %get3A_49] {strides = array<i32>} : memref<250x80xi32, #tpu.memory_space<vmem>>, vector<1x16xi32>,
      %get3A_51 = vector.shape_cast %get3A_50 : vector<1x16xi32> to vector<16xi32>
      %sub3A = vector.broadcast %mul3A_0 : i32 to vector<16xi32>
      %sub3A_52 = arith.subi %get3A_51, %sub3A : vector<16xi32>
      %ge3A = arith.constant 0 : i32
      %ge3A_53 = vector.broadcast %ge3A : i32 to vector<16xi32>
      %ge3A_54 = arith.cmpi sge, %sub3A_52, %ge3A_53 : vector<16xi32>
      %lt3A = arith.constant 5120 : i32
      %lt3A_55 = vector.broadcast %lt3A : i32 to vector<16xi32>
      %lt3A_56 = arith.cmpi slt, %sub3A_52, %lt3A_55 : vector<16xi32>
      %and3A = arith.andi %ge3A_54, %lt3A_56 : vector<16xi1>
      %broadcast_in_dim3A_57 = vector.broadcast %add3A_1 : i32 to vector<16xi32>
      %select_n3A = arith.select %and3A, %sub3A_52, %broadcast_in_dim3A_57 : vector<16xi1>, vector<16xi32>
      %swap3A = arith.constant 0 : i32
      %swap3A_58 = arith.index_cast %swap3A : i32 to index
      %swap3A_59 = arith.constant 0 : index
      %swap3A_60 = tpu.vector_load %arg8[%swap3A_58, %swap3A_59] {strides = array<i32>} : memref<8x80xi32, #tpu.memory_space<vmem>>, vector<1x16xi32>,
      %swap3A_61 = vector.shape_cast %swap3A_60 : vector<1x16xi32> to vector<16xi32>
      %swap3A_62 = vector.shape_cast %select_n3A : vector<16xi32> to vector<1x16xi32>
      tpu.vector_store %arg8[%swap3A_58, %swap3A_59], %swap3A_62 {strides = array<i32>} : memref<8x80xi32, #tpu.memory_space<vmem>>, vector<1x16xi32>,
      %get3A_63 = arith.index_cast %mul3A_40 : i32 to index
      %get3A_64 = arith.constant 16 : index
      %get3A_65 = tpu.vector_load %arg7[%get3A_63, %get3A_64] {strides = array<i32>} : memref<250x80xi32, #tpu.memory_space<vmem>>, vector<1x16xi32>,
      %get3A_66 = vector.shape_cast %get3A_65 : vector<1x16xi32> to vector<16xi32>
      %sub3A_67 = vector.broadcast %mul3A_0 : i32 to vector<16xi32>
      %sub3A_68 = arith.subi %get3A_66, %sub3A_67 : vector<16xi32>
      %ge3A_69 = arith.constant 0 : i32
      %ge3A_70 = vector.broadcast %ge3A_69 : i32 to vector<16xi32>
      %ge3A_71 = arith.cmpi sge, %sub3A_68, %ge3A_70 : vector<16xi32>
      %lt3A_72 = arith.constant 5120 : i32
      %lt3A_73 = vector.broadcast %lt3A_72 : i32 to vector<16xi32>
      %lt3A_74 = arith.cmpi slt, %sub3A_68, %lt3A_73 : vector<16xi32>
      %and3A_75 = arith.andi %ge3A_71, %lt3A_74 : vector<16xi1>
      %broadcast_in_dim3A_76 = vector.broadcast %add3A_1 : i32 to vector<16xi32>
      %select_n3A_77 = arith.select %and3A_75, %sub3A_68, %broadcast_in_dim3A_76 : vector<16xi1>, vector<16xi32>
      %swap3A_78 = arith.constant 0 : i32
      %swap3A_79 = arith.index_cast %swap3A_78 : i32 to index
      %swap3A_80 = arith.constant 16 : index
      %swap3A_81 = tpu.vector_load %arg8[%swap3A_79, %swap3A_80] {strides = array<i32>} : memref<8x80xi32, #tpu.memory_space<vmem>>, vector<1x16xi32>,
      %swap3A_82 = vector.shape_cast %swap3A_81 : vector<1x16xi32> to vector<16xi32>
      %swap3A_83 = vector.shape_cast %select_n3A_77 : vector<16xi32> to vector<1x16xi32>
      tpu.vector_store %arg8[%swap3A_79, %swap3A_80], %swap3A_83 {strides = array<i32>} : memref<8x80xi32, #tpu.memory_space<vmem>>, vector<1x16xi32>,
      %get3A_84 = arith.index_cast %mul3A_40 : i32 to index
      %get3A_85 = arith.constant 32 : index
      %get3A_86 = tpu.vector_load %arg7[%get3A_84, %get3A_85] {strides = array<i32>} : memref<250x80xi32, #tpu.memory_space<vmem>>, vector<1x16xi32>,
      %get3A_87 = vector.shape_cast %get3A_86 : vector<1x16xi32> to vector<16xi32>
      %sub3A_88 = vector.broadcast %mul3A_0 : i32 to vector<16xi32>
      %sub3A_89 = arith.subi %get3A_87, %sub3A_88 : vector<16xi32>
      %ge3A_90 = arith.constant 0 : i32
      %ge3A_91 = vector.broadcast %ge3A_90 : i32 to vector<16xi32>
      %ge3A_92 = arith.cmpi sge, %sub3A_89, %ge3A_91 : vector<16xi32>
      %lt3A_93 = arith.constant 5120 : i32
      %lt3A_94 = vector.broadcast %lt3A_93 : i32 to vector<16xi32>
      %lt3A_95 = arith.cmpi slt, %sub3A_89, %lt3A_94 : vector<16xi32>
      %and3A_96 = arith.andi %ge3A_92, %lt3A_95 : vector<16xi1>
      %broadcast_in_dim3A_97 = vector.broadcast %add3A_1 : i32 to vector<16xi32>
      %select_n3A_98 = arith.select %and3A_96, %sub3A_89, %broadcast_in_dim3A_97 : vector<16xi1>, vector<16xi32>
      %swap3A_99 = arith.constant 0 : i32
      %swap3A_100 = arith.index_cast %swap3A_99 : i32 to index
      %swap3A_101 = arith.constant 32 : index
      %swap3A_102 = tpu.vector_load %arg8[%swap3A_100, %swap3A_101] {strides = array<i32>} : memref<8x80xi32, #tpu.memory_space<vmem>>, vector<1x16xi32>,
      %swap3A_103 = vector.shape_cast %swap3A_102 : vector<1x16xi32> to vector<16xi32>
      %swap3A_104 = vector.shape_cast %select_n3A_98 : vector<16xi32> to vector<1x16xi32>
      tpu.vector_store %arg8[%swap3A_100, %swap3A_101], %swap3A_104 {strides = array<i32>} : memref<8x80xi32, #tpu.memory_space<vmem>>, vector<1x16xi32>,
      %get3A_105 = arith.index_cast %mul3A_40 : i32 to index
      %get3A_106 = arith.constant 48 : index
      %get3A_107 = tpu.vector_load %arg7[%get3A_105, %get3A_106] {strides = array<i32>} : memref<250x80xi32, #tpu.memory_space<vmem>>, vector<1x16xi32>,
      %get3A_108 = vector.shape_cast %get3A_107 : vector<1x16xi32> to vector<16xi32>
      %sub3A_109 = vector.broadcast %mul3A_0 : i32 to vector<16xi32>
      %sub3A_110 = arith.subi %get3A_108, %sub3A_109 : vector<16xi32>
      %ge3A_111 = arith.constant 0 : i32
      %ge3A_112 = vector.broadcast %ge3A_111 : i32 to vector<16xi32>
      %ge3A_113 = arith.cmpi sge, %sub3A_110, %ge3A_112 : vector<16xi32>
      %lt3A_114 = arith.constant 5120 : i32
      %lt3A_115 = vector.broadcast %lt3A_114 : i32 to vector<16xi32>
      %lt3A_116 = arith.cmpi slt, %sub3A_110, %lt3A_115 : vector<16xi32>
      %and3A_117 = arith.andi %ge3A_113, %lt3A_116 : vector<16xi1>
      %broadcast_in_dim3A_118 = vector.broadcast %add3A_1 : i32 to vector<16xi32>
      %select_n3A_119 = arith.select %and3A_117, %sub3A_110, %broadcast_in_dim3A_118 : vector<16xi1>, vector<16xi32>
      %swap3A_120 = arith.constant 0 : i32
      %swap3A_121 = arith.index_cast %swap3A_120 : i32 to index
      %swap3A_122 = arith.constant 48 : index
      %swap3A_123 = tpu.vector_load %arg8[%swap3A_121, %swap3A_122] {strides = array<i32>} : memref<8x80xi32, #tpu.memory_space<vmem>>, vector<1x16xi32>,
      %swap3A_124 = vector.shape_cast %swap3A_123 : vector<1x16xi32> to vector<16xi32>
      %swap3A_125 = vector.shape_cast %select_n3A_119 : vector<16xi32> to vector<1x16xi32>
      tpu.vector_store %arg8[%swap3A_121, %swap3A_122], %swap3A_125 {strides = array<i32>} : memref<8x80xi32, #tpu.memory_space<vmem>>, vector<1x16xi32>,
      %get3A_126 = arith.index_cast %mul3A_40 : i32 to index
      %get3A_127 = arith.constant 64 : index
      %get3A_128 = tpu.vector_load %arg7[%get3A_126, %get3A_127] {strides = array<i32>} : memref<250x80xi32, #tpu.memory_space<vmem>>, vector<1x16xi32>,
      %get3A_129 = vector.shape_cast %get3A_128 : vector<1x16xi32> to vector<16xi32>
      %sub3A_130 = vector.broadcast %mul3A_0 : i32 to vector<16xi32>
      %sub3A_131 = arith.subi %get3A_129, %sub3A_130 : vector<16xi32>
      %ge3A_132 = arith.constant 0 : i32
      %ge3A_133 = vector.broadcast %ge3A_132 : i32 to vector<16xi32>
      %ge3A_134 = arith.cmpi sge, %sub3A_131, %ge3A_133 : vector<16xi32>
      %lt3A_135 = arith.constant 5120 : i32
      %lt3A_136 = vector.broadcast %lt3A_135 : i32 to vector<16xi32>
      %lt3A_137 = arith.cmpi slt, %sub3A_131, %lt3A_136 : vector<16xi32>
      %and3A_138 = arith.andi %ge3A_134, %lt3A_137 : vector<16xi1>
      %broadcast_in_dim3A_139 = vector.broadcast %add3A_1 : i32 to vector<16xi32>
      %select_n3A_140 = arith.select %and3A_138, %sub3A_131, %broadcast_in_dim3A_139 : vector<16xi1>, vector<16xi32>
      %swap3A_141 = arith.constant 0 : i32
      %swap3A_142 = arith.index_cast %swap3A_141 : i32 to index
      %swap3A_143 = arith.constant 64 : index
      %swap3A_144 = tpu.vector_load %arg8[%swap3A_142, %swap3A_143] {strides = array<i32>} : memref<8x80xi32, #tpu.memory_space<vmem>>, vector<1x16xi32>,
      %swap3A_145 = vector.shape_cast %swap3A_144 : vector<1x16xi32> to vector<16xi32>
      %swap3A_146 = vector.shape_cast %select_n3A_140 : vector<16xi32> to vector<1x16xi32>
      tpu.vector_store %arg8[%swap3A_142, %swap3A_143], %swap3A_146 {strides = array<i32>} : memref<8x80xi32, #tpu.memory_space<vmem>>, vector<1x16xi32>,
      %run_scoped3A = arith.constant 0 : i32
      "tpu.region"() ({
        %run_scoped3A_167 = tpu.sem_alloc : memref<!tpu.dma_semaphore, #tpu.memory_space<semaphore_mem>>
        %dma_start3A_168 = arith.constant 0 : i32
        %dma_start3A_169 = tpu.memref_slice %arg8[%run_scoped3A, %dma_start3A_168] : memref<8x80xi32, #tpu.memory_space<vmem>> -> memref<1x80xi32, #tpu.memory_space<vmem>>
        %dma_start3A_170 = tpu.memref_squeeze %dma_start3A_169 : memref<1x80xi32, #tpu.memory_space<vmem>> -> memref<80xi32, #tpu.memory_space<vmem>>
        %dma_start3A_171 = arith.constant 0 : i32
        %dma_start3A_172 = arith.constant 0 : i32
        %dma_start3A_173 = tpu.memref_slice %arg12[%dma_start3A_171, %dma_start3A_172] : memref<5136x128xf32, #tpu.memory_space<vmem_shared>> -> memref<5136x128xf32, #tpu.memory_space<vmem_shared>>
        tpu.enqueue_indirect_dma source(%arg9 : memref<80x128xf32, #tpu.memory_space<vmem>>) target(%dma_start3A_173 : memref<5136x128xf32, #tpu.memory_space<vmem_shared>>) offsets(%dma_start3A_170 : memref<80xi32, #tpu.memory_space<vmem>>) semaphore(%run_scoped3A_167 : memref<!tpu.dma_semaphore, #tpu.memory_space<semaphore_mem>>) {add = true}
        %dma_wait3A_174 = arith.constant 0 : i32
        %dma_wait3A_175 = tpu.memref_slice %arg8[%run_scoped3A, %dma_wait3A_174] : memref<8x80xi32, #tpu.memory_space<vmem>> -> memref<1x80xi32, #tpu.memory_space<vmem>>
        %dma_wait3A_176 = tpu.memref_squeeze %dma_wait3A_175 : memref<1x80xi32, #tpu.memory_space<vmem>> -> memref<80xi32, #tpu.memory_space<vmem>>
        %dma_wait3A_177 = arith.constant 0 : i32
        %dma_wait3A_178 = arith.constant 0 : i32
        %dma_wait3A_179 = tpu.memref_slice %arg12[%dma_wait3A_177, %dma_wait3A_178] : memref<5136x128xf32, #tpu.memory_space<vmem_shared>> -> memref<5136x128xf32, #tpu.memory_space<vmem_shared>>
        tpu.wait_indirect_dma semaphore(%run_scoped3A_167 : memref<!tpu.dma_semaphore, #tpu.memory_space<semaphore_mem>>) src(%arg9 : memref<80x128xf32, #tpu.memory_space<vmem>>) dst(%dma_wait3A_179 : memref<5136x128xf32, #tpu.memory_space<vmem_shared>>)
        tpu.yield
      }) : () -> ()
      %dma_wait3A_147 = arith.constant 0 : i32
      %dma_wait3A_148 = tpu.memref_slice %arg6[%add3A_42, %dma_wait3A_147] : memref<250x80xi32, #tpu.memory_space<vmem>> -> memref<1x80xi32, #tpu.memory_space<vmem>>
      %dma_wait3A_149 = tpu.memref_squeeze %dma_wait3A_148 : memref<1x80xi32, #tpu.memory_space<vmem>> -> memref<80xi32, #tpu.memory_space<vmem>>
      %dma_wait3A_150 = arith.constant 0 : i32
      %dma_wait3A_151 = arith.constant 0 : i32
      %dma_wait3A_152 = tpu.memref_slice %arg2[%dma_wait3A_150, %dma_wait3A_151] : memref<10240x128xf32, #tpu.memory_space<hbm>> -> memref<10240x128xf32, #tpu.memory_space<hbm>>
      tpu.wait_indirect_dma semaphore(%arg14 : memref<!tpu.dma_semaphore, #tpu.memory_space<semaphore_mem>>) src(%dma_wait3A_152 : memref<10240x128xf32, #tpu.memory_space<hbm>>) dst(%arg10 : memref<80x128xf32, #tpu.memory_space<vmem>>)
      %add3A_153 = arith.constant 2 : i32
      %add3A_154 = arith.addi %mul3A_40, %add3A_153 : i32
      %lt3A_155 = arith.constant 250 : i32
      %lt3A_156 = arith.cmpi slt, %add3A_154, %lt3A_155 : i32
      %convert_element_type3A_157 = arith.extui %lt3A_156 : i1 to i32
      %cond3A_158 = arith.constant 0 : i32
      %cond3A_159 = arith.cmpi ne, %convert_element_type3A_157, %cond3A_158 : i32
      scf.if %cond3A_159 {
        %add3A_167 = arith.constant 2 : i32
        %add3A_168 = arith.addi %mul3A_40, %add3A_167 : i32
        %dma_start3A_169 = arith.constant 0 : i32
        %dma_start3A_170 = tpu.memref_slice %arg6[%add3A_168, %dma_start3A_169] : memref<250x80xi32, #tpu.memory_space<vmem>> -> memref<1x80xi32, #tpu.memory_space<vmem>>
        %dma_start3A_171 = tpu.memref_squeeze %dma_start3A_170 : memref<1x80xi32, #tpu.memory_space<vmem>> -> memref<80xi32, #tpu.memory_space<vmem>>
        %dma_start3A_172 = arith.constant 0 : i32
        %dma_start3A_173 = arith.constant 0 : i32
        %dma_start3A_174 = tpu.memref_slice %arg2[%dma_start3A_172, %dma_start3A_173] : memref<10240x128xf32, #tpu.memory_space<hbm>> -> memref<10240x128xf32, #tpu.memory_space<hbm>>
        tpu.enqueue_indirect_dma source(%dma_start3A_174 : memref<10240x128xf32, #tpu.memory_space<hbm>>) target(%arg9 : memref<80x128xf32, #tpu.memory_space<vmem>>) offsets(%dma_start3A_171 : memref<80xi32, #tpu.memory_space<vmem>>) semaphore(%arg13 : memref<!tpu.dma_semaphore, #tpu.memory_space<semaphore_mem>>)
        %add3A_175 = arith.constant 1 : i32
        %add3A_176 = arith.addi %mul3A_40, %add3A_175 : i32
        %get3A_177 = arith.index_cast %add3A_176 : i32 to index
        %get3A_178 = arith.constant 0 : index
        %get3A_179 = tpu.vector_load %arg7[%get3A_177, %get3A_178] {strides = array<i32>} : memref<250x80xi32, #tpu.memory_space<vmem>>, vector<1x16xi32>,
        %get3A_180 = vector.shape_cast %get3A_179 : vector<1x16xi32> to vector<16xi32>
        %sub3A_181 = vector.broadcast %mul3A_0 : i32 to vector<16xi32>
        %sub3A_182 = arith.subi %get3A_180, %sub3A_181 : vector<16xi32>
        %ge3A_183 = arith.constant 0 : i32
        %ge3A_184 = vector.broadcast %ge3A_183 : i32 to vector<16xi32>
        %ge3A_185 = arith.cmpi sge, %sub3A_182, %ge3A_184 : vector<16xi32>
        %lt3A_186 = arith.constant 5120 : i32
        %lt3A_187 = vector.broadcast %lt3A_186 : i32 to vector<16xi32>
        %lt3A_188 = arith.cmpi slt, %sub3A_182, %lt3A_187 : vector<16xi32>
        %and3A_189 = arith.andi %ge3A_185, %lt3A_188 : vector<16xi1>
        %broadcast_in_dim3A_190 = vector.broadcast %add3A_1 : i32 to vector<16xi32>
        %select_n3A_191 = arith.select %and3A_189, %sub3A_182, %broadcast_in_dim3A_190 : vector<16xi1>, vector<16xi32>
        %swap3A_192 = arith.constant 0 : i32
        %swap3A_193 = arith.index_cast %swap3A_192 : i32 to index
        %swap3A_194 = arith.constant 0 : index
        %swap3A_195 = tpu.vector_load %arg8[%swap3A_193, %swap3A_194] {strides = array<i32>} : memref<8x80xi32, #tpu.memory_space<vmem>>, vector<1x16xi32>,
        %swap3A_196 = vector.shape_cast %swap3A_195 : vector<1x16xi32> to vector<16xi32>
        %swap3A_197 = vector.shape_cast %select_n3A_191 : vector<16xi32> to vector<1x16xi32>
        tpu.vector_store %arg8[%swap3A_193, %swap3A_194], %swap3A_197 {strides = array<i32>} : memref<8x80xi32, #tpu.memory_space<vmem>>, vector<1x16xi32>,
        %get3A_198 = arith.index_cast %add3A_176 : i32 to index
        %get3A_199 = arith.constant 16 : index
        %get3A_200 = tpu.vector_load %arg7[%get3A_198, %get3A_199] {strides = array<i32>} : memref<250x80xi32, #tpu.memory_space<vmem>>, vector<1x16xi32>,
        %get3A_201 = vector.shape_cast %get3A_200 : vector<1x16xi32> to vector<16xi32>
        %sub3A_202 = vector.broadcast %mul3A_0 : i32 to vector<16xi32>
        %sub3A_203 = arith.subi %get3A_201, %sub3A_202 : vector<16xi32>
        %ge3A_204 = arith.constant 0 : i32
        %ge3A_205 = vector.broadcast %ge3A_204 : i32 to vector<16xi32>
        %ge3A_206 = arith.cmpi sge, %sub3A_203, %ge3A_205 : vector<16xi32>
        %lt3A_207 = arith.constant 5120 : i32
        %lt3A_208 = vector.broadcast %lt3A_207 : i32 to vector<16xi32>
        %lt3A_209 = arith.cmpi slt, %sub3A_203, %lt3A_208 : vector<16xi32>
        %and3A_210 = arith.andi %ge3A_206, %lt3A_209 : vector<16xi1>
        %broadcast_in_dim3A_211 = vector.broadcast %add3A_1 : i32 to vector<16xi32>
        %select_n3A_212 = arith.select %and3A_210, %sub3A_203, %broadcast_in_dim3A_211 : vector<16xi1>, vector<16xi32>
        %swap3A_213 = arith.constant 0 : i32
        %swap3A_214 = arith.index_cast %swap3A_213 : i32 to index
        %swap3A_215 = arith.constant 16 : index
        %swap3A_216 = tpu.vector_load %arg8[%swap3A_214, %swap3A_215] {strides = array<i32>} : memref<8x80xi32, #tpu.memory_space<vmem>>, vector<1x16xi32>,
        %swap3A_217 = vector.shape_cast %swap3A_216 : vector<1x16xi32> to vector<16xi32>
        %swap3A_218 = vector.shape_cast %select_n3A_212 : vector<16xi32> to vector<1x16xi32>
        tpu.vector_store %arg8[%swap3A_214, %swap3A_215], %swap3A_218 {strides = array<i32>} : memref<8x80xi32, #tpu.memory_space<vmem>>, vector<1x16xi32>,
        %get3A_219 = arith.index_cast %add3A_176 : i32 to index
        %get3A_220 = arith.constant 32 : index
        %get3A_221 = tpu.vector_load %arg7[%get3A_219, %get3A_220] {strides = array<i32>} : memref<250x80xi32, #tpu.memory_space<vmem>>, vector<1x16xi32>,
        %get3A_222 = vector.shape_cast %get3A_221 : vector<1x16xi32> to vector<16xi32>
        %sub3A_223 = vector.broadcast %mul3A_0 : i32 to vector<16xi32>
        %sub3A_224 = arith.subi %get3A_222, %sub3A_223 : vector<16xi32>
        %ge3A_225 = arith.constant 0 : i32
        %ge3A_226 = vector.broadcast %ge3A_225 : i32 to vector<16xi32>
        %ge3A_227 = arith.cmpi sge, %sub3A_224, %ge3A_226 : vector<16xi32>
        %lt3A_228 = arith.constant 5120 : i32
        %lt3A_229 = vector.broadcast %lt3A_228 : i32 to vector<16xi32>
        %lt3A_230 = arith.cmpi slt, %sub3A_224, %lt3A_229 : vector<16xi32>
        %and3A_231 = arith.andi %ge3A_227, %lt3A_230 : vector<16xi1>
        %broadcast_in_dim3A_232 = vector.broadcast %add3A_1 : i32 to vector<16xi32>
        %select_n3A_233 = arith.select %and3A_231, %sub3A_224, %broadcast_in_dim3A_232 : vector<16xi1>, vector<16xi32>
        %swap3A_234 = arith.constant 0 : i32
        %swap3A_235 = arith.index_cast %swap3A_234 : i32 to index
        %swap3A_236 = arith.constant 32 : index
        %swap3A_237 = tpu.vector_load %arg8[%swap3A_235, %swap3A_236] {strides = array<i32>} : memref<8x80xi32, #tpu.memory_space<vmem>>, vector<1x16xi32>,
        %swap3A_238 = vector.shape_cast %swap3A_237 : vector<1x16xi32> to vector<16xi32>
        %swap3A_239 = vector.shape_cast %select_n3A_233 : vector<16xi32> to vector<1x16xi32>
        tpu.vector_store %arg8[%swap3A_235, %swap3A_236], %swap3A_239 {strides = array<i32>} : memref<8x80xi32, #tpu.memory_space<vmem>>, vector<1x16xi32>,
        %get3A_240 = arith.index_cast %add3A_176 : i32 to index
        %get3A_241 = arith.constant 48 : index
        %get3A_242 = tpu.vector_load %arg7[%get3A_240, %get3A_241] {strides = array<i32>} : memref<250x80xi32, #tpu.memory_space<vmem>>, vector<1x16xi32>,
        %get3A_243 = vector.shape_cast %get3A_242 : vector<1x16xi32> to vector<16xi32>
        %sub3A_244 = vector.broadcast %mul3A_0 : i32 to vector<16xi32>
        %sub3A_245 = arith.subi %get3A_243, %sub3A_244 : vector<16xi32>
        %ge3A_246 = arith.constant 0 : i32
        %ge3A_247 = vector.broadcast %ge3A_246 : i32 to vector<16xi32>
        %ge3A_248 = arith.cmpi sge, %sub3A_245, %ge3A_247 : vector<16xi32>
        %lt3A_249 = arith.constant 5120 : i32
        %lt3A_250 = vector.broadcast %lt3A_249 : i32 to vector<16xi32>
        %lt3A_251 = arith.cmpi slt, %sub3A_245, %lt3A_250 : vector<16xi32>
        %and3A_252 = arith.andi %ge3A_248, %lt3A_251 : vector<16xi1>
        %broadcast_in_dim3A_253 = vector.broadcast %add3A_1 : i32 to vector<16xi32>
        %select_n3A_254 = arith.select %and3A_252, %sub3A_245, %broadcast_in_dim3A_253 : vector<16xi1>, vector<16xi32>
        %swap3A_255 = arith.constant 0 : i32
        %swap3A_256 = arith.index_cast %swap3A_255 : i32 to index
        %swap3A_257 = arith.constant 48 : index
        %swap3A_258 = tpu.vector_load %arg8[%swap3A_256, %swap3A_257] {strides = array<i32>} : memref<8x80xi32, #tpu.memory_space<vmem>>, vector<1x16xi32>,
        %swap3A_259 = vector.shape_cast %swap3A_258 : vector<1x16xi32> to vector<16xi32>
        %swap3A_260 = vector.shape_cast %select_n3A_254 : vector<16xi32> to vector<1x16xi32>
        tpu.vector_store %arg8[%swap3A_256, %swap3A_257], %swap3A_260 {strides = array<i32>} : memref<8x80xi32, #tpu.memory_space<vmem>>, vector<1x16xi32>,
        %get3A_261 = arith.index_cast %add3A_176 : i32 to index
        %get3A_262 = arith.constant 64 : index
        %get3A_263 = tpu.vector_load %arg7[%get3A_261, %get3A_262] {strides = array<i32>} : memref<250x80xi32, #tpu.memory_space<vmem>>, vector<1x16xi32>,
        %get3A_264 = vector.shape_cast %get3A_263 : vector<1x16xi32> to vector<16xi32>
        %sub3A_265 = vector.broadcast %mul3A_0 : i32 to vector<16xi32>
        %sub3A_266 = arith.subi %get3A_264, %sub3A_265 : vector<16xi32>
        %ge3A_267 = arith.constant 0 : i32
        %ge3A_268 = vector.broadcast %ge3A_267 : i32 to vector<16xi32>
        %ge3A_269 = arith.cmpi sge, %sub3A_266, %ge3A_268 : vector<16xi32>
        %lt3A_270 = arith.constant 5120 : i32
        %lt3A_271 = vector.broadcast %lt3A_270 : i32 to vector<16xi32>
        %lt3A_272 = arith.cmpi slt, %sub3A_266, %lt3A_271 : vector<16xi32>
        %and3A_273 = arith.andi %ge3A_269, %lt3A_272 : vector<16xi1>
        %broadcast_in_dim3A_274 = vector.broadcast %add3A_1 : i32 to vector<16xi32>
        %select_n3A_275 = arith.select %and3A_273, %sub3A_266, %broadcast_in_dim3A_274 : vector<16xi1>, vector<16xi32>
        %swap3A_276 = arith.constant 0 : i32
        %swap3A_277 = arith.index_cast %swap3A_276 : i32 to index
        %swap3A_278 = arith.constant 64 : index
        %swap3A_279 = tpu.vector_load %arg8[%swap3A_277, %swap3A_278] {strides = array<i32>} : memref<8x80xi32, #tpu.memory_space<vmem>>, vector<1x16xi32>,
        %swap3A_280 = vector.shape_cast %swap3A_279 : vector<1x16xi32> to vector<16xi32>
        %swap3A_281 = vector.shape_cast %select_n3A_275 : vector<16xi32> to vector<1x16xi32>
        tpu.vector_store %arg8[%swap3A_277, %swap3A_278], %swap3A_281 {strides = array<i32>} : memref<8x80xi32, #tpu.memory_space<vmem>>, vector<1x16xi32>,
        %run_scoped3A_282 = arith.constant 0 : i32
        "tpu.region"() ({
          %run_scoped3A_289 = tpu.sem_alloc : memref<!tpu.dma_semaphore, #tpu.memory_space<semaphore_mem>>
          %dma_start3A_290 = arith.constant 0 : i32
          %dma_start3A_291 = tpu.memref_slice %arg8[%run_scoped3A_282, %dma_start3A_290] : memref<8x80xi32, #tpu.memory_space<vmem>> -> memref<1x80xi32, #tpu.memory_space<vmem>>
          %dma_start3A_292 = tpu.memref_squeeze %dma_start3A_291 : memref<1x80xi32, #tpu.memory_space<vmem>> -> memref<80xi32, #tpu.memory_space<vmem>>
          %dma_start3A_293 = arith.constant 0 : i32
          %dma_start3A_294 = arith.constant 0 : i32
          %dma_start3A_295 = tpu.memref_slice %arg12[%dma_start3A_293, %dma_start3A_294] : memref<5136x128xf32, #tpu.memory_space<vmem_shared>> -> memref<5136x128xf32, #tpu.memory_space<vmem_shared>>
          tpu.enqueue_indirect_dma source(%arg10 : memref<80x128xf32, #tpu.memory_space<vmem>>) target(%dma_start3A_295 : memref<5136x128xf32, #tpu.memory_space<vmem_shared>>) offsets(%dma_start3A_292 : memref<80xi32, #tpu.memory_space<vmem>>) semaphore(%run_scoped3A_289 : memref<!tpu.dma_semaphore, #tpu.memory_space<semaphore_mem>>) {add = true}
          %dma_wait3A_296 = arith.constant 0 : i32
          %dma_wait3A_297 = tpu.memref_slice %arg8[%run_scoped3A_282, %dma_wait3A_296] : memref<8x80xi32, #tpu.memory_space<vmem>> -> memref<1x80xi32, #tpu.memory_space<vmem>>
          %dma_wait3A_298 = tpu.memref_squeeze %dma_wait3A_297 : memref<1x80xi32, #tpu.memory_space<vmem>> -> memref<80xi32, #tpu.memory_space<vmem>>
          %dma_wait3A_299 = arith.constant 0 : i32
          %dma_wait3A_300 = arith.constant 0 : i32
          %dma_wait3A_301 = tpu.memref_slice %arg12[%dma_wait3A_299, %dma_wait3A_300] : memref<5136x128xf32, #tpu.memory_space<vmem_shared>> -> memref<5136x128xf32, #tpu.memory_space<vmem_shared>>
          tpu.wait_indirect_dma semaphore(%run_scoped3A_289 : memref<!tpu.dma_semaphore, #tpu.memory_space<semaphore_mem>>) src(%arg10 : memref<80x128xf32, #tpu.memory_space<vmem>>) dst(%dma_wait3A_301 : memref<5136x128xf32, #tpu.memory_space<vmem_shared>>)
          tpu.yield
        }) : () -> ()
        %dma_wait3A_283 = arith.constant 0 : i32
        %dma_wait3A_284 = tpu.memref_slice %arg6[%add3A_168, %dma_wait3A_283] : memref<250x80xi32, #tpu.memory_space<vmem>> -> memref<1x80xi32, #tpu.memory_space<vmem>>
        %dma_wait3A_285 = tpu.memref_squeeze %dma_wait3A_284 : memref<1x80xi32, #tpu.memory_space<vmem>> -> memref<80xi32, #tpu.memory_space<vmem>>
        %dma_wait3A_286 = arith.constant 0 : i32
        %dma_wait3A_287 = arith.constant 0 : i32
        %dma_wait3A_288 = tpu.memref_slice %arg2[%dma_wait3A_286, %dma_wait3A_287] : memref<10240x128xf32, #tpu.memory_space<hbm>> -> memref<10240x128xf32, #tpu.memory_space<hbm>>
        tpu.wait_indirect_dma semaphore(%arg13 : memref<!tpu.dma_semaphore, #tpu.memory_space<semaphore_mem>>) src(%dma_wait3A_288 : memref<10240x128xf32, #tpu.memory_space<hbm>>) dst(%arg9 : memref<80x128xf32, #tpu.memory_space<vmem>>)
      } else {
      }
      %add3A_160 = arith.constant 2 : i32
      %add3A_161 = arith.addi %mul3A_40, %add3A_160 : i32
      %ge3A_162 = arith.constant 250 : i32
      %ge3A_163 = arith.cmpi sge, %add3A_161, %ge3A_162 : i32
      %convert_element_type3A_164 = arith.extui %ge3A_163 : i1 to i32
      %cond3A_165 = arith.constant 0 : i32
      %cond3A_166 = arith.cmpi ne, %convert_element_type3A_164, %cond3A_165 : i32
      scf.if %cond3A_166 {
        %add3A_167 = arith.constant 1 : i32
        %add3A_168 = arith.addi %mul3A_40, %add3A_167 : i32
        %get3A_169 = arith.index_cast %add3A_168 : i32 to index
        %get3A_170 = arith.constant 0 : index
        %get3A_171 = tpu.vector_load %arg7[%get3A_169, %get3A_170] {strides = array<i32>} : memref<250x80xi32, #tpu.memory_space<vmem>>, vector<1x16xi32>,
        %get3A_172 = vector.shape_cast %get3A_171 : vector<1x16xi32> to vector<16xi32>
        %sub3A_173 = vector.broadcast %mul3A_0 : i32 to vector<16xi32>
        %sub3A_174 = arith.subi %get3A_172, %sub3A_173 : vector<16xi32>
        %ge3A_175 = arith.constant 0 : i32
        %ge3A_176 = vector.broadcast %ge3A_175 : i32 to vector<16xi32>
        %ge3A_177 = arith.cmpi sge, %sub3A_174, %ge3A_176 : vector<16xi32>
        %lt3A_178 = arith.constant 5120 : i32
        %lt3A_179 = vector.broadcast %lt3A_178 : i32 to vector<16xi32>
        %lt3A_180 = arith.cmpi slt, %sub3A_174, %lt3A_179 : vector<16xi32>
        %and3A_181 = arith.andi %ge3A_177, %lt3A_180 : vector<16xi1>
        %broadcast_in_dim3A_182 = vector.broadcast %add3A_1 : i32 to vector<16xi32>
        %select_n3A_183 = arith.select %and3A_181, %sub3A_174, %broadcast_in_dim3A_182 : vector<16xi1>, vector<16xi32>
        %swap3A_184 = arith.constant 0 : i32
        %swap3A_185 = arith.index_cast %swap3A_184 : i32 to index
        %swap3A_186 = arith.constant 0 : index
        %swap3A_187 = tpu.vector_load %arg8[%swap3A_185, %swap3A_186] {strides = array<i32>} : memref<8x80xi32, #tpu.memory_space<vmem>>, vector<1x16xi32>,
        %swap3A_188 = vector.shape_cast %swap3A_187 : vector<1x16xi32> to vector<16xi32>
        %swap3A_189 = vector.shape_cast %select_n3A_183 : vector<16xi32> to vector<1x16xi32>
        tpu.vector_store %arg8[%swap3A_185, %swap3A_186], %swap3A_189 {strides = array<i32>} : memref<8x80xi32, #tpu.memory_space<vmem>>, vector<1x16xi32>,
        %get3A_190 = arith.index_cast %add3A_168 : i32 to index
        %get3A_191 = arith.constant 16 : index
        %get3A_192 = tpu.vector_load %arg7[%get3A_190, %get3A_191] {strides = array<i32>} : memref<250x80xi32, #tpu.memory_space<vmem>>, vector<1x16xi32>,
        %get3A_193 = vector.shape_cast %get3A_192 : vector<1x16xi32> to vector<16xi32>
        %sub3A_194 = vector.broadcast %mul3A_0 : i32 to vector<16xi32>
        %sub3A_195 = arith.subi %get3A_193, %sub3A_194 : vector<16xi32>
        %ge3A_196 = arith.constant 0 : i32
        %ge3A_197 = vector.broadcast %ge3A_196 : i32 to vector<16xi32>
        %ge3A_198 = arith.cmpi sge, %sub3A_195, %ge3A_197 : vector<16xi32>
        %lt3A_199 = arith.constant 5120 : i32
        %lt3A_200 = vector.broadcast %lt3A_199 : i32 to vector<16xi32>
        %lt3A_201 = arith.cmpi slt, %sub3A_195, %lt3A_200 : vector<16xi32>
        %and3A_202 = arith.andi %ge3A_198, %lt3A_201 : vector<16xi1>
        %broadcast_in_dim3A_203 = vector.broadcast %add3A_1 : i32 to vector<16xi32>
        %select_n3A_204 = arith.select %and3A_202, %sub3A_195, %broadcast_in_dim3A_203 : vector<16xi1>, vector<16xi32>
        %swap3A_205 = arith.constant 0 : i32
        %swap3A_206 = arith.index_cast %swap3A_205 : i32 to index
        %swap3A_207 = arith.constant 16 : index
        %swap3A_208 = tpu.vector_load %arg8[%swap3A_206, %swap3A_207] {strides = array<i32>} : memref<8x80xi32, #tpu.memory_space<vmem>>, vector<1x16xi32>,
        %swap3A_209 = vector.shape_cast %swap3A_208 : vector<1x16xi32> to vector<16xi32>
        %swap3A_210 = vector.shape_cast %select_n3A_204 : vector<16xi32> to vector<1x16xi32>
        tpu.vector_store %arg8[%swap3A_206, %swap3A_207], %swap3A_210 {strides = array<i32>} : memref<8x80xi32, #tpu.memory_space<vmem>>, vector<1x16xi32>,
        %get3A_211 = arith.index_cast %add3A_168 : i32 to index
        %get3A_212 = arith.constant 32 : index
        %get3A_213 = tpu.vector_load %arg7[%get3A_211, %get3A_212] {strides = array<i32>} : memref<250x80xi32, #tpu.memory_space<vmem>>, vector<1x16xi32>,
        %get3A_214 = vector.shape_cast %get3A_213 : vector<1x16xi32> to vector<16xi32>
        %sub3A_215 = vector.broadcast %mul3A_0 : i32 to vector<16xi32>
        %sub3A_216 = arith.subi %get3A_214, %sub3A_215 : vector<16xi32>
        %ge3A_217 = arith.constant 0 : i32
        %ge3A_218 = vector.broadcast %ge3A_217 : i32 to vector<16xi32>
        %ge3A_219 = arith.cmpi sge, %sub3A_216, %ge3A_218 : vector<16xi32>
        %lt3A_220 = arith.constant 5120 : i32
        %lt3A_221 = vector.broadcast %lt3A_220 : i32 to vector<16xi32>
        %lt3A_222 = arith.cmpi slt, %sub3A_216, %lt3A_221 : vector<16xi32>
        %and3A_223 = arith.andi %ge3A_219, %lt3A_222 : vector<16xi1>
        %broadcast_in_dim3A_224 = vector.broadcast %add3A_1 : i32 to vector<16xi32>
        %select_n3A_225 = arith.select %and3A_223, %sub3A_216, %broadcast_in_dim3A_224 : vector<16xi1>, vector<16xi32>
        %swap3A_226 = arith.constant 0 : i32
        %swap3A_227 = arith.index_cast %swap3A_226 : i32 to index
        %swap3A_228 = arith.constant 32 : index
        %swap3A_229 = tpu.vector_load %arg8[%swap3A_227, %swap3A_228] {strides = array<i32>} : memref<8x80xi32, #tpu.memory_space<vmem>>, vector<1x16xi32>,
        %swap3A_230 = vector.shape_cast %swap3A_229 : vector<1x16xi32> to vector<16xi32>
        %swap3A_231 = vector.shape_cast %select_n3A_225 : vector<16xi32> to vector<1x16xi32>
        tpu.vector_store %arg8[%swap3A_227, %swap3A_228], %swap3A_231 {strides = array<i32>} : memref<8x80xi32, #tpu.memory_space<vmem>>, vector<1x16xi32>,
        %get3A_232 = arith.index_cast %add3A_168 : i32 to index
        %get3A_233 = arith.constant 48 : index
        %get3A_234 = tpu.vector_load %arg7[%get3A_232, %get3A_233] {strides = array<i32>} : memref<250x80xi32, #tpu.memory_space<vmem>>, vector<1x16xi32>,
        %get3A_235 = vector.shape_cast %get3A_234 : vector<1x16xi32> to vector<16xi32>
        %sub3A_236 = vector.broadcast %mul3A_0 : i32 to vector<16xi32>
        %sub3A_237 = arith.subi %get3A_235, %sub3A_236 : vector<16xi32>
        %ge3A_238 = arith.constant 0 : i32
        %ge3A_239 = vector.broadcast %ge3A_238 : i32 to vector<16xi32>
        %ge3A_240 = arith.cmpi sge, %sub3A_237, %ge3A_239 : vector<16xi32>
        %lt3A_241 = arith.constant 5120 : i32
        %lt3A_242 = vector.broadcast %lt3A_241 : i32 to vector<16xi32>
        %lt3A_243 = arith.cmpi slt, %sub3A_237, %lt3A_242 : vector<16xi32>
        %and3A_244 = arith.andi %ge3A_240, %lt3A_243 : vector<16xi1>
        %broadcast_in_dim3A_245 = vector.broadcast %add3A_1 : i32 to vector<16xi32>
        %select_n3A_246 = arith.select %and3A_244, %sub3A_237, %broadcast_in_dim3A_245 : vector<16xi1>, vector<16xi32>
        %swap3A_247 = arith.constant 0 : i32
        %swap3A_248 = arith.index_cast %swap3A_247 : i32 to index
        %swap3A_249 = arith.constant 48 : index
        %swap3A_250 = tpu.vector_load %arg8[%swap3A_248, %swap3A_249] {strides = array<i32>} : memref<8x80xi32, #tpu.memory_space<vmem>>, vector<1x16xi32>,
        %swap3A_251 = vector.shape_cast %swap3A_250 : vector<1x16xi32> to vector<16xi32>
        %swap3A_252 = vector.shape_cast %select_n3A_246 : vector<16xi32> to vector<1x16xi32>
        tpu.vector_store %arg8[%swap3A_248, %swap3A_249], %swap3A_252 {strides = array<i32>} : memref<8x80xi32, #tpu.memory_space<vmem>>, vector<1x16xi32>,
        %get3A_253 = arith.index_cast %add3A_168 : i32 to index
        %get3A_254 = arith.constant 64 : index
        %get3A_255 = tpu.vector_load %arg7[%get3A_253, %get3A_254] {strides = array<i32>} : memref<250x80xi32, #tpu.memory_space<vmem>>, vector<1x16xi32>,
        %get3A_256 = vector.shape_cast %get3A_255 : vector<1x16xi32> to vector<16xi32>
        %sub3A_257 = vector.broadcast %mul3A_0 : i32 to vector<16xi32>
        %sub3A_258 = arith.subi %get3A_256, %sub3A_257 : vector<16xi32>
        %ge3A_259 = arith.constant 0 : i32
        %ge3A_260 = vector.broadcast %ge3A_259 : i32 to vector<16xi32>
        %ge3A_261 = arith.cmpi sge, %sub3A_258, %ge3A_260 : vector<16xi32>
        %lt3A_262 = arith.constant 5120 : i32
        %lt3A_263 = vector.broadcast %lt3A_262 : i32 to vector<16xi32>
        %lt3A_264 = arith.cmpi slt, %sub3A_258, %lt3A_263 : vector<16xi32>
        %and3A_265 = arith.andi %ge3A_261, %lt3A_264 : vector<16xi1>
        %broadcast_in_dim3A_266 = vector.broadcast %add3A_1 : i32 to vector<16xi32>
        %select_n3A_267 = arith.select %and3A_265, %sub3A_258, %broadcast_in_dim3A_266 : vector<16xi1>, vector<16xi32>
        %swap3A_268 = arith.constant 0 : i32
        %swap3A_269 = arith.index_cast %swap3A_268 : i32 to index
        %swap3A_270 = arith.constant 64 : index
        %swap3A_271 = tpu.vector_load %arg8[%swap3A_269, %swap3A_270] {strides = array<i32>} : memref<8x80xi32, #tpu.memory_space<vmem>>, vector<1x16xi32>,
        %swap3A_272 = vector.shape_cast %swap3A_271 : vector<1x16xi32> to vector<16xi32>
        %swap3A_273 = vector.shape_cast %select_n3A_267 : vector<16xi32> to vector<1x16xi32>
        tpu.vector_store %arg8[%swap3A_269, %swap3A_270], %swap3A_273 {strides = array<i32>} : memref<8x80xi32, #tpu.memory_space<vmem>>, vector<1x16xi32>,
        %run_scoped3A_274 = arith.constant 0 : i32
        "tpu.region"() ({
          %run_scoped3A_275 = tpu.sem_alloc : memref<!tpu.dma_semaphore, #tpu.memory_space<semaphore_mem>>
          %dma_start3A_276 = arith.constant 0 : i32
          %dma_start3A_277 = tpu.memref_slice %arg8[%run_scoped3A_274, %dma_start3A_276] : memref<8x80xi32, #tpu.memory_space<vmem>> -> memref<1x80xi32, #tpu.memory_space<vmem>>
          %dma_start3A_278 = tpu.memref_squeeze %dma_start3A_277 : memref<1x80xi32, #tpu.memory_space<vmem>> -> memref<80xi32, #tpu.memory_space<vmem>>
          %dma_start3A_279 = arith.constant 0 : i32
          %dma_start3A_280 = arith.constant 0 : i32
          %dma_start3A_281 = tpu.memref_slice %arg12[%dma_start3A_279, %dma_start3A_280] : memref<5136x128xf32, #tpu.memory_space<vmem_shared>> -> memref<5136x128xf32, #tpu.memory_space<vmem_shared>>
          tpu.enqueue_indirect_dma source(%arg10 : memref<80x128xf32, #tpu.memory_space<vmem>>) target(%dma_start3A_281 : memref<5136x128xf32, #tpu.memory_space<vmem_shared>>) offsets(%dma_start3A_278 : memref<80xi32, #tpu.memory_space<vmem>>) semaphore(%run_scoped3A_275 : memref<!tpu.dma_semaphore, #tpu.memory_space<semaphore_mem>>) {add = true}
          %dma_wait3A_282 = arith.constant 0 : i32
          %dma_wait3A_283 = tpu.memref_slice %arg8[%run_scoped3A_274, %dma_wait3A_282] : memref<8x80xi32, #tpu.memory_space<vmem>> -> memref<1x80xi32, #tpu.memory_space<vmem>>
          %dma_wait3A_284 = tpu.memref_squeeze %dma_wait3A_283 : memref<1x80xi32, #tpu.memory_space<vmem>> -> memref<80xi32, #tpu.memory_space<vmem>>
          %dma_wait3A_285 = arith.constant 0 : i32
          %dma_wait3A_286 = arith.constant 0 : i32
          %dma_wait3A_287 = tpu.memref_slice %arg12[%dma_wait3A_285, %dma_wait3A_286] : memref<5136x128xf32, #tpu.memory_space<vmem_shared>> -> memref<5136x128xf32, #tpu.memory_space<vmem_shared>>
          tpu.wait_indirect_dma semaphore(%run_scoped3A_275 : memref<!tpu.dma_semaphore, #tpu.memory_space<semaphore_mem>>) src(%arg10 : memref<80x128xf32, #tpu.memory_space<vmem>>) dst(%dma_wait3A_287 : memref<5136x128xf32, #tpu.memory_space<vmem_shared>>)
          tpu.yield
        }) : () -> ()
      } else {
      }
    }
    %scan3A_33 = arith.constant 125 : i32
    %barrier3A_34 = arith.constant 0 : index
    tpu.barrier barrier_id(%barrier3A_34)
    %mul3A_35 = arith.constant 320 : i32
    %mul3A_36 = arith.muli %arg1, %mul3A_35 : i32
    %add3A_37 = arith.addi %mul3A_0, %mul3A_36 : i32
    "tpu.region"() ({
      %run_scoped3A = tpu.sem_alloc : memref<!tpu.dma_semaphore, #tpu.memory_space<semaphore_mem>>
      %dma_start3A_38 = arith.constant 0 : i32
      %dma_start3A_39 = tpu.memref_slice %arg5[%add3A_37, %dma_start3A_38] : memref<10240x128xf32, #tpu.memory_space<hbm>> -> memref<320x128xf32, #tpu.memory_space<hbm>>
      %dma_start3A_40 = arith.constant 0 : i32
      %dma_start3A_41 = tpu.memref_slice %arg12[%mul3A_36, %dma_start3A_40] : memref<5136x128xf32, #tpu.memory_space<vmem_shared>> -> memref<320x128xf32, #tpu.memory_space<vmem_shared>>
      tpu.enqueue_dma source(%dma_start3A_41 : memref<320x128xf32, #tpu.memory_space<vmem_shared>>) target(%dma_start3A_39 : memref<320x128xf32, #tpu.memory_space<hbm>>) target_semaphore(%run_scoped3A : memref<!tpu.dma_semaphore, #tpu.memory_space<semaphore_mem>>)
      %dma_wait3A_42 = arith.constant 0 : i32
      %dma_wait3A_43 = tpu.memref_slice %arg5[%add3A_37, %dma_wait3A_42] : memref<10240x128xf32, #tpu.memory_space<hbm>> -> memref<320x128xf32, #tpu.memory_space<hbm>>
      %dma_wait3A_44 = arith.constant 0 : i32
      %dma_wait3A_45 = tpu.memref_slice %arg12[%mul3A_36, %dma_wait3A_44] : memref<5136x128xf32, #tpu.memory_space<vmem_shared>> -> memref<320x128xf32, #tpu.memory_space<vmem_shared>>
      tpu.wait_dma2 semaphore(%run_scoped3A : memref<!tpu.dma_semaphore, #tpu.memory_space<semaphore_mem>>) src(%dma_wait3A_45 : memref<320x128xf32, #tpu.memory_space<vmem_shared>>) dst(%dma_wait3A_43 : memref<320x128xf32, #tpu.memory_space<hbm>>)
      tpu.yield
    }) : () -> ()
    return
  }
}

#map = affine_map<(d0, d1) -> (0, 0, 0)>
module attributes {stable_mosaic.version = 14 : i64} {
  func.func @_deg_kernel(%arg0: i32, %arg1: i32, %arg2: memref<32x125x80xi32, #tpu.memory_space<hbm>>, %arg3: memref<2x10240x16xf32, #tpu.memory_space<hbm>>, %arg4: memref<125x80xi32, #tpu.memory_space<vmem>>, %arg5: memref<80x16xf32, #tpu.memory_space<vmem>>, %arg6: memref<128x16xf32, #tpu.memory_space<vmem>>, %arg7: memref<10240x16xf32, #tpu.memory_space<vmem_shared>>, %arg8: memref<!tpu.dma_semaphore, #tpu.memory_space<semaphore_mem>>) attributes {dimension_semantics = [#tpu.dimension_semantics<core_parallel>, #tpu.dimension_semantics<subcore_parallel>], iteration_bounds = array<i64: 2, 16>, scalar_prefetch = 0 : i64, scratch_operands = 5 : i64, tpu.core_type = #tpu.core_type<sc_vector_subcore>, window_params = [{transform_indices = #map}, {transform_indices = #map}]} {
    %mul3A = arith.constant 16 : i32
    %mul3A_0 = arith.muli %arg0, %mul3A : i32
    %add3A = arith.addi %mul3A_0, %arg1 : i32
    %broadcast_in_dim3A = arith.constant 0.000000e+00 : f32
    %broadcast_in_dim3A_1 = vector.broadcast %broadcast_in_dim3A : f32 to vector<16xf32>
    %scan3A = arith.constant 0 : i32
    %scan3A_2 = arith.constant 0 : i32
    %scan3A_3 = arith.constant 128 : i32
    %scan3A_4 = arith.addi %scan3A_2, %scan3A_3 : i32
    %scan3A_5 = arith.constant 1 : i32
    scf.for %scan3A_36 = %scan3A_2 to %scan3A_4 step %scan3A_5  : i32 {
      %jit3A = arith.constant 1 : i32
      %div3A = arith.divsi %scan3A_36, %jit3A : i32
      %sign3A = arith.constant 0 : i32
      %sign3A_37 = arith.cmpi sgt, %scan3A_36, %sign3A : i32
      %sign3A_38 = arith.extui %sign3A_37 : i1 to i32
      %sign3A_39 = arith.constant 0 : i32
      %sign3A_40 = arith.cmpi slt, %scan3A_36, %sign3A_39 : i32
      %sign3A_41 = arith.extui %sign3A_40 : i1 to i32
      %sign3A_42 = arith.subi %sign3A_38, %sign3A_41 : i32
      %sign3A_43 = arith.constant 0 : i32
      %sign3A_44 = arith.cmpi sgt, %jit3A, %sign3A_43 : i32
      %sign3A_45 = arith.extui %sign3A_44 : i1 to i32
      %sign3A_46 = arith.constant 0 : i32
      %sign3A_47 = arith.cmpi slt, %jit3A, %sign3A_46 : i32
      %sign3A_48 = arith.extui %sign3A_47 : i1 to i32
      %sign3A_49 = arith.subi %sign3A_45, %sign3A_48 : i32
      %ne3A = arith.cmpi ne, %sign3A_42, %sign3A_49 : i32
      %rem3A = arith.remsi %scan3A_36, %jit3A : i32
      %ne3A_50 = arith.constant 0 : i32
      %ne3A_51 = arith.cmpi ne, %rem3A, %ne3A_50 : i32
      %and3A = arith.andi %ne3A, %ne3A_51 : i1
      %sub3A = arith.constant 1 : i32
      %sub3A_52 = arith.subi %div3A, %sub3A : i32
      %select_n3A = arith.select %and3A, %sub3A_52, %div3A : i32
      %jit3A_53 = arith.constant 1 : i32
      %eq3A = arith.constant 0 : i32
      %eq3A_54 = arith.cmpi eq, %jit3A_53, %eq3A : i32
      %jit3A_55 = arith.constant 1 : i32
      %select_n3A_56 = arith.select %eq3A_54, %jit3A_55, %jit3A_53 : i32
      %rem3A_57 = arith.remsi %scan3A_36, %select_n3A_56 : i32
      %ne3A_58 = arith.constant 0 : i32
      %ne3A_59 = arith.cmpi ne, %rem3A_57, %ne3A_58 : i32
      %lt3A = arith.constant 0 : i32
      %lt3A_60 = arith.cmpi slt, %rem3A_57, %lt3A : i32
      %lt3A_61 = arith.constant 0 : i32
      %lt3A_62 = arith.cmpi slt, %select_n3A_56, %lt3A_61 : i32
      %ne3A_63 = arith.xori %lt3A_60, %lt3A_62 : i1
      %and3A_64 = arith.andi %ne3A_63, %ne3A_59 : i1
      %add3A_65 = arith.addi %rem3A_57, %select_n3A_56 : i32
      %select_n3A_66 = arith.select %and3A_64, %add3A_65, %rem3A_57 : i32
      %mul3A_67 = arith.constant 16 : i32
      %mul3A_68 = arith.muli %select_n3A_66, %mul3A_67 : i32
      %swap3A = arith.index_cast %select_n3A : i32 to index
      %swap3A_69 = arith.index_cast %mul3A_68 : i32 to index
      %swap3A_70 = tpu.vector_load %arg6[%swap3A, %swap3A_69] {strides = array<i32>} : memref<128x16xf32, #tpu.memory_space<vmem>>, vector<1x16xf32>,
      %swap3A_71 = vector.shape_cast %swap3A_70 : vector<1x16xf32> to vector<16xf32>
      %swap3A_72 = vector.shape_cast %broadcast_in_dim3A_1 : vector<16xf32> to vector<1x16xf32>
      tpu.vector_store %arg6[%swap3A, %swap3A_69], %swap3A_72 {strides = array<i32>} : memref<128x16xf32, #tpu.memory_space<vmem>>, vector<1x16xf32>,
    }
    %scan3A_6 = arith.constant 128 : i32
    %broadcast_in_dim3A_7 = arith.constant 1.000000e+00 : f32
    %broadcast_in_dim3A_8 = vector.broadcast %broadcast_in_dim3A_7 : f32 to vector<16xf32>
    %scan3A_9 = arith.constant 0 : i32
    %scan3A_10 = arith.constant 0 : i32
    %scan3A_11 = arith.constant 80 : i32
    %scan3A_12 = arith.addi %scan3A_10, %scan3A_11 : i32
    %scan3A_13 = arith.constant 1 : i32
    scf.for %scan3A_36 = %scan3A_10 to %scan3A_12 step %scan3A_13  : i32 {
      %swap3A = arith.index_cast %scan3A_36 : i32 to index
      %swap3A_37 = arith.constant 0 : index
      %swap3A_38 = tpu.vector_load %arg5[%swap3A, %swap3A_37] {strides = array<i32>} : memref<80x16xf32, #tpu.memory_space<vmem>>, vector<1x16xf32>,
      %swap3A_39 = vector.shape_cast %swap3A_38 : vector<1x16xf32> to vector<16xf32>
      %swap3A_40 = vector.shape_cast %broadcast_in_dim3A_8 : vector<16xf32> to vector<1x16xf32>
      tpu.vector_store %arg5[%swap3A, %swap3A_37], %swap3A_40 {strides = array<i32>} : memref<80x16xf32, #tpu.memory_space<vmem>>, vector<1x16xf32>,
    }
    %scan3A_14 = arith.constant 80 : i32
    %mul3A_15 = arith.constant 640 : i32
    %mul3A_16 = arith.muli %arg1, %mul3A_15 : i32
    %scan3A_17 = arith.constant 0 : i32
    %scan3A_18 = arith.constant 0 : i32
    %scan3A_19 = arith.constant 5 : i32
    %scan3A_20 = arith.addi %scan3A_18, %scan3A_19 : i32
    %scan3A_21 = arith.constant 1 : i32
    scf.for %scan3A_36 = %scan3A_18 to %scan3A_20 step %scan3A_21  : i32 {
      %mul3A_37 = arith.constant 128 : i32
      %mul3A_38 = arith.muli %scan3A_36, %mul3A_37 : i32
      %add3A_39 = arith.addi %mul3A_16, %mul3A_38 : i32
      "tpu.region"() ({
        %run_scoped3A = tpu.sem_alloc : memref<!tpu.dma_semaphore, #tpu.memory_space<semaphore_mem>>
        %dma_start3A = arith.constant 0 : i32
        %dma_start3A_40 = tpu.memref_slice %arg7[%add3A_39, %dma_start3A] : memref<10240x16xf32, #tpu.memory_space<vmem_shared>> -> memref<128x16xf32, #tpu.memory_space<vmem_shared>>
        %dma_start3A_41 = arith.constant 0 : i32
        %dma_start3A_42 = tpu.memref_slice %arg7[%add3A_39, %dma_start3A_41] : memref<10240x16xf32, #tpu.memory_space<vmem_shared>> -> memref<128x16xf32, #tpu.memory_space<vmem_shared>>
        tpu.enqueue_dma source(%arg6 : memref<128x16xf32, #tpu.memory_space<vmem>>) target(%dma_start3A_42 : memref<128x16xf32, #tpu.memory_space<vmem_shared>>) target_semaphore(%run_scoped3A : memref<!tpu.dma_semaphore, #tpu.memory_space<semaphore_mem>>)
        %dma_wait3A = arith.constant 0 : i32
        %dma_wait3A_43 = tpu.memref_slice %arg7[%add3A_39, %dma_wait3A] : memref<10240x16xf32, #tpu.memory_space<vmem_shared>> -> memref<128x16xf32, #tpu.memory_space<vmem_shared>>
        %dma_wait3A_44 = arith.constant 0 : i32
        %dma_wait3A_45 = tpu.memref_slice %arg7[%add3A_39, %dma_wait3A_44] : memref<10240x16xf32, #tpu.memory_space<vmem_shared>> -> memref<128x16xf32, #tpu.memory_space<vmem_shared>>
        tpu.wait_dma2 semaphore(%run_scoped3A : memref<!tpu.dma_semaphore, #tpu.memory_space<semaphore_mem>>) src(%arg6 : memref<128x16xf32, #tpu.memory_space<vmem>>) dst(%dma_wait3A_45 : memref<128x16xf32, #tpu.memory_space<vmem_shared>>)
        tpu.yield
      }) : () -> ()
    }
    %scan3A_22 = arith.constant 5 : i32
    %barrier3A = arith.constant 0 : index
    tpu.barrier barrier_id(%barrier3A)
    "tpu.region"() ({
      %run_scoped3A = tpu.sem_alloc : memref<!tpu.dma_semaphore, #tpu.memory_space<semaphore_mem>>
      %dma_start3A = arith.constant 0 : i32
      %dma_start3A_36 = arith.constant 0 : i32
      %dma_start3A_37 = tpu.memref_slice %arg2[%add3A, %dma_start3A, %dma_start3A_36] : memref<32x125x80xi32, #tpu.memory_space<hbm>> -> memref<1x125x80xi32, #tpu.memory_space<hbm>>
      %dma_start3A_38 = tpu.memref_squeeze %dma_start3A_37 : memref<1x125x80xi32, #tpu.memory_space<hbm>> -> memref<125x80xi32, #tpu.memory_space<hbm>>
      %dma_start3A_39 = arith.constant 0 : i32
      %dma_start3A_40 = arith.constant 0 : i32
      %dma_start3A_41 = tpu.memref_slice %arg2[%add3A, %dma_start3A_39, %dma_start3A_40] : memref<32x125x80xi32, #tpu.memory_space<hbm>> -> memref<1x125x80xi32, #tpu.memory_space<hbm>>
      %dma_start3A_42 = tpu.memref_squeeze %dma_start3A_41 : memref<1x125x80xi32, #tpu.memory_space<hbm>> -> memref<125x80xi32, #tpu.memory_space<hbm>>
      tpu.enqueue_dma source(%dma_start3A_42 : memref<125x80xi32, #tpu.memory_space<hbm>>) target(%arg4 : memref<125x80xi32, #tpu.memory_space<vmem>>) target_semaphore(%run_scoped3A : memref<!tpu.dma_semaphore, #tpu.memory_space<semaphore_mem>>)
      %dma_wait3A = arith.constant 0 : i32
      %dma_wait3A_43 = arith.constant 0 : i32
      %dma_wait3A_44 = tpu.memref_slice %arg2[%add3A, %dma_wait3A, %dma_wait3A_43] : memref<32x125x80xi32, #tpu.memory_space<hbm>> -> memref<1x125x80xi32, #tpu.memory_space<hbm>>
      %dma_wait3A_45 = tpu.memref_squeeze %dma_wait3A_44 : memref<1x125x80xi32, #tpu.memory_space<hbm>> -> memref<125x80xi32, #tpu.memory_space<hbm>>
      %dma_wait3A_46 = arith.constant 0 : i32
      %dma_wait3A_47 = arith.constant 0 : i32
      %dma_wait3A_48 = tpu.memref_slice %arg2[%add3A, %dma_wait3A_46, %dma_wait3A_47] : memref<32x125x80xi32, #tpu.memory_space<hbm>> -> memref<1x125x80xi32, #tpu.memory_space<hbm>>
      %dma_wait3A_49 = tpu.memref_squeeze %dma_wait3A_48 : memref<1x125x80xi32, #tpu.memory_space<hbm>> -> memref<125x80xi32, #tpu.memory_space<hbm>>
      tpu.wait_dma2 semaphore(%run_scoped3A : memref<!tpu.dma_semaphore, #tpu.memory_space<semaphore_mem>>) src(%dma_wait3A_49 : memref<125x80xi32, #tpu.memory_space<hbm>>) dst(%arg4 : memref<125x80xi32, #tpu.memory_space<vmem>>)
      tpu.yield
    }) : () -> ()
    %scan3A_23 = arith.constant 0 : i32
    %scan3A_24 = arith.constant 0 : i32
    %scan3A_25 = arith.constant 125 : i32
    %scan3A_26 = arith.addi %scan3A_24, %scan3A_25 : i32
    %scan3A_27 = arith.constant 1 : i32
    scf.for %scan3A_36 = %scan3A_24 to %scan3A_26 step %scan3A_27  : i32 {
      "tpu.region"() ({
        %run_scoped3A = tpu.sem_alloc : memref<!tpu.dma_semaphore, #tpu.memory_space<semaphore_mem>>
        %dma_start3A = arith.constant 0 : i32
        %dma_start3A_37 = tpu.memref_slice %arg4[%scan3A_36, %dma_start3A] : memref<125x80xi32, #tpu.memory_space<vmem>> -> memref<1x80xi32, #tpu.memory_space<vmem>>
        %dma_start3A_38 = tpu.memref_squeeze %dma_start3A_37 : memref<1x80xi32, #tpu.memory_space<vmem>> -> memref<80xi32, #tpu.memory_space<vmem>>
        %dma_start3A_39 = arith.constant 0 : i32
        %dma_start3A_40 = arith.constant 0 : i32
        %dma_start3A_41 = tpu.memref_slice %arg7[%dma_start3A_39, %dma_start3A_40] : memref<10240x16xf32, #tpu.memory_space<vmem_shared>> -> memref<10240x16xf32, #tpu.memory_space<vmem_shared>>
        tpu.enqueue_indirect_dma source(%arg5 : memref<80x16xf32, #tpu.memory_space<vmem>>) target(%dma_start3A_41 : memref<10240x16xf32, #tpu.memory_space<vmem_shared>>) offsets(%dma_start3A_38 : memref<80xi32, #tpu.memory_space<vmem>>) semaphore(%run_scoped3A : memref<!tpu.dma_semaphore, #tpu.memory_space<semaphore_mem>>) {add = true}
        %dma_wait3A = arith.constant 0 : i32
        %dma_wait3A_42 = tpu.memref_slice %arg4[%scan3A_36, %dma_wait3A] : memref<125x80xi32, #tpu.memory_space<vmem>> -> memref<1x80xi32, #tpu.memory_space<vmem>>
        %dma_wait3A_43 = tpu.memref_squeeze %dma_wait3A_42 : memref<1x80xi32, #tpu.memory_space<vmem>> -> memref<80xi32, #tpu.memory_space<vmem>>
        %dma_wait3A_44 = arith.constant 0 : i32
        %dma_wait3A_45 = arith.constant 0 : i32
        %dma_wait3A_46 = tpu.memref_slice %arg7[%dma_wait3A_44, %dma_wait3A_45] : memref<10240x16xf32, #tpu.memory_space<vmem_shared>> -> memref<10240x16xf32, #tpu.memory_space<vmem_shared>>
        tpu.wait_indirect_dma semaphore(%run_scoped3A : memref<!tpu.dma_semaphore, #tpu.memory_space<semaphore_mem>>) src(%arg5 : memref<80x16xf32, #tpu.memory_space<vmem>>) dst(%dma_wait3A_46 : memref<10240x16xf32, #tpu.memory_space<vmem_shared>>)
        tpu.yield
      }) : () -> ()
    }
    %scan3A_28 = arith.constant 125 : i32
    %barrier3A_29 = arith.constant 0 : index
    tpu.barrier barrier_id(%barrier3A_29)
    %scan3A_30 = arith.constant 0 : i32
    %scan3A_31 = arith.constant 0 : i32
    %scan3A_32 = arith.constant 5 : i32
    %scan3A_33 = arith.addi %scan3A_31, %scan3A_32 : i32
    %scan3A_34 = arith.constant 1 : i32
    scf.for %scan3A_36 = %scan3A_31 to %scan3A_33 step %scan3A_34  : i32 {
      %mul3A_37 = arith.constant 128 : i32
      %mul3A_38 = arith.muli %scan3A_36, %mul3A_37 : i32
      %add3A_39 = arith.addi %mul3A_16, %mul3A_38 : i32
      "tpu.region"() ({
        %run_scoped3A = tpu.sem_alloc : memref<!tpu.dma_semaphore, #tpu.memory_space<semaphore_mem>>
        %dma_start3A = arith.constant 0 : i32
        %dma_start3A_40 = tpu.memref_slice %arg3[%arg0, %add3A_39, %dma_start3A] : memref<2x10240x16xf32, #tpu.memory_space<hbm>> -> memref<1x128x16xf32, #tpu.memory_space<hbm>>
        %dma_start3A_41 = tpu.memref_squeeze %dma_start3A_40 : memref<1x128x16xf32, #tpu.memory_space<hbm>> -> memref<128x16xf32, #tpu.memory_space<hbm>>
        %dma_start3A_42 = arith.constant 0 : i32
        %dma_start3A_43 = tpu.memref_slice %arg7[%add3A_39, %dma_start3A_42] : memref<10240x16xf32, #tpu.memory_space<vmem_shared>> -> memref<128x16xf32, #tpu.memory_space<vmem_shared>>
        tpu.enqueue_dma source(%dma_start3A_43 : memref<128x16xf32, #tpu.memory_space<vmem_shared>>) target(%dma_start3A_41 : memref<128x16xf32, #tpu.memory_space<hbm>>) target_semaphore(%run_scoped3A : memref<!tpu.dma_semaphore, #tpu.memory_space<semaphore_mem>>)
        %dma_wait3A = arith.constant 0 : i32
        %dma_wait3A_44 = tpu.memref_slice %arg3[%arg0, %add3A_39, %dma_wait3A] : memref<2x10240x16xf32, #tpu.memory_space<hbm>> -> memref<1x128x16xf32, #tpu.memory_space<hbm>>
        %dma_wait3A_45 = tpu.memref_squeeze %dma_wait3A_44 : memref<1x128x16xf32, #tpu.memory_space<hbm>> -> memref<128x16xf32, #tpu.memory_space<hbm>>
        %dma_wait3A_46 = arith.constant 0 : i32
        %dma_wait3A_47 = tpu.memref_slice %arg7[%add3A_39, %dma_wait3A_46] : memref<10240x16xf32, #tpu.memory_space<vmem_shared>> -> memref<128x16xf32, #tpu.memory_space<vmem_shared>>
        tpu.wait_dma2 semaphore(%run_scoped3A : memref<!tpu.dma_semaphore, #tpu.memory_space<semaphore_mem>>) src(%dma_wait3A_47 : memref<128x16xf32, #tpu.memory_space<vmem_shared>>) dst(%dma_wait3A_45 : memref<128x16xf32, #tpu.memory_space<hbm>>)
        tpu.yield
      }) : () -> ()
    }
    %scan3A_35 = arith.constant 5 : i32
    return
  }
}

#map = affine_map<(d0, d1) -> (0, 0)>
#map1 = affine_map<(d0, d1) -> (0, 0, 0)>
module attributes {stable_mosaic.version = 14 : i64} {
  func.func @_agg_kernel(%arg0: i32, %arg1: i32, %arg2: memref<10240x128xf32, #tpu.memory_space<hbm>>, %arg3: memref<16x250x80xi32, #tpu.memory_space<hbm>>, %arg4: memref<16x250x80xi32, #tpu.memory_space<hbm>>, %arg5: memref<10240x128xf32, #tpu.memory_space<hbm>>, %arg6: memref<250x80xi32, #tpu.memory_space<vmem>>, %arg7: memref<250x80xi32, #tpu.memory_space<vmem>>, %arg8: memref<8x80xi32, #tpu.memory_space<vmem>>, %arg9: memref<80x128xf32, #tpu.memory_space<vmem>>, %arg10: memref<80x128xf32, #tpu.memory_space<vmem>>, %arg11: memref<16x128xf32, #tpu.memory_space<vmem>>, %arg12: memref<5136x128xf32, #tpu.memory_space<vmem_shared>>, %arg13: memref<!tpu.dma_semaphore, #tpu.memory_space<semaphore_mem>>, %arg14: memref<!tpu.dma_semaphore, #tpu.memory_space<semaphore_mem>>) attributes {dimension_semantics = [#tpu.dimension_semantics<core_parallel>, #tpu.dimension_semantics<subcore_parallel>], iteration_bounds = array<i64: 2, 16>, scalar_prefetch = 0 : i64, scratch_operands = 9 : i64, tpu.core_type = #tpu.core_type<sc_vector_subcore>, window_params = [{transform_indices = #map}, {transform_indices = #map1}, {transform_indices = #map1}, {transform_indices = #map}]} {
    %mul3A = arith.constant 5120 : i32
    %mul3A_0 = arith.muli %arg0, %mul3A : i32
    %add3A = arith.constant 5120 : i32
    %add3A_1 = arith.addi %add3A, %arg1 : i32
    %broadcast_in_dim3A = arith.constant 0.000000e+00 : f32
    %broadcast_in_dim3A_2 = vector.broadcast %broadcast_in_dim3A : f32 to vector<16xf32>
    %scan3A = arith.constant 0 : i32
    %scan3A_3 = arith.constant 0 : i32
    %scan3A_4 = arith.constant 128 : i32
    %scan3A_5 = arith.addi %scan3A_3, %scan3A_4 : i32
    %scan3A_6 = arith.constant 1 : i32
    scf.for %scan3A_38 = %scan3A_3 to %scan3A_5 step %scan3A_6  : i32 {
      %jit3A = arith.constant 8 : i32
      %div3A = arith.divsi %scan3A_38, %jit3A : i32
      %sign3A = arith.constant 0 : i32
      %sign3A_39 = arith.cmpi sgt, %scan3A_38, %sign3A : i32
      %sign3A_40 = arith.extui %sign3A_39 : i1 to i32
      %sign3A_41 = arith.constant 0 : i32
      %sign3A_42 = arith.cmpi slt, %scan3A_38, %sign3A_41 : i32
      %sign3A_43 = arith.extui %sign3A_42 : i1 to i32
      %sign3A_44 = arith.subi %sign3A_40, %sign3A_43 : i32
      %sign3A_45 = arith.constant 0 : i32
      %sign3A_46 = arith.cmpi sgt, %jit3A, %sign3A_45 : i32
      %sign3A_47 = arith.extui %sign3A_46 : i1 to i32
      %sign3A_48 = arith.constant 0 : i32
      %sign3A_49 = arith.cmpi slt, %jit3A, %sign3A_48 : i32
      %sign3A_50 = arith.extui %sign3A_49 : i1 to i32
      %sign3A_51 = arith.subi %sign3A_47, %sign3A_50 : i32
      %ne3A = arith.cmpi ne, %sign3A_44, %sign3A_51 : i32
      %rem3A = arith.remsi %scan3A_38, %jit3A : i32
      %ne3A_52 = arith.constant 0 : i32
      %ne3A_53 = arith.cmpi ne, %rem3A, %ne3A_52 : i32
      %and3A = arith.andi %ne3A, %ne3A_53 : i1
      %sub3A = arith.constant 1 : i32
      %sub3A_54 = arith.subi %div3A, %sub3A : i32
      %select_n3A = arith.select %and3A, %sub3A_54, %div3A : i32
      %jit3A_55 = arith.constant 8 : i32
      %eq3A_56 = arith.constant 0 : i32
      %eq3A_57 = arith.cmpi eq, %jit3A_55, %eq3A_56 : i32
      %jit3A_58 = arith.constant 1 : i32
      %select_n3A_59 = arith.select %eq3A_57, %jit3A_58, %jit3A_55 : i32
      %rem3A_60 = arith.remsi %scan3A_38, %select_n3A_59 : i32
      %ne3A_61 = arith.constant 0 : i32
      %ne3A_62 = arith.cmpi ne, %rem3A_60, %ne3A_61 : i32
      %lt3A = arith.constant 0 : i32
      %lt3A_63 = arith.cmpi slt, %rem3A_60, %lt3A : i32
      %lt3A_64 = arith.constant 0 : i32
      %lt3A_65 = arith.cmpi slt, %select_n3A_59, %lt3A_64 : i32
      %ne3A_66 = arith.xori %lt3A_63, %lt3A_65 : i1
      %and3A_67 = arith.andi %ne3A_66, %ne3A_62 : i1
      %add3A_68 = arith.addi %rem3A_60, %select_n3A_59 : i32
      %select_n3A_69 = arith.select %and3A_67, %add3A_68, %rem3A_60 : i32
      %mul3A_70 = arith.constant 16 : i32
      %mul3A_71 = arith.muli %select_n3A_69, %mul3A_70 : i32
      %swap3A = arith.index_cast %select_n3A : i32 to index
      %swap3A_72 = arith.index_cast %mul3A_71 : i32 to index
      %swap3A_73 = tpu.vector_load %arg11[%swap3A, %swap3A_72] {strides = array<i32>} : memref<16x128xf32, #tpu.memory_space<vmem>>, vector<1x16xf32>,
      %swap3A_74 = vector.shape_cast %swap3A_73 : vector<1x16xf32> to vector<16xf32>
      %swap3A_75 = vector.shape_cast %broadcast_in_dim3A_2 : vector<16xf32> to vector<1x16xf32>
      tpu.vector_store %arg11[%swap3A, %swap3A_72], %swap3A_75 {strides = array<i32>} : memref<16x128xf32, #tpu.memory_space<vmem>>, vector<1x16xf32>,
    }
    %scan3A_7 = arith.constant 128 : i32
    %scan3A_8 = arith.constant 0 : i32
    %scan3A_9 = arith.constant 0 : i32
    %scan3A_10 = arith.constant 20 : i32
    %scan3A_11 = arith.addi %scan3A_9, %scan3A_10 : i32
    %scan3A_12 = arith.constant 1 : i32
    scf.for %scan3A_38 = %scan3A_9 to %scan3A_11 step %scan3A_12  : i32 {
      %mul3A_39 = arith.constant 20 : i32
      %mul3A_40 = arith.muli %arg1, %mul3A_39 : i32
      %add3A_41 = arith.addi %mul3A_40, %scan3A_38 : i32
      %mul3A_42 = arith.constant 16 : i32
      %mul3A_43 = arith.muli %add3A_41, %mul3A_42 : i32
      "tpu.region"() ({
        %run_scoped3A = tpu.sem_alloc : memref<!tpu.dma_semaphore, #tpu.memory_space<semaphore_mem>>
        %dma_start3A_44 = arith.constant 0 : i32
        %dma_start3A_45 = tpu.memref_slice %arg12[%mul3A_43, %dma_start3A_44] : memref<5136x128xf32, #tpu.memory_space<vmem_shared>> -> memref<16x128xf32, #tpu.memory_space<vmem_shared>>
        %dma_start3A_46 = arith.constant 0 : i32
        %dma_start3A_47 = tpu.memref_slice %arg12[%mul3A_43, %dma_start3A_46] : memref<5136x128xf32, #tpu.memory_space<vmem_shared>> -> memref<16x128xf32, #tpu.memory_space<vmem_shared>>
        tpu.enqueue_dma source(%arg11 : memref<16x128xf32, #tpu.memory_space<vmem>>) target(%dma_start3A_47 : memref<16x128xf32, #tpu.memory_space<vmem_shared>>) target_semaphore(%run_scoped3A : memref<!tpu.dma_semaphore, #tpu.memory_space<semaphore_mem>>)
        %dma_wait3A_48 = arith.constant 0 : i32
        %dma_wait3A_49 = tpu.memref_slice %arg12[%mul3A_43, %dma_wait3A_48] : memref<5136x128xf32, #tpu.memory_space<vmem_shared>> -> memref<16x128xf32, #tpu.memory_space<vmem_shared>>
        %dma_wait3A_50 = arith.constant 0 : i32
        %dma_wait3A_51 = tpu.memref_slice %arg12[%mul3A_43, %dma_wait3A_50] : memref<5136x128xf32, #tpu.memory_space<vmem_shared>> -> memref<16x128xf32, #tpu.memory_space<vmem_shared>>
        tpu.wait_dma2 semaphore(%run_scoped3A : memref<!tpu.dma_semaphore, #tpu.memory_space<semaphore_mem>>) src(%arg11 : memref<16x128xf32, #tpu.memory_space<vmem>>) dst(%dma_wait3A_51 : memref<16x128xf32, #tpu.memory_space<vmem_shared>>)
        tpu.yield
      }) : () -> ()
    }
    %scan3A_13 = arith.constant 20 : i32
    %eq3A = arith.constant 0 : i32
    %eq3A_14 = arith.cmpi eq, %arg1, %eq3A : i32
    %convert_element_type3A = arith.extui %eq3A_14 : i1 to i32
    %cond3A = arith.constant 0 : i32
    %cond3A_15 = arith.cmpi ne, %convert_element_type3A, %cond3A : i32
    scf.if %cond3A_15 {
      "tpu.region"() ({
        %run_scoped3A = tpu.sem_alloc : memref<!tpu.dma_semaphore, #tpu.memory_space<semaphore_mem>>
        %dma_start3A_38 = arith.constant 0 : i32
        %dma_start3A_39 = arith.constant 0 : i32
        %dma_start3A_40 = tpu.memref_slice %arg11[%dma_start3A_38, %dma_start3A_39] : memref<16x128xf32, #tpu.memory_space<vmem>> -> memref<16x128xf32, #tpu.memory_space<vmem>>
        %dma_start3A_41 = arith.constant 5120 : i32
        %dma_start3A_42 = arith.constant 0 : i32
        %dma_start3A_43 = tpu.memref_slice %arg12[%dma_start3A_41, %dma_start3A_42] : memref<5136x128xf32, #tpu.memory_space<vmem_shared>> -> memref<16x128xf32, #tpu.memory_space<vmem_shared>>
        %dma_start3A_44 = arith.constant 5120 : i32
        %dma_start3A_45 = arith.constant 0 : i32
        %dma_start3A_46 = tpu.memref_slice %arg12[%dma_start3A_44, %dma_start3A_45] : memref<5136x128xf32, #tpu.memory_space<vmem_shared>> -> memref<16x128xf32, #tpu.memory_space<vmem_shared>>
        %dma_start3A_47 = arith.constant 0 : i32
        %dma_start3A_48 = arith.constant 0 : i32
        %dma_start3A_49 = tpu.memref_slice %arg11[%dma_start3A_47, %dma_start3A_48] : memref<16x128xf32, #tpu.memory_space<vmem>> -> memref<16x128xf32, #tpu.memory_space<vmem>>
        tpu.enqueue_dma source(%dma_start3A_49 : memref<16x128xf32, #tpu.memory_space<vmem>>) target(%dma_start3A_46 : memref<16x128xf32, #tpu.memory_space<vmem_shared>>) target_semaphore(%run_scoped3A : memref<!tpu.dma_semaphore, #tpu.memory_space<semaphore_mem>>)
        %dma_wait3A_50 = arith.constant 0 : i32
        %dma_wait3A_51 = arith.constant 0 : i32
        %dma_wait3A_52 = tpu.memref_slice %arg11[%dma_wait3A_50, %dma_wait3A_51] : memref<16x128xf32, #tpu.memory_space<vmem>> -> memref<16x128xf32, #tpu.memory_space<vmem>>
        %dma_wait3A_53 = arith.constant 5120 : i32
        %dma_wait3A_54 = arith.constant 0 : i32
        %dma_wait3A_55 = tpu.memref_slice %arg12[%dma_wait3A_53, %dma_wait3A_54] : memref<5136x128xf32, #tpu.memory_space<vmem_shared>> -> memref<16x128xf32, #tpu.memory_space<vmem_shared>>
        %dma_wait3A_56 = arith.constant 5120 : i32
        %dma_wait3A_57 = arith.constant 0 : i32
        %dma_wait3A_58 = tpu.memref_slice %arg12[%dma_wait3A_56, %dma_wait3A_57] : memref<5136x128xf32, #tpu.memory_space<vmem_shared>> -> memref<16x128xf32, #tpu.memory_space<vmem_shared>>
        %dma_wait3A_59 = arith.constant 0 : i32
        %dma_wait3A_60 = arith.constant 0 : i32
        %dma_wait3A_61 = tpu.memref_slice %arg11[%dma_wait3A_59, %dma_wait3A_60] : memref<16x128xf32, #tpu.memory_space<vmem>> -> memref<16x128xf32, #tpu.memory_space<vmem>>
        tpu.wait_dma2 semaphore(%run_scoped3A : memref<!tpu.dma_semaphore, #tpu.memory_space<semaphore_mem>>) src(%dma_wait3A_61 : memref<16x128xf32, #tpu.memory_space<vmem>>) dst(%dma_wait3A_58 : memref<16x128xf32, #tpu.memory_space<vmem_shared>>)
        tpu.yield
      }) : () -> ()
    } else {
    }
    %barrier3A = arith.constant 0 : index
    tpu.barrier barrier_id(%barrier3A)
    "tpu.region"() ({
      %run_scoped3A = tpu.sem_alloc : memref<!tpu.dma_semaphore, #tpu.memory_space<semaphore_mem>>
      %dma_start3A_38 = arith.constant 0 : i32
      %dma_start3A_39 = arith.constant 0 : i32
      %dma_start3A_40 = tpu.memref_slice %arg3[%arg1, %dma_start3A_38, %dma_start3A_39] : memref<16x250x80xi32, #tpu.memory_space<hbm>> -> memref<1x250x80xi32, #tpu.memory_space<hbm>>
      %dma_start3A_41 = tpu.memref_squeeze %dma_start3A_40 : memref<1x250x80xi32, #tpu.memory_space<hbm>> -> memref<250x80xi32, #tpu.memory_space<hbm>>
      %dma_start3A_42 = arith.constant 0 : i32
      %dma_start3A_43 = arith.constant 0 : i32
      %dma_start3A_44 = tpu.memref_slice %arg3[%arg1, %dma_start3A_42, %dma_start3A_43] : memref<16x250x80xi32, #tpu.memory_space<hbm>> -> memref<1x250x80xi32, #tpu.memory_space<hbm>>
      %dma_start3A_45 = tpu.memref_squeeze %dma_start3A_44 : memref<1x250x80xi32, #tpu.memory_space<hbm>> -> memref<250x80xi32, #tpu.memory_space<hbm>>
      tpu.enqueue_dma source(%dma_start3A_45 : memref<250x80xi32, #tpu.memory_space<hbm>>) target(%arg6 : memref<250x80xi32, #tpu.memory_space<vmem>>) target_semaphore(%run_scoped3A : memref<!tpu.dma_semaphore, #tpu.memory_space<semaphore_mem>>)
      %dma_wait3A_46 = arith.constant 0 : i32
      %dma_wait3A_47 = arith.constant 0 : i32
      %dma_wait3A_48 = tpu.memref_slice %arg3[%arg1, %dma_wait3A_46, %dma_wait3A_47] : memref<16x250x80xi32, #tpu.memory_space<hbm>> -> memref<1x250x80xi32, #tpu.memory_space<hbm>>
      %dma_wait3A_49 = tpu.memref_squeeze %dma_wait3A_48 : memref<1x250x80xi32, #tpu.memory_space<hbm>> -> memref<250x80xi32, #tpu.memory_space<hbm>>
      %dma_wait3A_50 = arith.constant 0 : i32
      %dma_wait3A_51 = arith.constant 0 : i32
      %dma_wait3A_52 = tpu.memref_slice %arg3[%arg1, %dma_wait3A_50, %dma_wait3A_51] : memref<16x250x80xi32, #tpu.memory_space<hbm>> -> memref<1x250x80xi32, #tpu.memory_space<hbm>>
      %dma_wait3A_53 = tpu.memref_squeeze %dma_wait3A_52 : memref<1x250x80xi32, #tpu.memory_space<hbm>> -> memref<250x80xi32, #tpu.memory_space<hbm>>
      tpu.wait_dma2 semaphore(%run_scoped3A : memref<!tpu.dma_semaphore, #tpu.memory_space<semaphore_mem>>) src(%dma_wait3A_53 : memref<250x80xi32, #tpu.memory_space<hbm>>) dst(%arg6 : memref<250x80xi32, #tpu.memory_space<vmem>>)
      tpu.yield
    }) : () -> ()
    "tpu.region"() ({
      %run_scoped3A = tpu.sem_alloc : memref<!tpu.dma_semaphore, #tpu.memory_space<semaphore_mem>>
      %dma_start3A_38 = arith.constant 0 : i32
      %dma_start3A_39 = arith.constant 0 : i32
      %dma_start3A_40 = tpu.memref_slice %arg4[%arg1, %dma_start3A_38, %dma_start3A_39] : memref<16x250x80xi32, #tpu.memory_space<hbm>> -> memref<1x250x80xi32, #tpu.memory_space<hbm>>
      %dma_start3A_41 = tpu.memref_squeeze %dma_start3A_40 : memref<1x250x80xi32, #tpu.memory_space<hbm>> -> memref<250x80xi32, #tpu.memory_space<hbm>>
      %dma_start3A_42 = arith.constant 0 : i32
      %dma_start3A_43 = arith.constant 0 : i32
      %dma_start3A_44 = tpu.memref_slice %arg4[%arg1, %dma_start3A_42, %dma_start3A_43] : memref<16x250x80xi32, #tpu.memory_space<hbm>> -> memref<1x250x80xi32, #tpu.memory_space<hbm>>
      %dma_start3A_45 = tpu.memref_squeeze %dma_start3A_44 : memref<1x250x80xi32, #tpu.memory_space<hbm>> -> memref<250x80xi32, #tpu.memory_space<hbm>>
      tpu.enqueue_dma source(%dma_start3A_45 : memref<250x80xi32, #tpu.memory_space<hbm>>) target(%arg7 : memref<250x80xi32, #tpu.memory_space<vmem>>) target_semaphore(%run_scoped3A : memref<!tpu.dma_semaphore, #tpu.memory_space<semaphore_mem>>)
      %dma_wait3A_46 = arith.constant 0 : i32
      %dma_wait3A_47 = arith.constant 0 : i32
      %dma_wait3A_48 = tpu.memref_slice %arg4[%arg1, %dma_wait3A_46, %dma_wait3A_47] : memref<16x250x80xi32, #tpu.memory_space<hbm>> -> memref<1x250x80xi32, #tpu.memory_space<hbm>>
      %dma_wait3A_49 = tpu.memref_squeeze %dma_wait3A_48 : memref<1x250x80xi32, #tpu.memory_space<hbm>> -> memref<250x80xi32, #tpu.memory_space<hbm>>
      %dma_wait3A_50 = arith.constant 0 : i32
      %dma_wait3A_51 = arith.constant 0 : i32
      %dma_wait3A_52 = tpu.memref_slice %arg4[%arg1, %dma_wait3A_50, %dma_wait3A_51] : memref<16x250x80xi32, #tpu.memory_space<hbm>> -> memref<1x250x80xi32, #tpu.memory_space<hbm>>
      %dma_wait3A_53 = tpu.memref_squeeze %dma_wait3A_52 : memref<1x250x80xi32, #tpu.memory_space<hbm>> -> memref<250x80xi32, #tpu.memory_space<hbm>>
      tpu.wait_dma2 semaphore(%run_scoped3A : memref<!tpu.dma_semaphore, #tpu.memory_space<semaphore_mem>>) src(%dma_wait3A_53 : memref<250x80xi32, #tpu.memory_space<hbm>>) dst(%arg7 : memref<250x80xi32, #tpu.memory_space<vmem>>)
      tpu.yield
    }) : () -> ()
    %dma_start3A = arith.constant 0 : i32
    %dma_start3A_16 = arith.constant 0 : i32
    %dma_start3A_17 = tpu.memref_slice %arg6[%dma_start3A, %dma_start3A_16] : memref<250x80xi32, #tpu.memory_space<vmem>> -> memref<1x80xi32, #tpu.memory_space<vmem>>
    %dma_start3A_18 = tpu.memref_squeeze %dma_start3A_17 : memref<1x80xi32, #tpu.memory_space<vmem>> -> memref<80xi32, #tpu.memory_space<vmem>>
    %dma_start3A_19 = arith.constant 0 : i32
    %dma_start3A_20 = arith.constant 0 : i32
    %dma_start3A_21 = tpu.memref_slice %arg2[%dma_start3A_19, %dma_start3A_20] : memref<10240x128xf32, #tpu.memory_space<hbm>> -> memref<10240x128xf32, #tpu.memory_space<hbm>>
    tpu.enqueue_indirect_dma source(%dma_start3A_21 : memref<10240x128xf32, #tpu.memory_space<hbm>>) target(%arg9 : memref<80x128xf32, #tpu.memory_space<vmem>>) offsets(%dma_start3A_18 : memref<80xi32, #tpu.memory_space<vmem>>) semaphore(%arg13 : memref<!tpu.dma_semaphore, #tpu.memory_space<semaphore_mem>>)
    %dma_wait3A = arith.constant 0 : i32
    %dma_wait3A_22 = arith.constant 0 : i32
    %dma_wait3A_23 = tpu.memref_slice %arg6[%dma_wait3A, %dma_wait3A_22] : memref<250x80xi32, #tpu.memory_space<vmem>> -> memref<1x80xi32, #tpu.memory_space<vmem>>
    %dma_wait3A_24 = tpu.memref_squeeze %dma_wait3A_23 : memref<1x80xi32, #tpu.memory_space<vmem>> -> memref<80xi32, #tpu.memory_space<vmem>>
    %dma_wait3A_25 = arith.constant 0 : i32
    %dma_wait3A_26 = arith.constant 0 : i32
    %dma_wait3A_27 = tpu.memref_slice %arg2[%dma_wait3A_25, %dma_wait3A_26] : memref<10240x128xf32, #tpu.memory_space<hbm>> -> memref<10240x128xf32, #tpu.memory_space<hbm>>
    tpu.wait_indirect_dma semaphore(%arg13 : memref<!tpu.dma_semaphore, #tpu.memory_space<semaphore_mem>>) src(%dma_wait3A_27 : memref<10240x128xf32, #tpu.memory_space<hbm>>) dst(%arg9 : memref<80x128xf32, #tpu.memory_space<vmem>>)
    %scan3A_28 = arith.constant 0 : i32
    %scan3A_29 = arith.constant 0 : i32
    %scan3A_30 = arith.constant 125 : i32
    %scan3A_31 = arith.addi %scan3A_29, %scan3A_30 : i32
    %scan3A_32 = arith.constant 1 : i32
    scf.for %scan3A_38 = %scan3A_29 to %scan3A_31 step %scan3A_32  : i32 {
      %mul3A_39 = arith.constant 2 : i32
      %mul3A_40 = arith.muli %mul3A_39, %scan3A_38 : i32
      %add3A_41 = arith.constant 1 : i32
      %add3A_42 = arith.addi %mul3A_40, %add3A_41 : i32
      %dma_start3A_43 = arith.constant 0 : i32
      %dma_start3A_44 = tpu.memref_slice %arg6[%add3A_42, %dma_start3A_43] : memref<250x80xi32, #tpu.memory_space<vmem>> -> memref<1x80xi32, #tpu.memory_space<vmem>>
      %dma_start3A_45 = tpu.memref_squeeze %dma_start3A_44 : memref<1x80xi32, #tpu.memory_space<vmem>> -> memref<80xi32, #tpu.memory_space<vmem>>
      %dma_start3A_46 = arith.constant 0 : i32
      %dma_start3A_47 = arith.constant 0 : i32
      %dma_start3A_48 = tpu.memref_slice %arg2[%dma_start3A_46, %dma_start3A_47] : memref<10240x128xf32, #tpu.memory_space<hbm>> -> memref<10240x128xf32, #tpu.memory_space<hbm>>
      tpu.enqueue_indirect_dma source(%dma_start3A_48 : memref<10240x128xf32, #tpu.memory_space<hbm>>) target(%arg10 : memref<80x128xf32, #tpu.memory_space<vmem>>) offsets(%dma_start3A_45 : memref<80xi32, #tpu.memory_space<vmem>>) semaphore(%arg14 : memref<!tpu.dma_semaphore, #tpu.memory_space<semaphore_mem>>)
      %get3A = arith.index_cast %mul3A_40 : i32 to index
      %get3A_49 = arith.constant 0 : index
      %get3A_50 = tpu.vector_load %arg7[%get3A, %get3A_49] {strides = array<i32>} : memref<250x80xi32, #tpu.memory_space<vmem>>, vector<1x16xi32>,
      %get3A_51 = vector.shape_cast %get3A_50 : vector<1x16xi32> to vector<16xi32>
      %sub3A = vector.broadcast %mul3A_0 : i32 to vector<16xi32>
      %sub3A_52 = arith.subi %get3A_51, %sub3A : vector<16xi32>
      %ge3A = arith.constant 0 : i32
      %ge3A_53 = vector.broadcast %ge3A : i32 to vector<16xi32>
      %ge3A_54 = arith.cmpi sge, %sub3A_52, %ge3A_53 : vector<16xi32>
      %lt3A = arith.constant 5120 : i32
      %lt3A_55 = vector.broadcast %lt3A : i32 to vector<16xi32>
      %lt3A_56 = arith.cmpi slt, %sub3A_52, %lt3A_55 : vector<16xi32>
      %and3A = arith.andi %ge3A_54, %lt3A_56 : vector<16xi1>
      %broadcast_in_dim3A_57 = vector.broadcast %add3A_1 : i32 to vector<16xi32>
      %select_n3A = arith.select %and3A, %sub3A_52, %broadcast_in_dim3A_57 : vector<16xi1>, vector<16xi32>
      %swap3A = arith.constant 0 : i32
      %swap3A_58 = arith.index_cast %swap3A : i32 to index
      %swap3A_59 = arith.constant 0 : index
      %swap3A_60 = tpu.vector_load %arg8[%swap3A_58, %swap3A_59] {strides = array<i32>} : memref<8x80xi32, #tpu.memory_space<vmem>>, vector<1x16xi32>,
      %swap3A_61 = vector.shape_cast %swap3A_60 : vector<1x16xi32> to vector<16xi32>
      %swap3A_62 = vector.shape_cast %select_n3A : vector<16xi32> to vector<1x16xi32>
      tpu.vector_store %arg8[%swap3A_58, %swap3A_59], %swap3A_62 {strides = array<i32>} : memref<8x80xi32, #tpu.memory_space<vmem>>, vector<1x16xi32>,
      %get3A_63 = arith.index_cast %mul3A_40 : i32 to index
      %get3A_64 = arith.constant 16 : index
      %get3A_65 = tpu.vector_load %arg7[%get3A_63, %get3A_64] {strides = array<i32>} : memref<250x80xi32, #tpu.memory_space<vmem>>, vector<1x16xi32>,
      %get3A_66 = vector.shape_cast %get3A_65 : vector<1x16xi32> to vector<16xi32>
      %sub3A_67 = vector.broadcast %mul3A_0 : i32 to vector<16xi32>
      %sub3A_68 = arith.subi %get3A_66, %sub3A_67 : vector<16xi32>
      %ge3A_69 = arith.constant 0 : i32
      %ge3A_70 = vector.broadcast %ge3A_69 : i32 to vector<16xi32>
      %ge3A_71 = arith.cmpi sge, %sub3A_68, %ge3A_70 : vector<16xi32>
      %lt3A_72 = arith.constant 5120 : i32
      %lt3A_73 = vector.broadcast %lt3A_72 : i32 to vector<16xi32>
      %lt3A_74 = arith.cmpi slt, %sub3A_68, %lt3A_73 : vector<16xi32>
      %and3A_75 = arith.andi %ge3A_71, %lt3A_74 : vector<16xi1>
      %broadcast_in_dim3A_76 = vector.broadcast %add3A_1 : i32 to vector<16xi32>
      %select_n3A_77 = arith.select %and3A_75, %sub3A_68, %broadcast_in_dim3A_76 : vector<16xi1>, vector<16xi32>
      %swap3A_78 = arith.constant 0 : i32
      %swap3A_79 = arith.index_cast %swap3A_78 : i32 to index
      %swap3A_80 = arith.constant 16 : index
      %swap3A_81 = tpu.vector_load %arg8[%swap3A_79, %swap3A_80] {strides = array<i32>} : memref<8x80xi32, #tpu.memory_space<vmem>>, vector<1x16xi32>,
      %swap3A_82 = vector.shape_cast %swap3A_81 : vector<1x16xi32> to vector<16xi32>
      %swap3A_83 = vector.shape_cast %select_n3A_77 : vector<16xi32> to vector<1x16xi32>
      tpu.vector_store %arg8[%swap3A_79, %swap3A_80], %swap3A_83 {strides = array<i32>} : memref<8x80xi32, #tpu.memory_space<vmem>>, vector<1x16xi32>,
      %get3A_84 = arith.index_cast %mul3A_40 : i32 to index
      %get3A_85 = arith.constant 32 : index
      %get3A_86 = tpu.vector_load %arg7[%get3A_84, %get3A_85] {strides = array<i32>} : memref<250x80xi32, #tpu.memory_space<vmem>>, vector<1x16xi32>,
      %get3A_87 = vector.shape_cast %get3A_86 : vector<1x16xi32> to vector<16xi32>
      %sub3A_88 = vector.broadcast %mul3A_0 : i32 to vector<16xi32>
      %sub3A_89 = arith.subi %get3A_87, %sub3A_88 : vector<16xi32>
      %ge3A_90 = arith.constant 0 : i32
      %ge3A_91 = vector.broadcast %ge3A_90 : i32 to vector<16xi32>
      %ge3A_92 = arith.cmpi sge, %sub3A_89, %ge3A_91 : vector<16xi32>
      %lt3A_93 = arith.constant 5120 : i32
      %lt3A_94 = vector.broadcast %lt3A_93 : i32 to vector<16xi32>
      %lt3A_95 = arith.cmpi slt, %sub3A_89, %lt3A_94 : vector<16xi32>
      %and3A_96 = arith.andi %ge3A_92, %lt3A_95 : vector<16xi1>
      %broadcast_in_dim3A_97 = vector.broadcast %add3A_1 : i32 to vector<16xi32>
      %select_n3A_98 = arith.select %and3A_96, %sub3A_89, %broadcast_in_dim3A_97 : vector<16xi1>, vector<16xi32>
      %swap3A_99 = arith.constant 0 : i32
      %swap3A_100 = arith.index_cast %swap3A_99 : i32 to index
      %swap3A_101 = arith.constant 32 : index
      %swap3A_102 = tpu.vector_load %arg8[%swap3A_100, %swap3A_101] {strides = array<i32>} : memref<8x80xi32, #tpu.memory_space<vmem>>, vector<1x16xi32>,
      %swap3A_103 = vector.shape_cast %swap3A_102 : vector<1x16xi32> to vector<16xi32>
      %swap3A_104 = vector.shape_cast %select_n3A_98 : vector<16xi32> to vector<1x16xi32>
      tpu.vector_store %arg8[%swap3A_100, %swap3A_101], %swap3A_104 {strides = array<i32>} : memref<8x80xi32, #tpu.memory_space<vmem>>, vector<1x16xi32>,
      %get3A_105 = arith.index_cast %mul3A_40 : i32 to index
      %get3A_106 = arith.constant 48 : index
      %get3A_107 = tpu.vector_load %arg7[%get3A_105, %get3A_106] {strides = array<i32>} : memref<250x80xi32, #tpu.memory_space<vmem>>, vector<1x16xi32>,
      %get3A_108 = vector.shape_cast %get3A_107 : vector<1x16xi32> to vector<16xi32>
      %sub3A_109 = vector.broadcast %mul3A_0 : i32 to vector<16xi32>
      %sub3A_110 = arith.subi %get3A_108, %sub3A_109 : vector<16xi32>
      %ge3A_111 = arith.constant 0 : i32
      %ge3A_112 = vector.broadcast %ge3A_111 : i32 to vector<16xi32>
      %ge3A_113 = arith.cmpi sge, %sub3A_110, %ge3A_112 : vector<16xi32>
      %lt3A_114 = arith.constant 5120 : i32
      %lt3A_115 = vector.broadcast %lt3A_114 : i32 to vector<16xi32>
      %lt3A_116 = arith.cmpi slt, %sub3A_110, %lt3A_115 : vector<16xi32>
      %and3A_117 = arith.andi %ge3A_113, %lt3A_116 : vector<16xi1>
      %broadcast_in_dim3A_118 = vector.broadcast %add3A_1 : i32 to vector<16xi32>
      %select_n3A_119 = arith.select %and3A_117, %sub3A_110, %broadcast_in_dim3A_118 : vector<16xi1>, vector<16xi32>
      %swap3A_120 = arith.constant 0 : i32
      %swap3A_121 = arith.index_cast %swap3A_120 : i32 to index
      %swap3A_122 = arith.constant 48 : index
      %swap3A_123 = tpu.vector_load %arg8[%swap3A_121, %swap3A_122] {strides = array<i32>} : memref<8x80xi32, #tpu.memory_space<vmem>>, vector<1x16xi32>,
      %swap3A_124 = vector.shape_cast %swap3A_123 : vector<1x16xi32> to vector<16xi32>
      %swap3A_125 = vector.shape_cast %select_n3A_119 : vector<16xi32> to vector<1x16xi32>
      tpu.vector_store %arg8[%swap3A_121, %swap3A_122], %swap3A_125 {strides = array<i32>} : memref<8x80xi32, #tpu.memory_space<vmem>>, vector<1x16xi32>,
      %get3A_126 = arith.index_cast %mul3A_40 : i32 to index
      %get3A_127 = arith.constant 64 : index
      %get3A_128 = tpu.vector_load %arg7[%get3A_126, %get3A_127] {strides = array<i32>} : memref<250x80xi32, #tpu.memory_space<vmem>>, vector<1x16xi32>,
      %get3A_129 = vector.shape_cast %get3A_128 : vector<1x16xi32> to vector<16xi32>
      %sub3A_130 = vector.broadcast %mul3A_0 : i32 to vector<16xi32>
      %sub3A_131 = arith.subi %get3A_129, %sub3A_130 : vector<16xi32>
      %ge3A_132 = arith.constant 0 : i32
      %ge3A_133 = vector.broadcast %ge3A_132 : i32 to vector<16xi32>
      %ge3A_134 = arith.cmpi sge, %sub3A_131, %ge3A_133 : vector<16xi32>
      %lt3A_135 = arith.constant 5120 : i32
      %lt3A_136 = vector.broadcast %lt3A_135 : i32 to vector<16xi32>
      %lt3A_137 = arith.cmpi slt, %sub3A_131, %lt3A_136 : vector<16xi32>
      %and3A_138 = arith.andi %ge3A_134, %lt3A_137 : vector<16xi1>
      %broadcast_in_dim3A_139 = vector.broadcast %add3A_1 : i32 to vector<16xi32>
      %select_n3A_140 = arith.select %and3A_138, %sub3A_131, %broadcast_in_dim3A_139 : vector<16xi1>, vector<16xi32>
      %swap3A_141 = arith.constant 0 : i32
      %swap3A_142 = arith.index_cast %swap3A_141 : i32 to index
      %swap3A_143 = arith.constant 64 : index
      %swap3A_144 = tpu.vector_load %arg8[%swap3A_142, %swap3A_143] {strides = array<i32>} : memref<8x80xi32, #tpu.memory_space<vmem>>, vector<1x16xi32>,
      %swap3A_145 = vector.shape_cast %swap3A_144 : vector<1x16xi32> to vector<16xi32>
      %swap3A_146 = vector.shape_cast %select_n3A_140 : vector<16xi32> to vector<1x16xi32>
      tpu.vector_store %arg8[%swap3A_142, %swap3A_143], %swap3A_146 {strides = array<i32>} : memref<8x80xi32, #tpu.memory_space<vmem>>, vector<1x16xi32>,
      %run_scoped3A = arith.constant 0 : i32
      "tpu.region"() ({
        %run_scoped3A_167 = tpu.sem_alloc : memref<!tpu.dma_semaphore, #tpu.memory_space<semaphore_mem>>
        %dma_start3A_168 = arith.constant 0 : i32
        %dma_start3A_169 = tpu.memref_slice %arg8[%run_scoped3A, %dma_start3A_168] : memref<8x80xi32, #tpu.memory_space<vmem>> -> memref<1x80xi32, #tpu.memory_space<vmem>>
        %dma_start3A_170 = tpu.memref_squeeze %dma_start3A_169 : memref<1x80xi32, #tpu.memory_space<vmem>> -> memref<80xi32, #tpu.memory_space<vmem>>
        %dma_start3A_171 = arith.constant 0 : i32
        %dma_start3A_172 = arith.constant 0 : i32
        %dma_start3A_173 = tpu.memref_slice %arg12[%dma_start3A_171, %dma_start3A_172] : memref<5136x128xf32, #tpu.memory_space<vmem_shared>> -> memref<5136x128xf32, #tpu.memory_space<vmem_shared>>
        tpu.enqueue_indirect_dma source(%arg9 : memref<80x128xf32, #tpu.memory_space<vmem>>) target(%dma_start3A_173 : memref<5136x128xf32, #tpu.memory_space<vmem_shared>>) offsets(%dma_start3A_170 : memref<80xi32, #tpu.memory_space<vmem>>) semaphore(%run_scoped3A_167 : memref<!tpu.dma_semaphore, #tpu.memory_space<semaphore_mem>>) {add = true}
        %dma_wait3A_174 = arith.constant 0 : i32
        %dma_wait3A_175 = tpu.memref_slice %arg8[%run_scoped3A, %dma_wait3A_174] : memref<8x80xi32, #tpu.memory_space<vmem>> -> memref<1x80xi32, #tpu.memory_space<vmem>>
        %dma_wait3A_176 = tpu.memref_squeeze %dma_wait3A_175 : memref<1x80xi32, #tpu.memory_space<vmem>> -> memref<80xi32, #tpu.memory_space<vmem>>
        %dma_wait3A_177 = arith.constant 0 : i32
        %dma_wait3A_178 = arith.constant 0 : i32
        %dma_wait3A_179 = tpu.memref_slice %arg12[%dma_wait3A_177, %dma_wait3A_178] : memref<5136x128xf32, #tpu.memory_space<vmem_shared>> -> memref<5136x128xf32, #tpu.memory_space<vmem_shared>>
        tpu.wait_indirect_dma semaphore(%run_scoped3A_167 : memref<!tpu.dma_semaphore, #tpu.memory_space<semaphore_mem>>) src(%arg9 : memref<80x128xf32, #tpu.memory_space<vmem>>) dst(%dma_wait3A_179 : memref<5136x128xf32, #tpu.memory_space<vmem_shared>>)
        tpu.yield
      }) : () -> ()
      %dma_wait3A_147 = arith.constant 0 : i32
      %dma_wait3A_148 = tpu.memref_slice %arg6[%add3A_42, %dma_wait3A_147] : memref<250x80xi32, #tpu.memory_space<vmem>> -> memref<1x80xi32, #tpu.memory_space<vmem>>
      %dma_wait3A_149 = tpu.memref_squeeze %dma_wait3A_148 : memref<1x80xi32, #tpu.memory_space<vmem>> -> memref<80xi32, #tpu.memory_space<vmem>>
      %dma_wait3A_150 = arith.constant 0 : i32
      %dma_wait3A_151 = arith.constant 0 : i32
      %dma_wait3A_152 = tpu.memref_slice %arg2[%dma_wait3A_150, %dma_wait3A_151] : memref<10240x128xf32, #tpu.memory_space<hbm>> -> memref<10240x128xf32, #tpu.memory_space<hbm>>
      tpu.wait_indirect_dma semaphore(%arg14 : memref<!tpu.dma_semaphore, #tpu.memory_space<semaphore_mem>>) src(%dma_wait3A_152 : memref<10240x128xf32, #tpu.memory_space<hbm>>) dst(%arg10 : memref<80x128xf32, #tpu.memory_space<vmem>>)
      %add3A_153 = arith.constant 2 : i32
      %add3A_154 = arith.addi %mul3A_40, %add3A_153 : i32
      %lt3A_155 = arith.constant 250 : i32
      %lt3A_156 = arith.cmpi slt, %add3A_154, %lt3A_155 : i32
      %convert_element_type3A_157 = arith.extui %lt3A_156 : i1 to i32
      %cond3A_158 = arith.constant 0 : i32
      %cond3A_159 = arith.cmpi ne, %convert_element_type3A_157, %cond3A_158 : i32
      scf.if %cond3A_159 {
        %add3A_167 = arith.constant 2 : i32
        %add3A_168 = arith.addi %mul3A_40, %add3A_167 : i32
        %dma_start3A_169 = arith.constant 0 : i32
        %dma_start3A_170 = tpu.memref_slice %arg6[%add3A_168, %dma_start3A_169] : memref<250x80xi32, #tpu.memory_space<vmem>> -> memref<1x80xi32, #tpu.memory_space<vmem>>
        %dma_start3A_171 = tpu.memref_squeeze %dma_start3A_170 : memref<1x80xi32, #tpu.memory_space<vmem>> -> memref<80xi32, #tpu.memory_space<vmem>>
        %dma_start3A_172 = arith.constant 0 : i32
        %dma_start3A_173 = arith.constant 0 : i32
        %dma_start3A_174 = tpu.memref_slice %arg2[%dma_start3A_172, %dma_start3A_173] : memref<10240x128xf32, #tpu.memory_space<hbm>> -> memref<10240x128xf32, #tpu.memory_space<hbm>>
        tpu.enqueue_indirect_dma source(%dma_start3A_174 : memref<10240x128xf32, #tpu.memory_space<hbm>>) target(%arg9 : memref<80x128xf32, #tpu.memory_space<vmem>>) offsets(%dma_start3A_171 : memref<80xi32, #tpu.memory_space<vmem>>) semaphore(%arg13 : memref<!tpu.dma_semaphore, #tpu.memory_space<semaphore_mem>>)
        %add3A_175 = arith.constant 1 : i32
        %add3A_176 = arith.addi %mul3A_40, %add3A_175 : i32
        %get3A_177 = arith.index_cast %add3A_176 : i32 to index
        %get3A_178 = arith.constant 0 : index
        %get3A_179 = tpu.vector_load %arg7[%get3A_177, %get3A_178] {strides = array<i32>} : memref<250x80xi32, #tpu.memory_space<vmem>>, vector<1x16xi32>,
        %get3A_180 = vector.shape_cast %get3A_179 : vector<1x16xi32> to vector<16xi32>
        %sub3A_181 = vector.broadcast %mul3A_0 : i32 to vector<16xi32>
        %sub3A_182 = arith.subi %get3A_180, %sub3A_181 : vector<16xi32>
        %ge3A_183 = arith.constant 0 : i32
        %ge3A_184 = vector.broadcast %ge3A_183 : i32 to vector<16xi32>
        %ge3A_185 = arith.cmpi sge, %sub3A_182, %ge3A_184 : vector<16xi32>
        %lt3A_186 = arith.constant 5120 : i32
        %lt3A_187 = vector.broadcast %lt3A_186 : i32 to vector<16xi32>
        %lt3A_188 = arith.cmpi slt, %sub3A_182, %lt3A_187 : vector<16xi32>
        %and3A_189 = arith.andi %ge3A_185, %lt3A_188 : vector<16xi1>
        %broadcast_in_dim3A_190 = vector.broadcast %add3A_1 : i32 to vector<16xi32>
        %select_n3A_191 = arith.select %and3A_189, %sub3A_182, %broadcast_in_dim3A_190 : vector<16xi1>, vector<16xi32>
        %swap3A_192 = arith.constant 0 : i32
        %swap3A_193 = arith.index_cast %swap3A_192 : i32 to index
        %swap3A_194 = arith.constant 0 : index
        %swap3A_195 = tpu.vector_load %arg8[%swap3A_193, %swap3A_194] {strides = array<i32>} : memref<8x80xi32, #tpu.memory_space<vmem>>, vector<1x16xi32>,
        %swap3A_196 = vector.shape_cast %swap3A_195 : vector<1x16xi32> to vector<16xi32>
        %swap3A_197 = vector.shape_cast %select_n3A_191 : vector<16xi32> to vector<1x16xi32>
        tpu.vector_store %arg8[%swap3A_193, %swap3A_194], %swap3A_197 {strides = array<i32>} : memref<8x80xi32, #tpu.memory_space<vmem>>, vector<1x16xi32>,
        %get3A_198 = arith.index_cast %add3A_176 : i32 to index
        %get3A_199 = arith.constant 16 : index
        %get3A_200 = tpu.vector_load %arg7[%get3A_198, %get3A_199] {strides = array<i32>} : memref<250x80xi32, #tpu.memory_space<vmem>>, vector<1x16xi32>,
        %get3A_201 = vector.shape_cast %get3A_200 : vector<1x16xi32> to vector<16xi32>
        %sub3A_202 = vector.broadcast %mul3A_0 : i32 to vector<16xi32>
        %sub3A_203 = arith.subi %get3A_201, %sub3A_202 : vector<16xi32>
        %ge3A_204 = arith.constant 0 : i32
        %ge3A_205 = vector.broadcast %ge3A_204 : i32 to vector<16xi32>
        %ge3A_206 = arith.cmpi sge, %sub3A_203, %ge3A_205 : vector<16xi32>
        %lt3A_207 = arith.constant 5120 : i32
        %lt3A_208 = vector.broadcast %lt3A_207 : i32 to vector<16xi32>
        %lt3A_209 = arith.cmpi slt, %sub3A_203, %lt3A_208 : vector<16xi32>
        %and3A_210 = arith.andi %ge3A_206, %lt3A_209 : vector<16xi1>
        %broadcast_in_dim3A_211 = vector.broadcast %add3A_1 : i32 to vector<16xi32>
        %select_n3A_212 = arith.select %and3A_210, %sub3A_203, %broadcast_in_dim3A_211 : vector<16xi1>, vector<16xi32>
        %swap3A_213 = arith.constant 0 : i32
        %swap3A_214 = arith.index_cast %swap3A_213 : i32 to index
        %swap3A_215 = arith.constant 16 : index
        %swap3A_216 = tpu.vector_load %arg8[%swap3A_214, %swap3A_215] {strides = array<i32>} : memref<8x80xi32, #tpu.memory_space<vmem>>, vector<1x16xi32>,
        %swap3A_217 = vector.shape_cast %swap3A_216 : vector<1x16xi32> to vector<16xi32>
        %swap3A_218 = vector.shape_cast %select_n3A_212 : vector<16xi32> to vector<1x16xi32>
        tpu.vector_store %arg8[%swap3A_214, %swap3A_215], %swap3A_218 {strides = array<i32>} : memref<8x80xi32, #tpu.memory_space<vmem>>, vector<1x16xi32>,
        %get3A_219 = arith.index_cast %add3A_176 : i32 to index
        %get3A_220 = arith.constant 32 : index
        %get3A_221 = tpu.vector_load %arg7[%get3A_219, %get3A_220] {strides = array<i32>} : memref<250x80xi32, #tpu.memory_space<vmem>>, vector<1x16xi32>,
        %get3A_222 = vector.shape_cast %get3A_221 : vector<1x16xi32> to vector<16xi32>
        %sub3A_223 = vector.broadcast %mul3A_0 : i32 to vector<16xi32>
        %sub3A_224 = arith.subi %get3A_222, %sub3A_223 : vector<16xi32>
        %ge3A_225 = arith.constant 0 : i32
        %ge3A_226 = vector.broadcast %ge3A_225 : i32 to vector<16xi32>
        %ge3A_227 = arith.cmpi sge, %sub3A_224, %ge3A_226 : vector<16xi32>
        %lt3A_228 = arith.constant 5120 : i32
        %lt3A_229 = vector.broadcast %lt3A_228 : i32 to vector<16xi32>
        %lt3A_230 = arith.cmpi slt, %sub3A_224, %lt3A_229 : vector<16xi32>
        %and3A_231 = arith.andi %ge3A_227, %lt3A_230 : vector<16xi1>
        %broadcast_in_dim3A_232 = vector.broadcast %add3A_1 : i32 to vector<16xi32>
        %select_n3A_233 = arith.select %and3A_231, %sub3A_224, %broadcast_in_dim3A_232 : vector<16xi1>, vector<16xi32>
        %swap3A_234 = arith.constant 0 : i32
        %swap3A_235 = arith.index_cast %swap3A_234 : i32 to index
        %swap3A_236 = arith.constant 32 : index
        %swap3A_237 = tpu.vector_load %arg8[%swap3A_235, %swap3A_236] {strides = array<i32>} : memref<8x80xi32, #tpu.memory_space<vmem>>, vector<1x16xi32>,
        %swap3A_238 = vector.shape_cast %swap3A_237 : vector<1x16xi32> to vector<16xi32>
        %swap3A_239 = vector.shape_cast %select_n3A_233 : vector<16xi32> to vector<1x16xi32>
        tpu.vector_store %arg8[%swap3A_235, %swap3A_236], %swap3A_239 {strides = array<i32>} : memref<8x80xi32, #tpu.memory_space<vmem>>, vector<1x16xi32>,
        %get3A_240 = arith.index_cast %add3A_176 : i32 to index
        %get3A_241 = arith.constant 48 : index
        %get3A_242 = tpu.vector_load %arg7[%get3A_240, %get3A_241] {strides = array<i32>} : memref<250x80xi32, #tpu.memory_space<vmem>>, vector<1x16xi32>,
        %get3A_243 = vector.shape_cast %get3A_242 : vector<1x16xi32> to vector<16xi32>
        %sub3A_244 = vector.broadcast %mul3A_0 : i32 to vector<16xi32>
        %sub3A_245 = arith.subi %get3A_243, %sub3A_244 : vector<16xi32>
        %ge3A_246 = arith.constant 0 : i32
        %ge3A_247 = vector.broadcast %ge3A_246 : i32 to vector<16xi32>
        %ge3A_248 = arith.cmpi sge, %sub3A_245, %ge3A_247 : vector<16xi32>
        %lt3A_249 = arith.constant 5120 : i32
        %lt3A_250 = vector.broadcast %lt3A_249 : i32 to vector<16xi32>
        %lt3A_251 = arith.cmpi slt, %sub3A_245, %lt3A_250 : vector<16xi32>
        %and3A_252 = arith.andi %ge3A_248, %lt3A_251 : vector<16xi1>
        %broadcast_in_dim3A_253 = vector.broadcast %add3A_1 : i32 to vector<16xi32>
        %select_n3A_254 = arith.select %and3A_252, %sub3A_245, %broadcast_in_dim3A_253 : vector<16xi1>, vector<16xi32>
        %swap3A_255 = arith.constant 0 : i32
        %swap3A_256 = arith.index_cast %swap3A_255 : i32 to index
        %swap3A_257 = arith.constant 48 : index
        %swap3A_258 = tpu.vector_load %arg8[%swap3A_256, %swap3A_257] {strides = array<i32>} : memref<8x80xi32, #tpu.memory_space<vmem>>, vector<1x16xi32>,
        %swap3A_259 = vector.shape_cast %swap3A_258 : vector<1x16xi32> to vector<16xi32>
        %swap3A_260 = vector.shape_cast %select_n3A_254 : vector<16xi32> to vector<1x16xi32>
        tpu.vector_store %arg8[%swap3A_256, %swap3A_257], %swap3A_260 {strides = array<i32>} : memref<8x80xi32, #tpu.memory_space<vmem>>, vector<1x16xi32>,
        %get3A_261 = arith.index_cast %add3A_176 : i32 to index
        %get3A_262 = arith.constant 64 : index
        %get3A_263 = tpu.vector_load %arg7[%get3A_261, %get3A_262] {strides = array<i32>} : memref<250x80xi32, #tpu.memory_space<vmem>>, vector<1x16xi32>,
        %get3A_264 = vector.shape_cast %get3A_263 : vector<1x16xi32> to vector<16xi32>
        %sub3A_265 = vector.broadcast %mul3A_0 : i32 to vector<16xi32>
        %sub3A_266 = arith.subi %get3A_264, %sub3A_265 : vector<16xi32>
        %ge3A_267 = arith.constant 0 : i32
        %ge3A_268 = vector.broadcast %ge3A_267 : i32 to vector<16xi32>
        %ge3A_269 = arith.cmpi sge, %sub3A_266, %ge3A_268 : vector<16xi32>
        %lt3A_270 = arith.constant 5120 : i32
        %lt3A_271 = vector.broadcast %lt3A_270 : i32 to vector<16xi32>
        %lt3A_272 = arith.cmpi slt, %sub3A_266, %lt3A_271 : vector<16xi32>
        %and3A_273 = arith.andi %ge3A_269, %lt3A_272 : vector<16xi1>
        %broadcast_in_dim3A_274 = vector.broadcast %add3A_1 : i32 to vector<16xi32>
        %select_n3A_275 = arith.select %and3A_273, %sub3A_266, %broadcast_in_dim3A_274 : vector<16xi1>, vector<16xi32>
        %swap3A_276 = arith.constant 0 : i32
        %swap3A_277 = arith.index_cast %swap3A_276 : i32 to index
        %swap3A_278 = arith.constant 64 : index
        %swap3A_279 = tpu.vector_load %arg8[%swap3A_277, %swap3A_278] {strides = array<i32>} : memref<8x80xi32, #tpu.memory_space<vmem>>, vector<1x16xi32>,
        %swap3A_280 = vector.shape_cast %swap3A_279 : vector<1x16xi32> to vector<16xi32>
        %swap3A_281 = vector.shape_cast %select_n3A_275 : vector<16xi32> to vector<1x16xi32>
        tpu.vector_store %arg8[%swap3A_277, %swap3A_278], %swap3A_281 {strides = array<i32>} : memref<8x80xi32, #tpu.memory_space<vmem>>, vector<1x16xi32>,
        %run_scoped3A_282 = arith.constant 0 : i32
        "tpu.region"() ({
          %run_scoped3A_289 = tpu.sem_alloc : memref<!tpu.dma_semaphore, #tpu.memory_space<semaphore_mem>>
          %dma_start3A_290 = arith.constant 0 : i32
          %dma_start3A_291 = tpu.memref_slice %arg8[%run_scoped3A_282, %dma_start3A_290] : memref<8x80xi32, #tpu.memory_space<vmem>> -> memref<1x80xi32, #tpu.memory_space<vmem>>
          %dma_start3A_292 = tpu.memref_squeeze %dma_start3A_291 : memref<1x80xi32, #tpu.memory_space<vmem>> -> memref<80xi32, #tpu.memory_space<vmem>>
          %dma_start3A_293 = arith.constant 0 : i32
          %dma_start3A_294 = arith.constant 0 : i32
          %dma_start3A_295 = tpu.memref_slice %arg12[%dma_start3A_293, %dma_start3A_294] : memref<5136x128xf32, #tpu.memory_space<vmem_shared>> -> memref<5136x128xf32, #tpu.memory_space<vmem_shared>>
          tpu.enqueue_indirect_dma source(%arg10 : memref<80x128xf32, #tpu.memory_space<vmem>>) target(%dma_start3A_295 : memref<5136x128xf32, #tpu.memory_space<vmem_shared>>) offsets(%dma_start3A_292 : memref<80xi32, #tpu.memory_space<vmem>>) semaphore(%run_scoped3A_289 : memref<!tpu.dma_semaphore, #tpu.memory_space<semaphore_mem>>) {add = true}
          %dma_wait3A_296 = arith.constant 0 : i32
          %dma_wait3A_297 = tpu.memref_slice %arg8[%run_scoped3A_282, %dma_wait3A_296] : memref<8x80xi32, #tpu.memory_space<vmem>> -> memref<1x80xi32, #tpu.memory_space<vmem>>
          %dma_wait3A_298 = tpu.memref_squeeze %dma_wait3A_297 : memref<1x80xi32, #tpu.memory_space<vmem>> -> memref<80xi32, #tpu.memory_space<vmem>>
          %dma_wait3A_299 = arith.constant 0 : i32
          %dma_wait3A_300 = arith.constant 0 : i32
          %dma_wait3A_301 = tpu.memref_slice %arg12[%dma_wait3A_299, %dma_wait3A_300] : memref<5136x128xf32, #tpu.memory_space<vmem_shared>> -> memref<5136x128xf32, #tpu.memory_space<vmem_shared>>
          tpu.wait_indirect_dma semaphore(%run_scoped3A_289 : memref<!tpu.dma_semaphore, #tpu.memory_space<semaphore_mem>>) src(%arg10 : memref<80x128xf32, #tpu.memory_space<vmem>>) dst(%dma_wait3A_301 : memref<5136x128xf32, #tpu.memory_space<vmem_shared>>)
          tpu.yield
        }) : () -> ()
        %dma_wait3A_283 = arith.constant 0 : i32
        %dma_wait3A_284 = tpu.memref_slice %arg6[%add3A_168, %dma_wait3A_283] : memref<250x80xi32, #tpu.memory_space<vmem>> -> memref<1x80xi32, #tpu.memory_space<vmem>>
        %dma_wait3A_285 = tpu.memref_squeeze %dma_wait3A_284 : memref<1x80xi32, #tpu.memory_space<vmem>> -> memref<80xi32, #tpu.memory_space<vmem>>
        %dma_wait3A_286 = arith.constant 0 : i32
        %dma_wait3A_287 = arith.constant 0 : i32
        %dma_wait3A_288 = tpu.memref_slice %arg2[%dma_wait3A_286, %dma_wait3A_287] : memref<10240x128xf32, #tpu.memory_space<hbm>> -> memref<10240x128xf32, #tpu.memory_space<hbm>>
        tpu.wait_indirect_dma semaphore(%arg13 : memref<!tpu.dma_semaphore, #tpu.memory_space<semaphore_mem>>) src(%dma_wait3A_288 : memref<10240x128xf32, #tpu.memory_space<hbm>>) dst(%arg9 : memref<80x128xf32, #tpu.memory_space<vmem>>)
      } else {
      }
      %add3A_160 = arith.constant 2 : i32
      %add3A_161 = arith.addi %mul3A_40, %add3A_160 : i32
      %ge3A_162 = arith.constant 250 : i32
      %ge3A_163 = arith.cmpi sge, %add3A_161, %ge3A_162 : i32
      %convert_element_type3A_164 = arith.extui %ge3A_163 : i1 to i32
      %cond3A_165 = arith.constant 0 : i32
      %cond3A_166 = arith.cmpi ne, %convert_element_type3A_164, %cond3A_165 : i32
      scf.if %cond3A_166 {
        %add3A_167 = arith.constant 1 : i32
        %add3A_168 = arith.addi %mul3A_40, %add3A_167 : i32
        %get3A_169 = arith.index_cast %add3A_168 : i32 to index
        %get3A_170 = arith.constant 0 : index
        %get3A_171 = tpu.vector_load %arg7[%get3A_169, %get3A_170] {strides = array<i32>} : memref<250x80xi32, #tpu.memory_space<vmem>>, vector<1x16xi32>,
        %get3A_172 = vector.shape_cast %get3A_171 : vector<1x16xi32> to vector<16xi32>
        %sub3A_173 = vector.broadcast %mul3A_0 : i32 to vector<16xi32>
        %sub3A_174 = arith.subi %get3A_172, %sub3A_173 : vector<16xi32>
        %ge3A_175 = arith.constant 0 : i32
        %ge3A_176 = vector.broadcast %ge3A_175 : i32 to vector<16xi32>
        %ge3A_177 = arith.cmpi sge, %sub3A_174, %ge3A_176 : vector<16xi32>
        %lt3A_178 = arith.constant 5120 : i32
        %lt3A_179 = vector.broadcast %lt3A_178 : i32 to vector<16xi32>
        %lt3A_180 = arith.cmpi slt, %sub3A_174, %lt3A_179 : vector<16xi32>
        %and3A_181 = arith.andi %ge3A_177, %lt3A_180 : vector<16xi1>
        %broadcast_in_dim3A_182 = vector.broadcast %add3A_1 : i32 to vector<16xi32>
        %select_n3A_183 = arith.select %and3A_181, %sub3A_174, %broadcast_in_dim3A_182 : vector<16xi1>, vector<16xi32>
        %swap3A_184 = arith.constant 0 : i32
        %swap3A_185 = arith.index_cast %swap3A_184 : i32 to index
        %swap3A_186 = arith.constant 0 : index
        %swap3A_187 = tpu.vector_load %arg8[%swap3A_185, %swap3A_186] {strides = array<i32>} : memref<8x80xi32, #tpu.memory_space<vmem>>, vector<1x16xi32>,
        %swap3A_188 = vector.shape_cast %swap3A_187 : vector<1x16xi32> to vector<16xi32>
        %swap3A_189 = vector.shape_cast %select_n3A_183 : vector<16xi32> to vector<1x16xi32>
        tpu.vector_store %arg8[%swap3A_185, %swap3A_186], %swap3A_189 {strides = array<i32>} : memref<8x80xi32, #tpu.memory_space<vmem>>, vector<1x16xi32>,
        %get3A_190 = arith.index_cast %add3A_168 : i32 to index
        %get3A_191 = arith.constant 16 : index
        %get3A_192 = tpu.vector_load %arg7[%get3A_190, %get3A_191] {strides = array<i32>} : memref<250x80xi32, #tpu.memory_space<vmem>>, vector<1x16xi32>,
        %get3A_193 = vector.shape_cast %get3A_192 : vector<1x16xi32> to vector<16xi32>
        %sub3A_194 = vector.broadcast %mul3A_0 : i32 to vector<16xi32>
        %sub3A_195 = arith.subi %get3A_193, %sub3A_194 : vector<16xi32>
        %ge3A_196 = arith.constant 0 : i32
        %ge3A_197 = vector.broadcast %ge3A_196 : i32 to vector<16xi32>
        %ge3A_198 = arith.cmpi sge, %sub3A_195, %ge3A_197 : vector<16xi32>
        %lt3A_199 = arith.constant 5120 : i32
        %lt3A_200 = vector.broadcast %lt3A_199 : i32 to vector<16xi32>
        %lt3A_201 = arith.cmpi slt, %sub3A_195, %lt3A_200 : vector<16xi32>
        %and3A_202 = arith.andi %ge3A_198, %lt3A_201 : vector<16xi1>
        %broadcast_in_dim3A_203 = vector.broadcast %add3A_1 : i32 to vector<16xi32>
        %select_n3A_204 = arith.select %and3A_202, %sub3A_195, %broadcast_in_dim3A_203 : vector<16xi1>, vector<16xi32>
        %swap3A_205 = arith.constant 0 : i32
        %swap3A_206 = arith.index_cast %swap3A_205 : i32 to index
        %swap3A_207 = arith.constant 16 : index
        %swap3A_208 = tpu.vector_load %arg8[%swap3A_206, %swap3A_207] {strides = array<i32>} : memref<8x80xi32, #tpu.memory_space<vmem>>, vector<1x16xi32>,
        %swap3A_209 = vector.shape_cast %swap3A_208 : vector<1x16xi32> to vector<16xi32>
        %swap3A_210 = vector.shape_cast %select_n3A_204 : vector<16xi32> to vector<1x16xi32>
        tpu.vector_store %arg8[%swap3A_206, %swap3A_207], %swap3A_210 {strides = array<i32>} : memref<8x80xi32, #tpu.memory_space<vmem>>, vector<1x16xi32>,
        %get3A_211 = arith.index_cast %add3A_168 : i32 to index
        %get3A_212 = arith.constant 32 : index
        %get3A_213 = tpu.vector_load %arg7[%get3A_211, %get3A_212] {strides = array<i32>} : memref<250x80xi32, #tpu.memory_space<vmem>>, vector<1x16xi32>,
        %get3A_214 = vector.shape_cast %get3A_213 : vector<1x16xi32> to vector<16xi32>
        %sub3A_215 = vector.broadcast %mul3A_0 : i32 to vector<16xi32>
        %sub3A_216 = arith.subi %get3A_214, %sub3A_215 : vector<16xi32>
        %ge3A_217 = arith.constant 0 : i32
        %ge3A_218 = vector.broadcast %ge3A_217 : i32 to vector<16xi32>
        %ge3A_219 = arith.cmpi sge, %sub3A_216, %ge3A_218 : vector<16xi32>
        %lt3A_220 = arith.constant 5120 : i32
        %lt3A_221 = vector.broadcast %lt3A_220 : i32 to vector<16xi32>
        %lt3A_222 = arith.cmpi slt, %sub3A_216, %lt3A_221 : vector<16xi32>
        %and3A_223 = arith.andi %ge3A_219, %lt3A_222 : vector<16xi1>
        %broadcast_in_dim3A_224 = vector.broadcast %add3A_1 : i32 to vector<16xi32>
        %select_n3A_225 = arith.select %and3A_223, %sub3A_216, %broadcast_in_dim3A_224 : vector<16xi1>, vector<16xi32>
        %swap3A_226 = arith.constant 0 : i32
        %swap3A_227 = arith.index_cast %swap3A_226 : i32 to index
        %swap3A_228 = arith.constant 32 : index
        %swap3A_229 = tpu.vector_load %arg8[%swap3A_227, %swap3A_228] {strides = array<i32>} : memref<8x80xi32, #tpu.memory_space<vmem>>, vector<1x16xi32>,
        %swap3A_230 = vector.shape_cast %swap3A_229 : vector<1x16xi32> to vector<16xi32>
        %swap3A_231 = vector.shape_cast %select_n3A_225 : vector<16xi32> to vector<1x16xi32>
        tpu.vector_store %arg8[%swap3A_227, %swap3A_228], %swap3A_231 {strides = array<i32>} : memref<8x80xi32, #tpu.memory_space<vmem>>, vector<1x16xi32>,
        %get3A_232 = arith.index_cast %add3A_168 : i32 to index
        %get3A_233 = arith.constant 48 : index
        %get3A_234 = tpu.vector_load %arg7[%get3A_232, %get3A_233] {strides = array<i32>} : memref<250x80xi32, #tpu.memory_space<vmem>>, vector<1x16xi32>,
        %get3A_235 = vector.shape_cast %get3A_234 : vector<1x16xi32> to vector<16xi32>
        %sub3A_236 = vector.broadcast %mul3A_0 : i32 to vector<16xi32>
        %sub3A_237 = arith.subi %get3A_235, %sub3A_236 : vector<16xi32>
        %ge3A_238 = arith.constant 0 : i32
        %ge3A_239 = vector.broadcast %ge3A_238 : i32 to vector<16xi32>
        %ge3A_240 = arith.cmpi sge, %sub3A_237, %ge3A_239 : vector<16xi32>
        %lt3A_241 = arith.constant 5120 : i32
        %lt3A_242 = vector.broadcast %lt3A_241 : i32 to vector<16xi32>
        %lt3A_243 = arith.cmpi slt, %sub3A_237, %lt3A_242 : vector<16xi32>
        %and3A_244 = arith.andi %ge3A_240, %lt3A_243 : vector<16xi1>
        %broadcast_in_dim3A_245 = vector.broadcast %add3A_1 : i32 to vector<16xi32>
        %select_n3A_246 = arith.select %and3A_244, %sub3A_237, %broadcast_in_dim3A_245 : vector<16xi1>, vector<16xi32>
        %swap3A_247 = arith.constant 0 : i32
        %swap3A_248 = arith.index_cast %swap3A_247 : i32 to index
        %swap3A_249 = arith.constant 48 : index
        %swap3A_250 = tpu.vector_load %arg8[%swap3A_248, %swap3A_249] {strides = array<i32>} : memref<8x80xi32, #tpu.memory_space<vmem>>, vector<1x16xi32>,
        %swap3A_251 = vector.shape_cast %swap3A_250 : vector<1x16xi32> to vector<16xi32>
        %swap3A_252 = vector.shape_cast %select_n3A_246 : vector<16xi32> to vector<1x16xi32>
        tpu.vector_store %arg8[%swap3A_248, %swap3A_249], %swap3A_252 {strides = array<i32>} : memref<8x80xi32, #tpu.memory_space<vmem>>, vector<1x16xi32>,
        %get3A_253 = arith.index_cast %add3A_168 : i32 to index
        %get3A_254 = arith.constant 64 : index
        %get3A_255 = tpu.vector_load %arg7[%get3A_253, %get3A_254] {strides = array<i32>} : memref<250x80xi32, #tpu.memory_space<vmem>>, vector<1x16xi32>,
        %get3A_256 = vector.shape_cast %get3A_255 : vector<1x16xi32> to vector<16xi32>
        %sub3A_257 = vector.broadcast %mul3A_0 : i32 to vector<16xi32>
        %sub3A_258 = arith.subi %get3A_256, %sub3A_257 : vector<16xi32>
        %ge3A_259 = arith.constant 0 : i32
        %ge3A_260 = vector.broadcast %ge3A_259 : i32 to vector<16xi32>
        %ge3A_261 = arith.cmpi sge, %sub3A_258, %ge3A_260 : vector<16xi32>
        %lt3A_262 = arith.constant 5120 : i32
        %lt3A_263 = vector.broadcast %lt3A_262 : i32 to vector<16xi32>
        %lt3A_264 = arith.cmpi slt, %sub3A_258, %lt3A_263 : vector<16xi32>
        %and3A_265 = arith.andi %ge3A_261, %lt3A_264 : vector<16xi1>
        %broadcast_in_dim3A_266 = vector.broadcast %add3A_1 : i32 to vector<16xi32>
        %select_n3A_267 = arith.select %and3A_265, %sub3A_258, %broadcast_in_dim3A_266 : vector<16xi1>, vector<16xi32>
        %swap3A_268 = arith.constant 0 : i32
        %swap3A_269 = arith.index_cast %swap3A_268 : i32 to index
        %swap3A_270 = arith.constant 64 : index
        %swap3A_271 = tpu.vector_load %arg8[%swap3A_269, %swap3A_270] {strides = array<i32>} : memref<8x80xi32, #tpu.memory_space<vmem>>, vector<1x16xi32>,
        %swap3A_272 = vector.shape_cast %swap3A_271 : vector<1x16xi32> to vector<16xi32>
        %swap3A_273 = vector.shape_cast %select_n3A_267 : vector<16xi32> to vector<1x16xi32>
        tpu.vector_store %arg8[%swap3A_269, %swap3A_270], %swap3A_273 {strides = array<i32>} : memref<8x80xi32, #tpu.memory_space<vmem>>, vector<1x16xi32>,
        %run_scoped3A_274 = arith.constant 0 : i32
        "tpu.region"() ({
          %run_scoped3A_275 = tpu.sem_alloc : memref<!tpu.dma_semaphore, #tpu.memory_space<semaphore_mem>>
          %dma_start3A_276 = arith.constant 0 : i32
          %dma_start3A_277 = tpu.memref_slice %arg8[%run_scoped3A_274, %dma_start3A_276] : memref<8x80xi32, #tpu.memory_space<vmem>> -> memref<1x80xi32, #tpu.memory_space<vmem>>
          %dma_start3A_278 = tpu.memref_squeeze %dma_start3A_277 : memref<1x80xi32, #tpu.memory_space<vmem>> -> memref<80xi32, #tpu.memory_space<vmem>>
          %dma_start3A_279 = arith.constant 0 : i32
          %dma_start3A_280 = arith.constant 0 : i32
          %dma_start3A_281 = tpu.memref_slice %arg12[%dma_start3A_279, %dma_start3A_280] : memref<5136x128xf32, #tpu.memory_space<vmem_shared>> -> memref<5136x128xf32, #tpu.memory_space<vmem_shared>>
          tpu.enqueue_indirect_dma source(%arg10 : memref<80x128xf32, #tpu.memory_space<vmem>>) target(%dma_start3A_281 : memref<5136x128xf32, #tpu.memory_space<vmem_shared>>) offsets(%dma_start3A_278 : memref<80xi32, #tpu.memory_space<vmem>>) semaphore(%run_scoped3A_275 : memref<!tpu.dma_semaphore, #tpu.memory_space<semaphore_mem>>) {add = true}
          %dma_wait3A_282 = arith.constant 0 : i32
          %dma_wait3A_283 = tpu.memref_slice %arg8[%run_scoped3A_274, %dma_wait3A_282] : memref<8x80xi32, #tpu.memory_space<vmem>> -> memref<1x80xi32, #tpu.memory_space<vmem>>
          %dma_wait3A_284 = tpu.memref_squeeze %dma_wait3A_283 : memref<1x80xi32, #tpu.memory_space<vmem>> -> memref<80xi32, #tpu.memory_space<vmem>>
          %dma_wait3A_285 = arith.constant 0 : i32
          %dma_wait3A_286 = arith.constant 0 : i32
          %dma_wait3A_287 = tpu.memref_slice %arg12[%dma_wait3A_285, %dma_wait3A_286] : memref<5136x128xf32, #tpu.memory_space<vmem_shared>> -> memref<5136x128xf32, #tpu.memory_space<vmem_shared>>
          tpu.wait_indirect_dma semaphore(%run_scoped3A_275 : memref<!tpu.dma_semaphore, #tpu.memory_space<semaphore_mem>>) src(%arg10 : memref<80x128xf32, #tpu.memory_space<vmem>>) dst(%dma_wait3A_287 : memref<5136x128xf32, #tpu.memory_space<vmem_shared>>)
          tpu.yield
        }) : () -> ()
      } else {
      }
    }
    %scan3A_33 = arith.constant 125 : i32
    %barrier3A_34 = arith.constant 0 : index
    tpu.barrier barrier_id(%barrier3A_34)
    %mul3A_35 = arith.constant 320 : i32
    %mul3A_36 = arith.muli %arg1, %mul3A_35 : i32
    %add3A_37 = arith.addi %mul3A_0, %mul3A_36 : i32
    "tpu.region"() ({
      %run_scoped3A = tpu.sem_alloc : memref<!tpu.dma_semaphore, #tpu.memory_space<semaphore_mem>>
      %dma_start3A_38 = arith.constant 0 : i32
      %dma_start3A_39 = tpu.memref_slice %arg5[%add3A_37, %dma_start3A_38] : memref<10240x128xf32, #tpu.memory_space<hbm>> -> memref<320x128xf32, #tpu.memory_space<hbm>>
      %dma_start3A_40 = arith.constant 0 : i32
      %dma_start3A_41 = tpu.memref_slice %arg12[%mul3A_36, %dma_start3A_40] : memref<5136x128xf32, #tpu.memory_space<vmem_shared>> -> memref<320x128xf32, #tpu.memory_space<vmem_shared>>
      tpu.enqueue_dma source(%dma_start3A_41 : memref<320x128xf32, #tpu.memory_space<vmem_shared>>) target(%dma_start3A_39 : memref<320x128xf32, #tpu.memory_space<hbm>>) target_semaphore(%run_scoped3A : memref<!tpu.dma_semaphore, #tpu.memory_space<semaphore_mem>>)
      %dma_wait3A_42 = arith.constant 0 : i32
      %dma_wait3A_43 = tpu.memref_slice %arg5[%add3A_37, %dma_wait3A_42] : memref<10240x128xf32, #tpu.memory_space<hbm>> -> memref<320x128xf32, #tpu.memory_space<hbm>>
      %dma_wait3A_44 = arith.constant 0 : i32
      %dma_wait3A_45 = tpu.memref_slice %arg12[%mul3A_36, %dma_wait3A_44] : memref<5136x128xf32, #tpu.memory_space<vmem_shared>> -> memref<320x128xf32, #tpu.memory_space<vmem_shared>>
      tpu.wait_dma2 semaphore(%run_scoped3A : memref<!tpu.dma_semaphore, #tpu.memory_space<semaphore_mem>>) src(%dma_wait3A_45 : memref<320x128xf32, #tpu.memory_space<vmem_shared>>) dst(%dma_wait3A_43 : memref<320x128xf32, #tpu.memory_space<hbm>>)
      tpu.yield
    }) : () -> ()
    return
  }
}

module attributes {stable_mosaic.version = 14 : i64} {
  func.func @_tc_a_body(%arg0: i32, %arg1: memref<1024x128xf32, #tpu.memory_space<vmem>>, %arg2: memref<128x128xf32, #tpu.memory_space<vmem>>, %arg3: memref<2x1024x16xf32, #tpu.memory_space<vmem>>, %arg4: memref<1024x128xf32, #tpu.memory_space<vmem>>) attributes {dimension_semantics = [#tpu.dimension_semantics<arbitrary>], iteration_bounds = array<i64: 10>, scalar_prefetch = 0 : i64, scratch_operands = 0 : i64, tpu.core_type = #tpu.core_type<tc>, window_params = [{transform_indices = @transform_0, window_bounds = array<i64: 1024, 128>}, {pipeline_mode = #tpu.pipeline_mode<synchronous>, transform_indices = @transform_1, window_bounds = array<i64: 128, 128>}, {transform_indices = @transform_2, window_bounds = array<i64: 2, 1024, 16>}, {transform_indices = @transform_3, window_bounds = array<i64: 1024, 128>}]} {
    %get3A = arith.constant 0 : index
    %get3A_0 = arith.constant 0 : index
    %get3A_1 = arith.constant 0 : index
    %get3A_2 = vector.load %arg3[%get3A, %get3A_0, %get3A_1] : memref<2x1024x16xf32, #tpu.memory_space<vmem>>, vector<1x1024x1xf32>
    %get3A_3 = vector.shape_cast %get3A_2 : vector<1x1024x1xf32> to vector<1024x1xf32>
    %get3A_4 = arith.constant 1 : index
    %get3A_5 = arith.constant 0 : index
    %get3A_6 = arith.constant 0 : index
    %get3A_7 = vector.load %arg3[%get3A_4, %get3A_5, %get3A_6] : memref<2x1024x16xf32, #tpu.memory_space<vmem>>, vector<1x1024x1xf32>
    %get3A_8 = vector.shape_cast %get3A_7 : vector<1x1024x1xf32> to vector<1024x1xf32>
    %add3A = arith.addf %get3A_3, %get3A_8 : vector<1024x1xf32>
    %add3A_9 = arith.constant 1.000000e+00 : f32
    %add3A_10 = vector.broadcast %add3A_9 : f32 to vector<1024x1xf32>
    %add3A_11 = arith.addf %add3A, %add3A_10 : vector<1024x1xf32>
    %rsqrt3A = math.rsqrt %add3A_11 : vector<1024x1xf32>
    %get3A_12 = arith.constant 0 : index
    %get3A_13 = arith.constant 0 : index
    %get3A_14 = vector.load %arg1[%get3A_12, %get3A_13] : memref<1024x128xf32, #tpu.memory_space<vmem>>, vector<1024x128xf32>
    %get3A_15 = arith.constant 0 : index
    %get3A_16 = arith.constant 0 : index
    %get3A_17 = vector.load %arg2[%get3A_15, %get3A_16] : memref<128x128xf32, #tpu.memory_space<vmem>>, vector<128x128xf32>
    %dot_general3A = arith.constant dense<0.000000e+00> : vector<1024x128xf32>
    %dot_general3A_18 = tpu.matmul %get3A_14, %get3A_17, %dot_general3A {dimension_numbers = #tpu.dot_dimension_numbers<[1], [0], [0], [1], [0, 0, 1, 1], [], []>, transpose_lhs_hint = false} : vector<1024x128xf32>, vector<128x128xf32>, vector<1024x128xf32> -> vector<1024x128xf32>
    %mul3A = vector.broadcast %rsqrt3A : vector<1024x1xf32> to vector<1024x128xf32>
    %mul3A_19 = arith.mulf %mul3A, %dot_general3A_18 : vector<1024x128xf32>
    %swap3A = arith.constant 0 : index
    %swap3A_20 = arith.constant 0 : index
    %swap3A_21 = vector.load %arg4[%swap3A, %swap3A_20] : memref<1024x128xf32, #tpu.memory_space<vmem>>, vector<1024x128xf32>
    tpu.vector_store %arg4[%swap3A, %swap3A_20], %mul3A_19 {strides = array<i32>} : memref<1024x128xf32, #tpu.memory_space<vmem>>, vector<1024x128xf32>,
    return
  }
  func.func @transform_0(%arg0: i32) -> (i32, i32) {
    %c0_i32 = arith.constant 0 : i32
    %c0_i32_0 = arith.constant 0 : i32
    return %arg0, %c0_i32 : i32, i32
  }
  func.func @transform_1(%arg0: i32) -> (i32, i32) {
    %c0_i32 = arith.constant 0 : i32
    %c0_i32_0 = arith.constant 0 : i32
    %c0_i32_1 = arith.constant 0 : i32
    return %c0_i32, %c0_i32_0 : i32, i32
  }
  func.func @transform_2(%arg0: i32) -> (i32, i32, i32) {
    %c0_i32 = arith.constant 0 : i32
    %c0_i32_0 = arith.constant 0 : i32
    %c0_i32_1 = arith.constant 0 : i32
    return %c0_i32, %arg0, %c0_i32_0 : i32, i32, i32
  }
  func.func @transform_3(%arg0: i32) -> (i32, i32) {
    %c0_i32 = arith.constant 0 : i32
    %c0_i32_0 = arith.constant 0 : i32
    return %arg0, %c0_i32 : i32, i32
  }
}

module attributes {stable_mosaic.version = 14 : i64} {
  func.func @_tc_b_body(%arg0: i32, %arg1: memref<1024x128xf32, #tpu.memory_space<vmem>>, %arg2: memref<1024x128xf32, #tpu.memory_space<vmem>>, %arg3: memref<2x1024x16xf32, #tpu.memory_space<vmem>>, %arg4: memref<1x128xf32, #tpu.memory_space<vmem>>, %arg5: memref<1024x128xf32, #tpu.memory_space<vmem>>) attributes {dimension_semantics = [#tpu.dimension_semantics<arbitrary>], iteration_bounds = array<i64: 10>, scalar_prefetch = 0 : i64, scratch_operands = 0 : i64, tpu.core_type = #tpu.core_type<tc>, window_params = [{transform_indices = @transform_0, window_bounds = array<i64: 1024, 128>}, {transform_indices = @transform_1, window_bounds = array<i64: 1024, 128>}, {transform_indices = @transform_2, window_bounds = array<i64: 2, 1024, 16>}, {pipeline_mode = #tpu.pipeline_mode<synchronous>, transform_indices = @transform_3, window_bounds = array<i64: 1, 128>}, {transform_indices = @transform_4, window_bounds = array<i64: 1024, 128>}]} {
    %get3A = arith.constant 0 : index
    %get3A_0 = arith.constant 0 : index
    %get3A_1 = arith.constant 0 : index
    %get3A_2 = vector.load %arg3[%get3A, %get3A_0, %get3A_1] : memref<2x1024x16xf32, #tpu.memory_space<vmem>>, vector<1x1024x1xf32>
    %get3A_3 = vector.shape_cast %get3A_2 : vector<1x1024x1xf32> to vector<1024x1xf32>
    %get3A_4 = arith.constant 1 : index
    %get3A_5 = arith.constant 0 : index
    %get3A_6 = arith.constant 0 : index
    %get3A_7 = vector.load %arg3[%get3A_4, %get3A_5, %get3A_6] : memref<2x1024x16xf32, #tpu.memory_space<vmem>>, vector<1x1024x1xf32>
    %get3A_8 = vector.shape_cast %get3A_7 : vector<1x1024x1xf32> to vector<1024x1xf32>
    %add3A = arith.addf %get3A_3, %get3A_8 : vector<1024x1xf32>
    %add3A_9 = arith.constant 1.000000e+00 : f32
    %add3A_10 = vector.broadcast %add3A_9 : f32 to vector<1024x1xf32>
    %add3A_11 = arith.addf %add3A, %add3A_10 : vector<1024x1xf32>
    %rsqrt3A = math.rsqrt %add3A_11 : vector<1024x1xf32>
    %get3A_12 = arith.constant 0 : index
    %get3A_13 = arith.constant 0 : index
    %get3A_14 = vector.load %arg1[%get3A_12, %get3A_13] : memref<1024x128xf32, #tpu.memory_space<vmem>>, vector<1024x128xf32>
    %get3A_15 = arith.constant 0 : index
    %get3A_16 = arith.constant 0 : index
    %get3A_17 = vector.load %arg2[%get3A_15, %get3A_16] : memref<1024x128xf32, #tpu.memory_space<vmem>>, vector<1024x128xf32>
    %add3A_18 = arith.addf %get3A_14, %get3A_17 : vector<1024x128xf32>
    %mul3A = vector.broadcast %rsqrt3A : vector<1024x1xf32> to vector<1024x128xf32>
    %mul3A_19 = arith.mulf %mul3A, %add3A_18 : vector<1024x128xf32>
    %get3A_20 = arith.constant 0 : index
    %get3A_21 = arith.constant 0 : index
    %get3A_22 = vector.load %arg4[%get3A_20, %get3A_21] : memref<1x128xf32, #tpu.memory_space<vmem>>, vector<1x128xf32>
    %add3A_23 = vector.broadcast %get3A_22 : vector<1x128xf32> to vector<1024x128xf32>
    %add3A_24 = arith.addf %mul3A_19, %add3A_23 : vector<1024x128xf32>
    %max3A = arith.constant 0.000000e+00 : f32
    %max3A_25 = vector.broadcast %max3A : f32 to vector<1024x128xf32>
    %max3A_26 = arith.maximumf %add3A_24, %max3A_25 : vector<1024x128xf32>
    %mul3A_27 = vector.broadcast %rsqrt3A : vector<1024x1xf32> to vector<1024x128xf32>
    %mul3A_28 = arith.mulf %mul3A_27, %max3A_26 : vector<1024x128xf32>
    %swap3A = arith.constant 0 : index
    %swap3A_29 = arith.constant 0 : index
    %swap3A_30 = vector.load %arg5[%swap3A, %swap3A_29] : memref<1024x128xf32, #tpu.memory_space<vmem>>, vector<1024x128xf32>
    tpu.vector_store %arg5[%swap3A, %swap3A_29], %mul3A_28 {strides = array<i32>} : memref<1024x128xf32, #tpu.memory_space<vmem>>, vector<1024x128xf32>,
    return
  }
  func.func @transform_0(%arg0: i32) -> (i32, i32) {
    %c0_i32 = arith.constant 0 : i32
    %c0_i32_0 = arith.constant 0 : i32
    return %arg0, %c0_i32 : i32, i32
  }
  func.func @transform_1(%arg0: i32) -> (i32, i32) {
    %c0_i32 = arith.constant 0 : i32
    %c0_i32_0 = arith.constant 0 : i32
    return %arg0, %c0_i32 : i32, i32
  }
  func.func @transform_2(%arg0: i32) -> (i32, i32, i32) {
    %c0_i32 = arith.constant 0 : i32
    %c0_i32_0 = arith.constant 0 : i32
    %c0_i32_1 = arith.constant 0 : i32
    return %c0_i32, %arg0, %c0_i32_0 : i32, i32, i32
  }
  func.func @transform_3(%arg0: i32) -> (i32, i32) {
    %c0_i32 = arith.constant 0 : i32
    %c0_i32_0 = arith.constant 0 : i32
    %c0_i32_1 = arith.constant 0 : i32
    return %c0_i32, %c0_i32_0 : i32, i32
  }
  func.func @transform_4(%arg0: i32) -> (i32, i32) {
    %c0_i32 = arith.constant 0 : i32
    %c0_i32_0 = arith.constant 0 : i32
    return %arg0, %c0_i32 : i32, i32
  }
}

module attributes {stable_mosaic.version = 14 : i64} {
  func.func @_tc_c_body(%arg0: i32, %arg1: memref<1024x128xf32, #tpu.memory_space<vmem>>, %arg2: memref<1024x128xf32, #tpu.memory_space<vmem>>, %arg3: memref<2x1024x16xf32, #tpu.memory_space<vmem>>, %arg4: memref<1x48xf32, #tpu.memory_space<vmem>>, %arg5: memref<128x48xf32, #tpu.memory_space<vmem>>, %arg6: memref<1024x48xf32, #tpu.memory_space<vmem>>) attributes {dimension_semantics = [#tpu.dimension_semantics<arbitrary>], iteration_bounds = array<i64: 10>, scalar_prefetch = 0 : i64, scratch_operands = 0 : i64, tpu.core_type = #tpu.core_type<tc>, window_params = [{transform_indices = @transform_0, window_bounds = array<i64: 1024, 128>}, {transform_indices = @transform_1, window_bounds = array<i64: 1024, 128>}, {transform_indices = @transform_2, window_bounds = array<i64: 2, 1024, 16>}, {pipeline_mode = #tpu.pipeline_mode<synchronous>, transform_indices = @transform_3, window_bounds = array<i64: 1, 48>}, {pipeline_mode = #tpu.pipeline_mode<synchronous>, transform_indices = @transform_4, window_bounds = array<i64: 128, 48>}, {transform_indices = @transform_5, window_bounds = array<i64: 1024, 48>}]} {
    %get3A = arith.constant 0 : index
    %get3A_0 = arith.constant 0 : index
    %get3A_1 = arith.constant 0 : index
    %get3A_2 = vector.load %arg3[%get3A, %get3A_0, %get3A_1] : memref<2x1024x16xf32, #tpu.memory_space<vmem>>, vector<1x1024x1xf32>
    %get3A_3 = vector.shape_cast %get3A_2 : vector<1x1024x1xf32> to vector<1024x1xf32>
    %get3A_4 = arith.constant 1 : index
    %get3A_5 = arith.constant 0 : index
    %get3A_6 = arith.constant 0 : index
    %get3A_7 = vector.load %arg3[%get3A_4, %get3A_5, %get3A_6] : memref<2x1024x16xf32, #tpu.memory_space<vmem>>, vector<1x1024x1xf32>
    %get3A_8 = vector.shape_cast %get3A_7 : vector<1x1024x1xf32> to vector<1024x1xf32>
    %add3A = arith.addf %get3A_3, %get3A_8 : vector<1024x1xf32>
    %add3A_9 = arith.constant 1.000000e+00 : f32
    %add3A_10 = vector.broadcast %add3A_9 : f32 to vector<1024x1xf32>
    %add3A_11 = arith.addf %add3A, %add3A_10 : vector<1024x1xf32>
    %rsqrt3A = math.rsqrt %add3A_11 : vector<1024x1xf32>
    %get3A_12 = arith.constant 0 : index
    %get3A_13 = arith.constant 0 : index
    %get3A_14 = vector.load %arg1[%get3A_12, %get3A_13] : memref<1024x128xf32, #tpu.memory_space<vmem>>, vector<1024x128xf32>
    %get3A_15 = arith.constant 0 : index
    %get3A_16 = arith.constant 0 : index
    %get3A_17 = vector.load %arg2[%get3A_15, %get3A_16] : memref<1024x128xf32, #tpu.memory_space<vmem>>, vector<1024x128xf32>
    %add3A_18 = arith.addf %get3A_14, %get3A_17 : vector<1024x128xf32>
    %mul3A = vector.broadcast %rsqrt3A : vector<1024x1xf32> to vector<1024x128xf32>
    %mul3A_19 = arith.mulf %mul3A, %add3A_18 : vector<1024x128xf32>
    %get3A_20 = arith.constant 0 : index
    %get3A_21 = arith.constant 0 : index
    %get3A_22 = vector.load %arg5[%get3A_20, %get3A_21] : memref<128x48xf32, #tpu.memory_space<vmem>>, vector<128x48xf32>
    %dot_general3A = arith.constant dense<0.000000e+00> : vector<1024x48xf32>
    %dot_general3A_23 = tpu.matmul %mul3A_19, %get3A_22, %dot_general3A {dimension_numbers = #tpu.dot_dimension_numbers<[1], [0], [0], [1], [0, 0, 1, 1], [], []>, transpose_lhs_hint = false} : vector<1024x128xf32>, vector<128x48xf32>, vector<1024x48xf32> -> vector<1024x48xf32>
    %get3A_24 = arith.constant 0 : index
    %get3A_25 = arith.constant 0 : index
    %get3A_26 = vector.load %arg4[%get3A_24, %get3A_25] : memref<1x48xf32, #tpu.memory_space<vmem>>, vector<1x48xf32>
    %add3A_27 = vector.broadcast %get3A_26 : vector<1x48xf32> to vector<1024x48xf32>
    %add3A_28 = arith.addf %dot_general3A_23, %add3A_27 : vector<1024x48xf32>
    %swap3A = arith.constant 0 : index
    %swap3A_29 = arith.constant 0 : index
    %swap3A_30 = vector.load %arg6[%swap3A, %swap3A_29] : memref<1024x48xf32, #tpu.memory_space<vmem>>, vector<1024x48xf32>
    tpu.vector_store %arg6[%swap3A, %swap3A_29], %add3A_28 {strides = array<i32>} : memref<1024x48xf32, #tpu.memory_space<vmem>>, vector<1024x48xf32>,
    return
  }
  func.func @transform_0(%arg0: i32) -> (i32, i32) {
    %c0_i32 = arith.constant 0 : i32
    %c0_i32_0 = arith.constant 0 : i32
    return %arg0, %c0_i32 : i32, i32
  }
  func.func @transform_1(%arg0: i32) -> (i32, i32) {
    %c0_i32 = arith.constant 0 : i32
    %c0_i32_0 = arith.constant 0 : i32
    return %arg0, %c0_i32 : i32, i32
  }
  func.func @transform_2(%arg0: i32) -> (i32, i32, i32) {
    %c0_i32 = arith.constant 0 : i32
    %c0_i32_0 = arith.constant 0 : i32
    %c0_i32_1 = arith.constant 0 : i32
    return %c0_i32, %arg0, %c0_i32_0 : i32, i32, i32
  }
  func.func @transform_3(%arg0: i32) -> (i32, i32) {
    %c0_i32 = arith.constant 0 : i32
    %c0_i32_0 = arith.constant 0 : i32
    %c0_i32_1 = arith.constant 0 : i32
    return %c0_i32, %c0_i32_0 : i32, i32
  }
  func.func @transform_4(%arg0: i32) -> (i32, i32) {
    %c0_i32 = arith.constant 0 : i32
    %c0_i32_0 = arith.constant 0 : i32
    %c0_i32_1 = arith.constant 0 : i32
    return %c0_i32, %c0_i32_0 : i32, i32
  }
  func.func @transform_5(%arg0: i32) -> (i32, i32) {
    %c0_i32 = arith.constant 0 : i32
    %c0_i32_0 = arith.constant 0 : i32
    return %arg0, %c0_i32 : i32, i32
  }
}

</mosaic_0001>

<sc_bundles>
// kernel: kernel.11.cloned.1.call-start
scs
__scs_entry_jumppad:
0x0: {  	(pc) =	sbr.rel $0x88, $3  }
0x1: {  	(tag) =	ssettag $0x0;
	lr =	simm.s32 $0x1  }
0x2: {  	[smem:$0x3F9B] =	sst lr;
	_ =	strace $0xD0000000  }
0x3: {  	_ = 	snop  }
0x4: {  	_ = 	snop  }
0x5: {  	_ = 	snop  }
0x6: {  	_ = 	snop  }
0x7: {  	_ = 	snop  }
__scs_overlays_trampoline_lowered:
0x8: {  	[smem:$0x3FAA] =	sst s0  }
0x9: {  	[smem:$0x3FAB] =	sst s1  }
0xa: {  	[smem:$0x3FAC] =	sst s2  }
0xb: {  	[smem:$0x3FAD] =	sst s3  }
0xc: {  	[smem:$0x3FAE] =	sst s4  }
0xd: {  	[smem:$0x3FAF] =	sst s5  }
0xe: {  	[smem:$0x3FB0] =	sst s6  }
0xf: {  	[smem:$0x3FB1] =	sst s7  }
0x10: {  	[smem:$0x3FB2] =	sst s8  }
0x11: {  	[smem:$0x3FB3] =	sst s9;
	s0 =	simm.s32 @!p0 $0x0  }
0x12: {  	s1 =	sld [smem:$0x3F99];
	s0 =	simm.s32 @p0 $0x1  }
0x13: {  	[smem:$0x3FB4] =	sst s0;
	s0 =	simm.s32 @!p1 $0x0  }
0x14: {  	s2 =	sld [smem:$0x3F98];
	s0 =	simm.s32 @p1 $0x1  }
0x15: {  	[smem:$0x3FB5] =	sst s0;
	s0 =	simm.s32 @!p2 $0x0  }
0x16: {  	s3 =	sld [smem:$0x3FDB];
	s0 =	simm.s32 @p2 $0x1  }
0x17: {  	s4 =	simm.s32 $0x1BF5;
	[smem:$0x3FB7] =	sst s0  }
0x18: {  	s0 =	sld [smem:$0x3F9A];
	_ =	swait.ge [sflag:s4], $0x0  }
0x19: {  	s7 =	sld [smem:$0x3F9B]  }
0x1a: {  	s8 =	sadd.s32 $0xFFFFE003, lr  }
0x1b: {  	s9 =	sadd.s32 $0xFFFFFEF7, lr;
	s5 =	simm.s32 $0xFFFFFFFF;
	p2 =	slt.u32 s8, $0xFFFFF086  }
0x1c: {  	p1 =	slt.u32 s9, $0xF7A;
	s5 =	simm.s32 @!p2 $0x0  }
0x1d: {  	s5 =	simm.s32 @p1 $0x1;
	p0 =	seq.s32 s7, s2  }
0x1e: {  	s7 =	smul.u32 @!p0 $0xF7A, s2;
	p2 =	seq.s32 @!p0 s5, $0x0  }
0x1f: {  	s9 =	smul.u32 $0xF7A, s1;
	s8 =	simm.s32 @!p0 $0x1BF5;
	p2 =	por !p2, p0  }
0x20: {  	[sflag:s8] =	ssyncset.s32 @!p0 $0xFFFFF086;
	s6 =	sadd.s32 @!p0 s3, s7;
	s7 =	simm.s32 @!p0 $0x108  }
0x21: {  	s3 =	sadd.s32 s3, s9;
	s6 =	sadd.s32 @!p0 $0x88, s6;
	s7 =	simm.s32 @p2 $0x1082  }
0x22: {  	[simem:s7], [sflag:s8] =	dma.local @!p0 [hbm:s6], $0xF7A  }
0x23: {  	s9 =	sor.u32 $0xD0000000, s2;
	s6 =	simm.s32 $0x108;
	_ =	swait.ge @!p0 [sflag:s8], $0x0  }
0x24: {  	s3 =	sadd.s32 $0x88, s3;
	s6 =	simm.s32 @!p1 $0x1082;
	[sflag:s4] =	ssyncset.s32 $0xFFFFF086  }
0x25: {  	[simem:s6], [sflag:s4] =	dma.local [hbm:s3], $0xF7A  }
0x26: {  	[smem:$0x3F9B] =	sst s1;
	(tag) =	ssettag s2;
	_ =	strace s9  }
0x27: {  	s1 =	sld [smem:$0x3FAB]  }
0x28: {  	s2 =	sld [smem:$0x3FAC]  }
0x29: {  	s4 =	sld [smem:$0x3FAE]  }
0x2a: {  	p0 =	seq.s32 s5, $0x0;
	s5 =	sld [smem:$0x3FAF]  }
0x2b: {  	s6 =	sld [smem:$0x3FB0]  }
0x2c: {  	s7 =	sld [smem:$0x3FB1]  }
0x2d: {  	s3 =	simm.s32 $0x108;
	s8 =	sld [smem:$0x3FB2]  }
0x2e: {  	s3 =	simm.s32 @!p0 $0x1082;
	s9 =	sld [smem:$0x3FB3]  }
0x2f: {  	lr =	sadd.s32 s0, s3;
	s0 =	sld [smem:$0x3FAA]  }
0x30: {  	s3 =	sld [smem:$0x3FAD]  }
0x31: {  	[smem:$0x3FB6] =	sst s10  }
0x32: {  	s10 =	sld [smem:$0x3FB4];
	_ =	sdelay $0x3  }
0x33: {  	p0 =	seq.s32 s10, $0x1;
	s10 =	sld [smem:$0x3FB6];
	_ =	sdelay $0x3  }
0x34: {  	[smem:$0x3FB6] =	sst s10  }
0x35: {  	s10 =	sld [smem:$0x3FB5];
	_ =	sdelay $0x3  }
0x36: {  	p1 =	seq.s32 s10, $0x1;
	s10 =	sld [smem:$0x3FB6];
	_ =	sdelay $0x3  }
0x37: {  	[smem:$0x3FB6] =	sst s10  }
0x38: {  	s10 =	sld [smem:$0x3FB7]  }
0x39: {  	_ = 	snop;
	(pc) =	sbr.ind lr, $3  }
0x3a: {  	_ = 	snop  }
0x3b: {  	_ = 	snop  }
0x3c: {  	p2 =	seq.s32 s10, $0x1;
	s10 =	sld [smem:$0x3FB6]  }
0x3d: {  	_ =	shalt  }
0x3e: {  	_ =	shalt  }
0x3f: {  	_ =	shalt  }
0x40: {  	_ =	shalt  }
0x41: {  	_ =	shalt  }
0x42: {  	_ =	shalt  }
0x43: {  	_ =	shalt  }
0x44: {  	_ =	shalt  }
0x45: {  	_ =	shalt  }
0x46: {  	_ =	shalt  }
0x47: {  	_ =	shalt  }
0x48: {  	_ =	shalt  }
0x49: {  	_ =	shalt  }
0x4a: {  	_ =	shalt  }
0x4b: {  	_ =	shalt  }
0x4c: {  	_ =	shalt  }
0x4d: {  	_ =	shalt  }
0x4e: {  	_ =	shalt  }
0x4f: {  	_ =	shalt  }
0x50: {  	_ =	shalt  }
0x51: {  	_ =	shalt  }
0x52: {  	_ =	shalt  }
0x53: {  	_ =	shalt  }
0x54: {  	_ =	shalt  }
0x55: {  	_ =	shalt  }
0x56: {  	_ =	shalt  }
0x57: {  	_ =	shalt  }
0x58: {  	_ =	shalt  }
0x59: {  	_ =	shalt  }
0x5a: {  	_ =	shalt  }
0x5b: {  	_ =	shalt  }
0x5c: {  	_ =	shalt  }
0x5d: {  	_ =	shalt  }
0x5e: {  	_ =	shalt  }
0x5f: {  	_ =	shalt  }
0x60: {  	_ =	shalt  }
0x61: {  	_ =	shalt  }
0x62: {  	_ =	shalt  }
0x63: {  	_ =	shalt  }
0x64: {  	_ =	shalt  }
0x65: {  	_ =	shalt  }
0x66: {  	_ =	shalt  }
0x67: {  	_ =	shalt  }
0x68: {  	_ =	shalt  }
0x69: {  	_ =	shalt  }
0x6a: {  	_ =	shalt  }
0x6b: {  	_ =	shalt  }
0x6c: {  	_ =	shalt  }
0x6d: {  	_ =	shalt  }
0x6e: {  	_ =	shalt  }
0x6f: {  	_ =	shalt  }
0x70: {  	_ =	shalt  }
0x71: {  	_ =	shalt  }
0x72: {  	_ =	shalt  }
0x73: {  	_ =	shalt  }
0x74: {  	_ =	shalt  }
0x75: {  	_ =	shalt  }
0x76: {  	_ =	shalt  }
0x77: {  	_ =	shalt  }
0x78: {  	_ =	shalt  }
0x79: {  	_ =	shalt  }
0x7a: {  	_ =	shalt  }
0x7b: {  	_ =	shalt  }
0x7c: {  	_ =	shalt  }
0x7d: {  	_ =	shalt  }
0x7e: {  	_ =	shalt  }
0x7f: {  	_ =	shalt  }
0x80: {  	_ =	shalt  }
0x81: {  	_ =	shalt  }
0x82: {  	_ =	shalt  }
0x83: {  	_ =	shalt  }
0x84: {  	_ =	shalt  }
0x85: {  	_ =	shalt  }
0x86: {  	_ =	shalt  }
0x87: {  	_ =	shalt  }
.Lfunc_end0:
.L_simem_size_0:
called_computation.1_lowered:
.L_overlay_start_0:
0x88: {  	s2 =	sld [smem:$0x3FD9]  }
0x89: {  	s3 =	sld [smem:$0x3FFE];
	_ =	sdelay $0x1  }
0x8a: {  	s1 =	srdreg.scid  }
0x8b: {  	s0 =	sand.u32 $0x1, s1  }
0x8c: {  	s16 =	sshll.u32 s0, $0xA;
	s2 =	sadd.s32 s3, s2  }
0x8d: {  	s2 =	sadd.s32 s2, s16  }
0x8e: {  	[smem:$0x3FC2] =	sst s2  }
0x8f: {  	_ = 	snop  }
0x90: {  	(tm) =	ssettm $0x1  }
0x91: {  	s17 =	sld [smem:$0x3FFB];
	_ =	sdelay $0x3  }
0x92: {  	_ =	strace s17  }
0x93: {  	s2 =	sld [smem:$0x3FFC];
	_ =	sdelay $0x3  }
0x94: {  	_ =	strace s2  }
0x95: {  	s2 =	sld [smem:$0x3FFD];
	_ =	sdelay $0x3  }
0x96: {  	_ =	strace s2  }
0x97: {  	_ =	strace $0x8FFFFFFF  }
0x98: {  	s18 =	sld [smem:$0x3FDB];
	_ =	sdelay $0x1  }
0x99: {  	s19 =	simm.s32 $_scs_section_size  }
0x9a: {  	s4 =	simm.s32 $_size__tile_overlayer_lowered;
	s5 =	simm.s32 $_tile_overlayer_lowered  }
0x9b: {  	s22 =	simm.s32 $0x1BFF;
	s21 =	sshll.u32 s5, $0x1;
	s2 =	sadd.s32 s19, s18  }
0x9c: {  	s6 =	simm.s32 $0x0;
	s20 =	sshll.u32 s4, $0x1;
	s4 =	sadd.s32 s21, s2  }
0x9d: {  	[timem:s6], [sflag:s22] =	dma.local [hbm:s4], s20  }
0x9e: {  	_ =	swait.ge [sflag:s22], s20  }
0x9f: {  	s3 =	ssub.s32 $0x0, s20;
	[sflag:s22] =	ssyncset.done $0x0  }
0xa0: {  	[sflag:s22] =	ssyncadd.s32 s3;
	_ =	sdelay $0x1  }
0xa1: {  	s23 =	simm.s32 $0x1B8B  }
0xa2: {  	_ =	swait.ge [sflag:s23], $0x1  }
0xa3: {  	[sflag:s23] =	ssyncset.done $0x0  }
0xa4: {  	s25 =	simm.s32 $0x1B8E;
	s24 =	sld [smem:$0x3FFE];
	[sflag:s23] =	ssyncadd.s32 $0xFFFFFFFF  }
0xa5: {  	s26 =	simm.s32 $execute0_lowered;
	[smem:$0x3FD2] =	sst s25  }
0xa6: {  	s4 =	sshll.u32 s26, $0x1;
	_ =	strace $0x80000049;
	[dreg:$0x1] =	wrdreg $0xFFFFFFFF  }
0xa7: {  	s28 =	simm.s32 $_size_execute0_lowered;
	s2 =	sadd.s32 s2, s4;
	[dreg:$0x0] =	wrdreg $0x0  }
0xa8: {  	s4 =	sshll.u32 s28, $0x1;
	[dreg:$0x2] =	wrdreg s2  }
0xa9: {  	[dreg:$0x3] =	wrdreg s4  }
0xaa: {  	[dreg:$0x4] =	wrdreg $0xC0  }
0xab: {  	_ =	task [dreg:s6], $0x5FFFF  }
0xac: {  	[dreg:$0x1] =	wrdreg $0xFFFFFFFF  }
0xad: {  	[dreg:$0x0] =	wrdreg $0x60  }
0xae: {  	[dreg:$0x2] =	wrdreg s24  }
0xaf: {  	[dreg:$0x3] =	wrdreg $0x15C000  }
0xb0: {  	[dreg:$0x4] =	wrdreg $0x9  }
0xb1: {  	_ =	task.clear_ibuf [dreg:s6], $0x5FFFF;
	_ =	strace $0x90000049  }
0xb2: {  	s29 =	simm.s32 $0x9;
	_ =	strace $0x8000004B  }
0xb3: {  	_ =	swait.ge [sflag:s29], $0x1  }
0xb4: {  	[sflag:s29] =	ssyncadd.s32 $0xFFFFFFFF  }
0xb5: {  	_ =	strace $0x9000004B  }
0xb6: {  	_ =	sfence  }
0xb7: {  	s30 =	sld [smem:$0x0];
	_ =	sdelay $0x2  }
0xb8: {  	s31 =	sshll.u32 s1, $0xD;
	s1 =	sshrl.u32 s1, $0x2  }
0xb9: {  	s3 =	sand.u32 $0x4000, s31;
	s1 =	sadd.s32 s1, s30  }
0xba: {  	s0 =	sor.u32 s3, s0;
	s1 =	sshll.u32 s1, $0x11  }
0xbb: {  	s0 =	sor.u32 s1, s0  }
0xbc: {  	s0 =	sadd.s32 $0x8F2B, s0  }
0xbd: {  	[sflag:s0] =	ssyncadd.remote.s32 $0x1  }
0xbe: {  	_ =	sfence.sel $0xFFFF  }
0xbf: {  	[dreg:$0x0] =	wrdreg $0xFFFFFFFF;
	(pc) =	sbr.abs _section_cstart, $3  }
0xc0: {  	[dreg:$0x1] =	wrdreg $0xFFFFFFFF  }
0xc1: {  	_ =	task.clear_ibuf [dreg:s6], $0x2FFFF;
	_ =	strace $0x9FFFFFFF  }
0xc2: {  	(tm) =	ssettm $0x7FFFFFFF  }
0xc3: {  	_ =	shalt  }
tec
execute0_lowered:
.L_overlay_start_1:
0x0: {  	(tag) =	ssettag $0x1  }
0x1: {  	s0 =	rddreg [dreg:$0x0]  }
0x2: {  	s1 =	rddreg [dreg:$0x1];
	s2 =	srdreg.scid  }
0x3: {  	s3 =	simm.s32 $0x0;
	s11 =	stileid.u32;
	s31 =	simm.s32 $0x15400  }
0x4: {  	s2 =	sand.u32 $0x1, s2;
	[smem:$0x7FF] =	sst s3;
	s17 =	smul.u32 $0x140, s11  }
0x5: {  	s4 =	sadd.s32 $0x82200, s0;
	s5 =	sshll.u32 s11, $0xC;
	s7 =	smul.u32 $0x28000, s11  }
0x6: {  	s10 =	sor.u32 $0x1400, s11;
	s18 =	sadd.s32 $0xA0000, s1;
	p0 =	sne.s32 s11, $0x0  }
0x7: {  	s11 =	simm.s32 $0x0;
	s9 =	smul.u32 $0x1400, s2;
	_ =	strace $0x8000004A  }
0x8: {  	s2 =	ssub.s32 $0x2, s2;
	s5 =	sadd.s32 s5, s0;
	[dreg:$0x3] =	wrdreg s18  }
0x9: {  	v1 =	vmov s10;
	s10 =	simm.s32 $0x2;
	s6 =	sshrl.u32 s2, $0x1;
	s19 =	sshrl.u32 s7, $0x2  }
0xa: {  	s20 =	sadd.s32 $0x72200, s5;
	s5 =	sadd.s32 $0x62200, s5;
	s7 =	simm.s32 $0x10000  }
0xb: {  	s3 =	sadd.s32 s17, s9;
	s2 =	ssub.s32 s2, s6;
	[dreg:$0x4] =	wrdreg s20  }
0xc: {  	[dreg:$0x5] =	wrdreg s5;
	s8 =	sadd.s32 s19, s1;
	s5 =	simm.s32 $0x1  }
0xd: {  	s6 =	simm.s32 $0x12C00;
	v0 =	vmov s9;
	s9 =	simm.s32 $0x4;
	s3 =	sshll.u32 s3, $0x4  }
0xe: {  	s21 =	smax.u32 s2, $0x1;
	s22 =	sadd.s32 $0x800, s8;
	s23 =	sadd.s32 $0x1000, s8  }
0xf: {  	s24 =	sadd.s32 $0x1800, s8;
	s25 =	sadd.s32 $0x2000, s8;
	s26 =	sadd.s32 $0x2800, s8  }
0x10: {  	s16 =	sadd.s32 $0x3000, s8;
	s17 =	sadd.s32 $0x3800, s8;
	[dreg:$0x7] =	wrdreg s21  }
0x11: {  	s18 =	sadd.s32 $0x4000, s8;
	s19 =	sadd.s32 $0x4800, s8;
	[dreg:$0x8] =	wrdreg s22  }
0x12: {  	s20 =	sadd.s32 $0x5000, s8;
	s28 =	sadd.s32 $0x8800, s8;
	[dreg:$0x9] =	wrdreg s23  }
0x13: {  	s29 =	sadd.s32 $0x9000, s8;
	s30 =	sadd.s32 $0x9800, s8;
	[dreg:$0xa] =	wrdreg s24  }
.Ltmp0:
0x14: {  	s2 =	simm.s32 $0x10400;
	[dreg:$0xb] =	wrdreg s25;
	(pc) =	sbr.rel .LBB2_1-.Ltmp0, $4  }
0x15: {  	s0 =	sadd.s32 s3, s0;
	[dreg:$0xc] =	wrdreg s26;
	s21 =	sadd.s32 $0x5800, s8  }
0x16: {  	s22 =	sadd.s32 $0x6000, s8;
	s23 =	sadd.s32 $0x6800, s8;
	s24 =	sadd.s32 $0x7000, s8  }
0x17: {  	s25 =	sadd.s32 $0x7800, s8;
	s26 =	sadd.s32 $0x8000, s8;
	s0 =	sadd.s32 $0xAA200, s0  }
0x18: {  	v2 =	vimm.f32 $0.0e+00;
	s3 =	simm.s32 $0x50;
	[dreg:$0x6] =	wrdreg s0;
	s0 =	simm.s32 $0x3  }
.LBB2_6:
0x19: {  	v3 =	vld [tilespmem:s13+$0x8080];
	_ =	sdelay $0x4  }
0x1a: {  	v3 =	vsub.s32 v3, v0  }
0x1b: {  	vm0 =	vlt.u32 v3, $0x1400  }
0x1c: {  	v3 =	vsel vm0, v3, v1  }
0x1d: {  	[tilespmem:$0x10000] =	vst v3  }
0x1e: {  	v3 =	vld [tilespmem:s13+$0x8090];
	_ =	sdelay $0x4  }
0x1f: {  	v3 =	vsub.s32 v3, v0  }
0x20: {  	vm12 =	vlt.u32 v3, $0x1400  }
0x21: {  	v3 =	vsel vm12, v3, v1  }
0x22: {  	[tilespmem:$0x10010] =	vst v3  }
0x23: {  	v3 =	vld [tilespmem:s13+$0x80A0];
	_ =	sdelay $0x4  }
0x24: {  	v3 =	vsub.s32 v3, v0  }
0x25: {  	vm13 =	vlt.u32 v3, $0x1400  }
0x26: {  	v3 =	vsel vm13, v3, v1  }
0x27: {  	[tilespmem:$0x10020] =	vst v3  }
0x28: {  	v3 =	vld [tilespmem:s13+$0x80B0];
	_ =	sdelay $0x4  }
0x29: {  	v3 =	vsub.s32 v3, v0  }
0x2a: {  	vm14 =	vlt.u32 v3, $0x1400  }
0x2b: {  	v3 =	vsel vm14, v3, v1  }
0x2c: {  	[tilespmem:$0x10030] =	vst v3  }
0x2d: {  	v3 =	vld [tilespmem:s13+$0x80C0];
	_ =	sdelay $0x4  }
0x2e: {  	v3 =	vsub.s32 v3, v0  }
0x2f: {  	vm15 =	vlt.u32 v3, $0x1400  }
0x30: {  	v3 =	vsel vm15, v3, v1  }
0x31: {  	[tilespmem:$0x10040] =	vst v3  }
0x32: {  	[spmem:s1] =	stream.indirect.scatter.add.f32 [tilespmem:s6], [sflag:$0x3], $0x80, s7, s3, $0xb8;
	[tilespmem:$0x1FC80] =	vst v63  }
0x33: {  	_ =	swait.ge [sflag:s0], $0x2800  }
0x34: {  	[sflag:s0] =	ssyncset.done $0x0  }
0x35: {  	s12 =	stileid.u32;
	[sflag:s0] =	ssyncadd.s32 $0xFFFFD800  }
0x36: {  	s12 =	sshll.u32 s12, $0x6;
	[bflag:$0x0] =	sbarrier.arrive $0xFFFF  }
0x37: {  	s15 =	sshrl.u32 s8, $0x3;
	s12 =	sor.u32 $0x1C03, s12;
	s14 =	rddreg [dreg:$0x6]  }
0x38: {  	[hbm:s14], [sflag:s12] =	dma.local [spmem:s15], $0x1400  }
0x39: {  	_ =	swait.ge [sflag:s0], $0x1400  }
0x3a: {  	s11 =	sadd.s32 $0x1, s11;
	s15 =	rddreg [dreg:$0x7]  }
0x3b: {  	p1 =	sne.s32 s11, s15  }
.Ltmp1:
0x3c: {  	_ = 	snop;
	(pc) =	sbr.rel @!p1 .LBB2_7-.Ltmp1, $3  }
0x3d: {  	_ =	sdelay $0x1  }
0x3e: {  	[sflag:s0] =	ssyncset.done $0x0  }
0x3f: {  	[sflag:s0] =	ssyncadd.s32 $0xFFFFEC00  }
.LBB2_1:
0x40: {  	s13 =	simm.s32 $0x0  }
0x41: {  	s12 =	sand.u32 $0x1E00, s13  }
0x42: {  	s13 =	sand.u32 $0x70, s13;
	s14 =	sshrl.u32 s12, $0x2  }
0x43: {  	s12 =	simm.s32 $0x40;
	s14 =	sor.u32 s13, s14;
	s13 =	simm.s32 $0x0  }
.LBB2_2:
0x44: {  	p1 =	sne.s32 s12, $0x1FC0  }
0x45: {  	[tilespmem:s14+$0x15400] =	vst v2;
	s13 =	sadd.s32 $0x10, s13;
	s14 =	smov.u32 s12;
	s12 =	sadd.s32 $0x40, s12  }
.Ltmp2:
0x46: {  	(pc) =	sbr.rel @p1 .LBB2_2-.Ltmp2, $4  }
0x47: {  	_ = 	snop  }
0x48: {  	s14 =	sand.u32 $0x1E00, s14  }
0x49: {  	s15 =	sand.u32 $0x70, s13;
	s14 =	sshrl.u32 s14, $0x2  }
0x4a: {  	s14 =	sor.u32 s15, s14  }
0x4b: {  	[tilespmem:s14+$0x15400] =	vst v2  }
0x4c: {  	[spmem:s8] =	stream.linear.scatter [tilespmem:s31], [sflag:$0x3], $0x800, $0x38;
	[tilespmem:$0x1FC80] =	vst v63  }
0x4d: {  	_ =	swait.ge [sflag:s0], $0x800  }
0x4e: {  	[sflag:s0] =	ssyncset.done $0x0  }
0x4f: {  	s12 =	rddreg [dreg:$0x8];
	[sflag:s0] =	ssyncadd.s32 $0xFFFFF800  }
0x50: {  	[spmem:s12] =	stream.linear.scatter [tilespmem:s31], [sflag:$0x3], $0x800, $0x38;
	[tilespmem:$0x1FC80] =	vst v63  }
0x51: {  	_ =	swait.ge [sflag:s0], $0x800  }
0x52: {  	[sflag:s0] =	ssyncset.done $0x0  }
0x53: {  	s14 =	rddreg [dreg:$0x9];
	[sflag:s0] =	ssyncadd.s32 $0xFFFFF800  }
0x54: {  	[spmem:s14] =	stream.linear.scatter [tilespmem:s31], [sflag:$0x3], $0x800, $0x38;
	[tilespmem:$0x1FC80] =	vst v63  }
0x55: {  	_ =	swait.ge [sflag:s0], $0x800  }
0x56: {  	[sflag:s0] =	ssyncset.done $0x0  }
0x57: {  	s15 =	rddreg [dreg:$0xa];
	[sflag:s0] =	ssyncadd.s32 $0xFFFFF800  }
0x58: {  	[spmem:s15] =	stream.linear.scatter [tilespmem:s31], [sflag:$0x3], $0x800, $0x38;
	[tilespmem:$0x1FC80] =	vst v63  }
0x59: {  	_ =	swait.ge [sflag:s0], $0x800  }
0x5a: {  	[sflag:s0] =	ssyncset.done $0x0  }
0x5b: {  	s13 =	rddreg [dreg:$0xb];
	[sflag:s0] =	ssyncadd.s32 $0xFFFFF800  }
0x5c: {  	[spmem:s13] =	stream.linear.scatter [tilespmem:s31], [sflag:$0x3], $0x800, $0x38;
	[tilespmem:$0x1FC80] =	vst v63  }
0x5d: {  	_ =	swait.ge [sflag:s0], $0x800  }
0x5e: {  	[sflag:s0] =	ssyncset.done $0x0  }
0x5f: {  	s14 =	rddreg [dreg:$0xc];
	[sflag:s0] =	ssyncadd.s32 $0xFFFFF800  }
0x60: {  	[spmem:s14] =	stream.linear.scatter [tilespmem:s31], [sflag:$0x3], $0x800, $0x38;
	[tilespmem:$0x1FC80] =	vst v63  }
0x61: {  	_ =	swait.ge [sflag:s0], $0x800  }
0x62: {  	[sflag:s0] =	ssyncset.done $0x0  }
0x63: {  	[sflag:s0] =	ssyncadd.s32 $0xFFFFF800  }
0x64: {  	[spmem:s16] =	stream.linear.scatter [tilespmem:s31], [sflag:$0x3], $0x800, $0x38;
	[tilespmem:$0x1FC80] =	vst v63  }
0x65: {  	_ =	swait.ge [sflag:s0], $0x800  }
0x66: {  	[sflag:s0] =	ssyncset.done $0x0  }
0x67: {  	[sflag:s0] =	ssyncadd.s32 $0xFFFFF800  }
0x68: {  	[spmem:s17] =	stream.linear.scatter [tilespmem:s31], [sflag:$0x3], $0x800, $0x38;
	[tilespmem:$0x1FC80] =	vst v63  }
0x69: {  	_ =	swait.ge [sflag:s0], $0x800  }
0x6a: {  	[sflag:s0] =	ssyncset.done $0x0  }
0x6b: {  	[sflag:s0] =	ssyncadd.s32 $0xFFFFF800  }
0x6c: {  	[spmem:s18] =	stream.linear.scatter [tilespmem:s31], [sflag:$0x3], $0x800, $0x38;
	[tilespmem:$0x1FC80] =	vst v63  }
0x6d: {  	_ =	swait.ge [sflag:s0], $0x800  }
0x6e: {  	[sflag:s0] =	ssyncset.done $0x0  }
0x6f: {  	[sflag:s0] =	ssyncadd.s32 $0xFFFFF800  }
0x70: {  	[spmem:s19] =	stream.linear.scatter [tilespmem:s31], [sflag:$0x3], $0x800, $0x38;
	[tilespmem:$0x1FC80] =	vst v63  }
0x71: {  	_ =	swait.ge [sflag:s0], $0x800  }
0x72: {  	[sflag:s0] =	ssyncset.done $0x0  }
0x73: {  	[sflag:s0] =	ssyncadd.s32 $0xFFFFF800  }
0x74: {  	[spmem:s20] =	stream.linear.scatter [tilespmem:s31], [sflag:$0x3], $0x800, $0x38;
	[tilespmem:$0x1FC80] =	vst v63  }
0x75: {  	_ =	swait.ge [sflag:s0], $0x800  }
0x76: {  	[sflag:s0] =	ssyncset.done $0x0  }
0x77: {  	[sflag:s0] =	ssyncadd.s32 $0xFFFFF800  }
0x78: {  	[spmem:s21] =	stream.linear.scatter [tilespmem:s31], [sflag:$0x3], $0x800, $0x38;
	[tilespmem:$0x1FC80] =	vst v63  }
0x79: {  	_ =	swait.ge [sflag:s0], $0x800  }
0x7a: {  	[sflag:s0] =	ssyncset.done $0x0  }
0x7b: {  	[sflag:s0] =	ssyncadd.s32 $0xFFFFF800  }
0x7c: {  	[spmem:s22] =	stream.linear.scatter [tilespmem:s31], [sflag:$0x3], $0x800, $0x38;
	[tilespmem:$0x1FC80] =	vst v63  }
0x7d: {  	_ =	swait.ge [sflag:s0], $0x800  }
0x7e: {  	[sflag:s0] =	ssyncset.done $0x0  }
0x7f: {  	[sflag:s0] =	ssyncadd.s32 $0xFFFFF800  }
0x80: {  	[spmem:s23] =	stream.linear.scatter [tilespmem:s31], [sflag:$0x3], $0x800, $0x38;
	[tilespmem:$0x1FC80] =	vst v63  }
0x81: {  	_ =	swait.ge [sflag:s0], $0x800  }
0x82: {  	[sflag:s0] =	ssyncset.done $0x0  }
0x83: {  	[sflag:s0] =	ssyncadd.s32 $0xFFFFF800  }
0x84: {  	[spmem:s24] =	stream.linear.scatter [tilespmem:s31], [sflag:$0x3], $0x800, $0x38;
	[tilespmem:$0x1FC80] =	vst v63  }
0x85: {  	_ =	swait.ge [sflag:s0], $0x800  }
0x86: {  	[sflag:s0] =	ssyncset.done $0x0  }
0x87: {  	[sflag:s0] =	ssyncadd.s32 $0xFFFFF800  }
0x88: {  	[spmem:s25] =	stream.linear.scatter [tilespmem:s31], [sflag:$0x3], $0x800, $0x38;
	[tilespmem:$0x1FC80] =	vst v63  }
0x89: {  	_ =	swait.ge [sflag:s0], $0x800  }
0x8a: {  	[sflag:s0] =	ssyncset.done $0x0  }
0x8b: {  	[sflag:s0] =	ssyncadd.s32 $0xFFFFF800  }
0x8c: {  	[spmem:s26] =	stream.linear.scatter [tilespmem:s31], [sflag:$0x3], $0x800, $0x38;
	[tilespmem:$0x1FC80] =	vst v63  }
0x8d: {  	_ =	swait.ge [sflag:s0], $0x800  }
0x8e: {  	[sflag:s0] =	ssyncset.done $0x0  }
0x8f: {  	[sflag:s0] =	ssyncadd.s32 $0xFFFFF800  }
0x90: {  	[spmem:s28] =	stream.linear.scatter [tilespmem:s31], [sflag:$0x3], $0x800, $0x38;
	[tilespmem:$0x1FC80] =	vst v63  }
0x91: {  	_ =	swait.ge [sflag:s0], $0x800  }
0x92: {  	[sflag:s0] =	ssyncset.done $0x0  }
0x93: {  	[sflag:s0] =	ssyncadd.s32 $0xFFFFF800  }
0x94: {  	[spmem:s29] =	stream.linear.scatter [tilespmem:s31], [sflag:$0x3], $0x800, $0x38;
	[tilespmem:$0x1FC80] =	vst v63  }
0x95: {  	_ =	swait.ge [sflag:s0], $0x800  }
0x96: {  	[sflag:s0] =	ssyncset.done $0x0  }
0x97: {  	[sflag:s0] =	ssyncadd.s32 $0xFFFFF800  }
0x98: {  	[spmem:s30] =	stream.linear.scatter [tilespmem:s31], [sflag:$0x3], $0x800, $0x38;
	[tilespmem:$0x1FC80] =	vst v63  }
0x99: {  	_ =	swait.ge [sflag:s0], $0x800  }
0x9a: {  	[sflag:s0] =	ssyncset.done $0x0  }
0x9b: {  	s12 =	simm.s32 @!p0 $0x15400;
	s13 =	rddreg [dreg:$0x3];
	[sflag:s0] =	ssyncadd.s32 $0xFFFFF800  }
0x9c: {  	[spmem:s13] =	stream.linear.scatter @!p0 [tilespmem:s12], [sflag:$0x3], $0x800, $0x38;
	[tilespmem:$0x1FC80] =	vst v63  }
0x9d: {  	s12 =	simm.s32 @!p0 $0x3  }
0x9e: {  	_ =	swait.ge @!p0 [sflag:s12], $0x800  }
0x9f: {  	[sflag:s12] =	ssyncset.done @!p0 $0x0  }
0xa0: {  	[sflag:s12] =	ssyncadd.s32 @!p0 $0xFFFFF800  }
0xa1: {  	[bflag:$0x0] =	sbarrier.arrive $0xFFFF  }
0xa2: {  	s12 =	simm.s32 $0x0;
	s15 =	rddreg [dreg:$0x4]  }
0xa3: {  	[tilespmem:s12], [sflag:$0x3] =	stream.linear.gather [hbm4b:s15+s12], $0x7D00, $0x38;
	[tilespmem:$0x1FC80] =	vst v63  }
0xa4: {  	_ =	swait.ge [sflag:s0], $0x7D00  }
0xa5: {  	[sflag:s0] =	ssyncset.done $0x0  }
0xa6: {  	s15 =	simm.s32 $0x8000;
	s14 =	rddreg [dreg:$0x5];
	[sflag:s0] =	ssyncadd.s32 $0xFFFF8300  }
0xa7: {  	[tilespmem:s15], [sflag:$0x3] =	stream.linear.gather [hbm4b:s14+s12], $0x7D00, $0x38;
	[tilespmem:$0x1FC80] =	vst v63  }
0xa8: {  	_ =	swait.ge [sflag:s0], $0x7D00  }
0xa9: {  	[sflag:s0] =	ssyncset.done $0x0  }
0xaa: {  	[sflag:s0] =	ssyncadd.s32 $0xFFFF8300  }
0xab: {  	[tilespmem:s2], [sflag:$0x1] =	stream.indirect.gather [hbm4b:s4+s3], $0x80, s12, s3, $0xb8;
	[tilespmem:$0x1FC80] =	vst v63  }
0xac: {  	_ =	swait.ge [sflag:s5], $0x2800  }
0xad: {  	[sflag:s5] =	ssyncset.done $0x0  }
0xae: {  	[sflag:s5] =	ssyncadd.s32 $0xFFFFD800  }
.LBB2_4:
0xaf: {  	s13 =	sshra.s32 s12, $0x2  }
0xb0: {  	s14 =	sadd.s32 $0x80, s13  }
0xb1: {  	[tilespmem:s6], [sflag:$0x2] =	stream.indirect.gather [hbm4b:s4+s3], $0x80, s14, s3, $0xb8;
	[tilespmem:$0x1FC80] =	vst v63  }
0xb2: {  	v3 =	vld [tilespmem:s13+$0x8000];
	_ =	sdelay $0x4  }
0xb3: {  	v3 =	vsub.s32 v3, v0  }
0xb4: {  	vm0 =	vlt.u32 v3, $0x1400  }
0xb5: {  	v3 =	vsel vm0, v3, v1  }
0xb6: {  	[tilespmem:$0x10000] =	vst v3  }
0xb7: {  	v3 =	vld [tilespmem:s13+$0x8010];
	_ =	sdelay $0x4  }
0xb8: {  	v3 =	vsub.s32 v3, v0  }
0xb9: {  	vm12 =	vlt.u32 v3, $0x1400  }
0xba: {  	v3 =	vsel vm12, v3, v1  }
0xbb: {  	[tilespmem:$0x10010] =	vst v3  }
0xbc: {  	v3 =	vld [tilespmem:s13+$0x8020];
	_ =	sdelay $0x4  }
0xbd: {  	v3 =	vsub.s32 v3, v0  }
0xbe: {  	vm13 =	vlt.u32 v3, $0x1400  }
0xbf: {  	v3 =	vsel vm13, v3, v1  }
0xc0: {  	[tilespmem:$0x10020] =	vst v3  }
0xc1: {  	v3 =	vld [tilespmem:s13+$0x8030];
	_ =	sdelay $0x4  }
0xc2: {  	v3 =	vsub.s32 v3, v0  }
0xc3: {  	vm14 =	vlt.u32 v3, $0x1400  }
0xc4: {  	v3 =	vsel vm14, v3, v1  }
0xc5: {  	[tilespmem:$0x10030] =	vst v3  }
0xc6: {  	v3 =	vld [tilespmem:s13+$0x8040];
	_ =	sdelay $0x4  }
0xc7: {  	v3 =	vsub.s32 v3, v0  }
0xc8: {  	vm15 =	vlt.u32 v3, $0x1400  }
0xc9: {  	v3 =	vsel vm15, v3, v1  }
0xca: {  	[tilespmem:$0x10040] =	vst v3  }
0xcb: {  	[spmem:s1] =	stream.indirect.scatter.add.f32 [tilespmem:s2], [sflag:$0x4], $0x80, s7, s3, $0xb8;
	[tilespmem:$0x1FC80] =	vst v63  }
0xcc: {  	p1 =	seq.s32 s12, $0x1F000;
	_ =	swait.ge [sflag:s9], $0x2800  }
.Ltmp3:
0xcd: {  	[sflag:s9] =	ssyncset.done $0x0;
	(pc) =	sbr.rel @p1 .LBB2_6-.Ltmp3, $4  }
0xce: {  	[sflag:s9] =	ssyncadd.s32 $0xFFFFD800  }
0xcf: {  	_ =	swait.ge [sflag:s10], $0x2800  }
0xd0: {  	[sflag:s10] =	ssyncset.done $0x0  }
0xd1: {  	[sflag:s10] =	ssyncadd.s32 $0xFFFFD800  }
0xd2: {  	s14 =	sadd.s32 $0x100, s13  }
0xd3: {  	[tilespmem:s2], [sflag:$0x1] =	stream.indirect.gather [hbm4b:s4+s3], $0x80, s14, s3, $0xb8;
	[tilespmem:$0x1FC80] =	vst v63  }
0xd4: {  	v3 =	vld [tilespmem:s13+$0x8080];
	_ =	sdelay $0x4  }
0xd5: {  	v3 =	vsub.s32 v3, v0  }
0xd6: {  	vm0 =	vlt.u32 v3, $0x1400  }
0xd7: {  	v3 =	vsel vm0, v3, v1  }
0xd8: {  	[tilespmem:$0x10000] =	vst v3  }
0xd9: {  	v3 =	vld [tilespmem:s13+$0x8090];
	_ =	sdelay $0x4  }
0xda: {  	v3 =	vsub.s32 v3, v0  }
0xdb: {  	vm12 =	vlt.u32 v3, $0x1400  }
0xdc: {  	v3 =	vsel vm12, v3, v1  }
0xdd: {  	[tilespmem:$0x10010] =	vst v3  }
0xde: {  	v3 =	vld [tilespmem:s13+$0x80A0];
	_ =	sdelay $0x4  }
0xdf: {  	v3 =	vsub.s32 v3, v0  }
0xe0: {  	vm13 =	vlt.u32 v3, $0x1400  }
0xe1: {  	v3 =	vsel vm13, v3, v1  }
0xe2: {  	[tilespmem:$0x10020] =	vst v3  }
0xe3: {  	v3 =	vld [tilespmem:s13+$0x80B0];
	_ =	sdelay $0x4  }
0xe4: {  	v3 =	vsub.s32 v3, v0  }
0xe5: {  	vm14 =	vlt.u32 v3, $0x1400  }
0xe6: {  	v3 =	vsel vm14, v3, v1  }
0xe7: {  	[tilespmem:$0x10030] =	vst v3  }
0xe8: {  	v3 =	vld [tilespmem:s13+$0x80C0];
	_ =	sdelay $0x4  }
0xe9: {  	v3 =	vsub.s32 v3, v0  }
0xea: {  	vm15 =	vlt.u32 v3, $0x1400  }
0xeb: {  	v3 =	vsel vm15, v3, v1  }
0xec: {  	[tilespmem:$0x10040] =	vst v3  }
0xed: {  	[spmem:s1] =	stream.indirect.scatter.add.f32 [tilespmem:s6], [sflag:$0x4], $0x80, s7, s3, $0xb8;
	[tilespmem:$0x1FC80] =	vst v63  }
0xee: {  	_ =	swait.ge [sflag:s9], $0x2800  }
.Ltmp4:
0xef: {  	[sflag:s9] =	ssyncset.done $0x0;
	(pc) =	sbr.rel .LBB2_4-.Ltmp4, $4  }
0xf0: {  	[sflag:s9] =	ssyncadd.s32 $0xFFFFD800  }
0xf1: {  	_ =	swait.ge [sflag:s5], $0x2800  }
0xf2: {  	[sflag:s5] =	ssyncset.done $0x0  }
0xf3: {  	s12 =	sadd.s32 $0x400, s12;
	[sflag:s5] =	ssyncadd.s32 $0xFFFFD800  }
.LBB2_7:
0xf4: {  	_ =	sfence.sel $0x180000  }
0xf5: {  	[bflag:$0x0] =	sbarrier.arrive $0xFFFF  }
0xf6: {  	_ =	strace $0x9000004A  }
0xf7: {  	[bflag:$0x2] =	sbarrier.arrive $0xFFFF  }
0xf8: {  	s0 =	rddreg [dreg:$0x2]  }
0xf9: {  	s0 =	sadd.s32 @!p0 $0x100000, s0  }
0xfa: {  	[sflag:s0] =	ssyncadd.tile.s32 @!p0 $0x1;
	_ =	shalt  }
.Lfunc_end2:
_tile_overlayer_lowered:
.L_overlay_start_2:
0xfb: {  	(tag) =	ssettag $0x2  }
0xfc: {  	s0 =	rddreg [dreg:$0x0];
	s2 =	stileid.u32  }
0xfd: {  	s1 =	rddreg [dreg:$0x1];
	p0 =	sne.s32 s2, $0x0  }
0xfe: {  	s3 =	rddreg [dreg:$0x2];
	[bflag:$0x3] =	sbarrier.arrive $0xFFFF;
	s2 =	simm.s32 @!p0 $0x1C03  }
0xff: {  	[timem:s3], [sflag:s2] =	dma.local @!p0 [hbm:s0], s1  }
0x100: {  	s0 =	simm.s32 @!p0 $0x3  }
0x101: {  	_ =	swait.ge @!p0 [sflag:s0], s1  }
0x102: {  	s1 =	ssub.s32 @!p0 $0x0, s1;
	[sflag:s0] =	ssyncset.done @!p0 $0x0  }
0x103: {  	[sflag:s0] =	ssyncadd.s32 @!p0 s1  }
0x104: {  	[bflag:$0x3] =	sbarrier.arrive $0xFFFF  }
0x105: {  	_ =	shalt  }

// kernel: kernel.14.cloned.1.call-start
scs
__scs_entry_jumppad:
0x0: {  	(pc) =	sbr.rel $0x88, $3  }
0x1: {  	(tag) =	ssettag $0x0;
	lr =	simm.s32 $0x1  }
0x2: {  	[smem:$0x3F9B] =	sst lr;
	_ =	strace $0xD0000000  }
0x3: {  	_ = 	snop  }
0x4: {  	_ = 	snop  }
0x5: {  	_ = 	snop  }
0x6: {  	_ = 	snop  }
0x7: {  	_ = 	snop  }
__scs_overlays_trampoline_lowered:
0x8: {  	[smem:$0x3FAA] =	sst s0  }
0x9: {  	[smem:$0x3FAB] =	sst s1  }
0xa: {  	[smem:$0x3FAC] =	sst s2  }
0xb: {  	[smem:$0x3FAD] =	sst s3  }
0xc: {  	[smem:$0x3FAE] =	sst s4  }
0xd: {  	[smem:$0x3FAF] =	sst s5  }
0xe: {  	[smem:$0x3FB0] =	sst s6  }
0xf: {  	[smem:$0x3FB1] =	sst s7  }
0x10: {  	[smem:$0x3FB2] =	sst s8  }
0x11: {  	[smem:$0x3FB3] =	sst s9;
	s0 =	simm.s32 @!p0 $0x0  }
0x12: {  	s1 =	sld [smem:$0x3F99];
	s0 =	simm.s32 @p0 $0x1  }
0x13: {  	[smem:$0x3FB4] =	sst s0;
	s0 =	simm.s32 @!p1 $0x0  }
0x14: {  	s2 =	sld [smem:$0x3F98];
	s0 =	simm.s32 @p1 $0x1  }
0x15: {  	[smem:$0x3FB5] =	sst s0;
	s0 =	simm.s32 @!p2 $0x0  }
0x16: {  	s3 =	sld [smem:$0x3FDB];
	s0 =	simm.s32 @p2 $0x1  }
0x17: {  	s4 =	simm.s32 $0x1BF5;
	[smem:$0x3FB7] =	sst s0  }
0x18: {  	s0 =	sld [smem:$0x3F9A];
	_ =	swait.ge [sflag:s4], $0x0  }
0x19: {  	s7 =	sld [smem:$0x3F9B]  }
0x1a: {  	s8 =	sadd.s32 $0xFFFFE003, lr  }
0x1b: {  	s9 =	sadd.s32 $0xFFFFFEF7, lr;
	s5 =	simm.s32 $0xFFFFFFFF;
	p2 =	slt.u32 s8, $0xFFFFF086  }
0x1c: {  	p1 =	slt.u32 s9, $0xF7A;
	s5 =	simm.s32 @!p2 $0x0  }
0x1d: {  	s5 =	simm.s32 @p1 $0x1;
	p0 =	seq.s32 s7, s2  }
0x1e: {  	s7 =	smul.u32 @!p0 $0xF7A, s2;
	p2 =	seq.s32 @!p0 s5, $0x0  }
0x1f: {  	s9 =	smul.u32 $0xF7A, s1;
	s8 =	simm.s32 @!p0 $0x1BF5;
	p2 =	por !p2, p0  }
0x20: {  	[sflag:s8] =	ssyncset.s32 @!p0 $0xFFFFF086;
	s6 =	sadd.s32 @!p0 s3, s7;
	s7 =	simm.s32 @!p0 $0x108  }
0x21: {  	s3 =	sadd.s32 s3, s9;
	s6 =	sadd.s32 @!p0 $0x88, s6;
	s7 =	simm.s32 @p2 $0x1082  }
0x22: {  	[simem:s7], [sflag:s8] =	dma.local @!p0 [hbm:s6], $0xF7A  }
0x23: {  	s9 =	sor.u32 $0xD0000000, s2;
	s6 =	simm.s32 $0x108;
	_ =	swait.ge @!p0 [sflag:s8], $0x0  }
0x24: {  	s3 =	sadd.s32 $0x88, s3;
	s6 =	simm.s32 @!p1 $0x1082;
	[sflag:s4] =	ssyncset.s32 $0xFFFFF086  }
0x25: {  	[simem:s6], [sflag:s4] =	dma.local [hbm:s3], $0xF7A  }
0x26: {  	[smem:$0x3F9B] =	sst s1;
	(tag) =	ssettag s2;
	_ =	strace s9  }
0x27: {  	s1 =	sld [smem:$0x3FAB]  }
0x28: {  	s2 =	sld [smem:$0x3FAC]  }
0x29: {  	s4 =	sld [smem:$0x3FAE]  }
0x2a: {  	p0 =	seq.s32 s5, $0x0;
	s5 =	sld [smem:$0x3FAF]  }
0x2b: {  	s6 =	sld [smem:$0x3FB0]  }
0x2c: {  	s7 =	sld [smem:$0x3FB1]  }
0x2d: {  	s3 =	simm.s32 $0x108;
	s8 =	sld [smem:$0x3FB2]  }
0x2e: {  	s3 =	simm.s32 @!p0 $0x1082;
	s9 =	sld [smem:$0x3FB3]  }
0x2f: {  	lr =	sadd.s32 s0, s3;
	s0 =	sld [smem:$0x3FAA]  }
0x30: {  	s3 =	sld [smem:$0x3FAD]  }
0x31: {  	[smem:$0x3FB6] =	sst s10  }
0x32: {  	s10 =	sld [smem:$0x3FB4];
	_ =	sdelay $0x3  }
0x33: {  	p0 =	seq.s32 s10, $0x1;
	s10 =	sld [smem:$0x3FB6];
	_ =	sdelay $0x3  }
0x34: {  	[smem:$0x3FB6] =	sst s10  }
0x35: {  	s10 =	sld [smem:$0x3FB5];
	_ =	sdelay $0x3  }
0x36: {  	p1 =	seq.s32 s10, $0x1;
	s10 =	sld [smem:$0x3FB6];
	_ =	sdelay $0x3  }
0x37: {  	[smem:$0x3FB6] =	sst s10  }
0x38: {  	s10 =	sld [smem:$0x3FB7]  }
0x39: {  	_ = 	snop;
	(pc) =	sbr.ind lr, $3  }
0x3a: {  	_ = 	snop  }
0x3b: {  	_ = 	snop  }
0x3c: {  	p2 =	seq.s32 s10, $0x1;
	s10 =	sld [smem:$0x3FB6]  }
0x3d: {  	_ =	shalt  }
0x3e: {  	_ =	shalt  }
0x3f: {  	_ =	shalt  }
0x40: {  	_ =	shalt  }
0x41: {  	_ =	shalt  }
0x42: {  	_ =	shalt  }
0x43: {  	_ =	shalt  }
0x44: {  	_ =	shalt  }
0x45: {  	_ =	shalt  }
0x46: {  	_ =	shalt  }
0x47: {  	_ =	shalt  }
0x48: {  	_ =	shalt  }
0x49: {  	_ =	shalt  }
0x4a: {  	_ =	shalt  }
0x4b: {  	_ =	shalt  }
0x4c: {  	_ =	shalt  }
0x4d: {  	_ =	shalt  }
0x4e: {  	_ =	shalt  }
0x4f: {  	_ =	shalt  }
0x50: {  	_ =	shalt  }
0x51: {  	_ =	shalt  }
0x52: {  	_ =	shalt  }
0x53: {  	_ =	shalt  }
0x54: {  	_ =	shalt  }
0x55: {  	_ =	shalt  }
0x56: {  	_ =	shalt  }
0x57: {  	_ =	shalt  }
0x58: {  	_ =	shalt  }
0x59: {  	_ =	shalt  }
0x5a: {  	_ =	shalt  }
0x5b: {  	_ =	shalt  }
0x5c: {  	_ =	shalt  }
0x5d: {  	_ =	shalt  }
0x5e: {  	_ =	shalt  }
0x5f: {  	_ =	shalt  }
0x60: {  	_ =	shalt  }
0x61: {  	_ =	shalt  }
0x62: {  	_ =	shalt  }
0x63: {  	_ =	shalt  }
0x64: {  	_ =	shalt  }
0x65: {  	_ =	shalt  }
0x66: {  	_ =	shalt  }
0x67: {  	_ =	shalt  }
0x68: {  	_ =	shalt  }
0x69: {  	_ =	shalt  }
0x6a: {  	_ =	shalt  }
0x6b: {  	_ =	shalt  }
0x6c: {  	_ =	shalt  }
0x6d: {  	_ =	shalt  }
0x6e: {  	_ =	shalt  }
0x6f: {  	_ =	shalt  }
0x70: {  	_ =	shalt  }
0x71: {  	_ =	shalt  }
0x72: {  	_ =	shalt  }
0x73: {  	_ =	shalt  }
0x74: {  	_ =	shalt  }
0x75: {  	_ =	shalt  }
0x76: {  	_ =	shalt  }
0x77: {  	_ =	shalt  }
0x78: {  	_ =	shalt  }
0x79: {  	_ =	shalt  }
0x7a: {  	_ =	shalt  }
0x7b: {  	_ =	shalt  }
0x7c: {  	_ =	shalt  }
0x7d: {  	_ =	shalt  }
0x7e: {  	_ =	shalt  }
0x7f: {  	_ =	shalt  }
0x80: {  	_ =	shalt  }
0x81: {  	_ =	shalt  }
0x82: {  	_ =	shalt  }
0x83: {  	_ =	shalt  }
0x84: {  	_ =	shalt  }
0x85: {  	_ =	shalt  }
0x86: {  	_ =	shalt  }
0x87: {  	_ =	shalt  }
.Lfunc_end0:
.L_simem_size_0:
called_computation.2_lowered:
.L_overlay_start_0:
0x88: {  	s2 =	sld [smem:$0x3FD9]  }
0x89: {  	s3 =	sld [smem:$0x3FFE];
	_ =	sdelay $0x1  }
0x8a: {  	s1 =	srdreg.scid  }
0x8b: {  	s0 =	sand.u32 $0x1, s1  }
0x8c: {  	s16 =	sshll.u32 s0, $0xA;
	s2 =	sadd.s32 s3, s2  }
0x8d: {  	s2 =	sadd.s32 s2, s16  }
0x8e: {  	[smem:$0x3FC2] =	sst s2  }
0x8f: {  	_ = 	snop  }
0x90: {  	(tm) =	ssettm $0x1  }
0x91: {  	s17 =	sld [smem:$0x3FFB];
	_ =	sdelay $0x3  }
0x92: {  	_ =	strace s17  }
0x93: {  	s2 =	sld [smem:$0x3FFC];
	_ =	sdelay $0x3  }
0x94: {  	_ =	strace s2  }
0x95: {  	s2 =	sld [smem:$0x3FFD];
	_ =	sdelay $0x3  }
0x96: {  	_ =	strace s2  }
0x97: {  	_ =	strace $0x8FFFFFFF  }
0x98: {  	s18 =	sld [smem:$0x3FDB];
	_ =	sdelay $0x1  }
0x99: {  	s19 =	simm.s32 $_scs_section_size  }
0x9a: {  	s4 =	simm.s32 $_size__tile_overlayer_lowered;
	s5 =	simm.s32 $_tile_overlayer_lowered  }
0x9b: {  	s22 =	simm.s32 $0x1BFF;
	s21 =	sshll.u32 s5, $0x1;
	s2 =	sadd.s32 s19, s18  }
0x9c: {  	s6 =	simm.s32 $0x0;
	s20 =	sshll.u32 s4, $0x1;
	s4 =	sadd.s32 s21, s2  }
0x9d: {  	[timem:s6], [sflag:s22] =	dma.local [hbm:s4], s20  }
0x9e: {  	_ =	swait.ge [sflag:s22], s20  }
0x9f: {  	s3 =	ssub.s32 $0x0, s20;
	[sflag:s22] =	ssyncset.done $0x0  }
0xa0: {  	[sflag:s22] =	ssyncadd.s32 s3;
	_ =	sdelay $0x1  }
0xa1: {  	s23 =	simm.s32 $0x1B8B  }
0xa2: {  	_ =	swait.ge [sflag:s23], $0x1  }
0xa3: {  	[sflag:s23] =	ssyncset.done $0x0  }
0xa4: {  	s25 =	simm.s32 $0x1B8E;
	s24 =	sld [smem:$0x3FFE];
	[sflag:s23] =	ssyncadd.s32 $0xFFFFFFFF  }
0xa5: {  	s26 =	simm.s32 $execute0_lowered;
	[smem:$0x3FD2] =	sst s25  }
0xa6: {  	s4 =	sshll.u32 s26, $0x1;
	_ =	strace $0x8000004C;
	[dreg:$0x1] =	wrdreg $0xFFFFFFFF  }
0xa7: {  	s28 =	simm.s32 $_size_execute0_lowered;
	s2 =	sadd.s32 s2, s4;
	[dreg:$0x0] =	wrdreg $0x0  }
0xa8: {  	s4 =	sshll.u32 s28, $0x1;
	[dreg:$0x2] =	wrdreg s2  }
0xa9: {  	[dreg:$0x3] =	wrdreg s4  }
0xaa: {  	[dreg:$0x4] =	wrdreg $0xC0  }
0xab: {  	_ =	task [dreg:s6], $0x5FFFF  }
0xac: {  	[dreg:$0x1] =	wrdreg $0xFFFFFFFF  }
0xad: {  	[dreg:$0x0] =	wrdreg $0x60  }
0xae: {  	[dreg:$0x2] =	wrdreg s24  }
0xaf: {  	[dreg:$0x3] =	wrdreg $0x15C000  }
0xb0: {  	[dreg:$0x4] =	wrdreg $0x9  }
0xb1: {  	_ =	task.clear_ibuf [dreg:s6], $0x5FFFF;
	_ =	strace $0x9000004C  }
0xb2: {  	s29 =	simm.s32 $0x9;
	_ =	strace $0x8000004E  }
0xb3: {  	_ =	swait.ge [sflag:s29], $0x1  }
0xb4: {  	[sflag:s29] =	ssyncadd.s32 $0xFFFFFFFF  }
0xb5: {  	_ =	strace $0x9000004E  }
0xb6: {  	_ =	sfence  }
0xb7: {  	s30 =	sld [smem:$0x0];
	_ =	sdelay $0x2  }
0xb8: {  	s31 =	sshll.u32 s1, $0xD;
	s1 =	sshrl.u32 s1, $0x2  }
0xb9: {  	s3 =	sand.u32 $0x4000, s31;
	s1 =	sadd.s32 s1, s30  }
0xba: {  	s0 =	sor.u32 s3, s0;
	s1 =	sshll.u32 s1, $0x11  }
0xbb: {  	s0 =	sor.u32 s1, s0  }
0xbc: {  	s0 =	sadd.s32 $0x8F2B, s0  }
0xbd: {  	[sflag:s0] =	ssyncadd.remote.s32 $0x1  }
0xbe: {  	_ =	sfence.sel $0xFFFF  }
0xbf: {  	[dreg:$0x0] =	wrdreg $0xFFFFFFFF;
	(pc) =	sbr.abs _section_cstart, $3  }
0xc0: {  	[dreg:$0x1] =	wrdreg $0xFFFFFFFF  }
0xc1: {  	_ =	task.clear_ibuf [dreg:s6], $0x2FFFF;
	_ =	strace $0x9FFFFFFF  }
0xc2: {  	(tm) =	ssettm $0x7FFFFFFF  }
0xc3: {  	_ =	shalt  }
tec
execute0_lowered:
.L_overlay_start_1:
0x0: {  	(tag) =	ssettag $0x1  }
0x1: {  	s0 =	rddreg [dreg:$0x0]  }
0x2: {  	s1 =	rddreg [dreg:$0x1];
	s2 =	srdreg.scid  }
0x3: {  	s3 =	simm.s32 $0x0;
	s11 =	stileid.u32;
	s31 =	simm.s32 $0x15400  }
0x4: {  	s2 =	sand.u32 $0x1, s2;
	[smem:$0x7FF] =	sst s3;
	s17 =	smul.u32 $0x140, s11  }
0x5: {  	s4 =	sadd.s32 $0x82200, s0;
	s5 =	sshll.u32 s11, $0xC;
	s7 =	smul.u32 $0x28000, s11  }
0x6: {  	s10 =	sor.u32 $0x1400, s11;
	s18 =	sadd.s32 $0xA0000, s1;
	p0 =	sne.s32 s11, $0x0  }
0x7: {  	s11 =	simm.s32 $0x0;
	s9 =	smul.u32 $0x1400, s2;
	_ =	strace $0x8000004D  }
0x8: {  	s2 =	ssub.s32 $0x2, s2;
	s5 =	sadd.s32 s5, s0;
	[dreg:$0x3] =	wrdreg s18  }
0x9: {  	v1 =	vmov s10;
	s10 =	simm.s32 $0x2;
	s6 =	sshrl.u32 s2, $0x1;
	s19 =	sshrl.u32 s7, $0x2  }
0xa: {  	s20 =	sadd.s32 $0x72200, s5;
	s5 =	sadd.s32 $0x62200, s5;
	s7 =	simm.s32 $0x10000  }
0xb: {  	s3 =	sadd.s32 s17, s9;
	s2 =	ssub.s32 s2, s6;
	[dreg:$0x4] =	wrdreg s20  }
0xc: {  	[dreg:$0x5] =	wrdreg s5;
	s8 =	sadd.s32 s19, s1;
	s5 =	simm.s32 $0x1  }
0xd: {  	s6 =	simm.s32 $0x12C00;
	v0 =	vmov s9;
	s9 =	simm.s32 $0x4;
	s3 =	sshll.u32 s3, $0x4  }
0xe: {  	s21 =	smax.u32 s2, $0x1;
	s22 =	sadd.s32 $0x800, s8;
	s23 =	sadd.s32 $0x1000, s8  }
0xf: {  	s24 =	sadd.s32 $0x1800, s8;
	s25 =	sadd.s32 $0x2000, s8;
	s26 =	sadd.s32 $0x2800, s8  }
0x10: {  	s16 =	sadd.s32 $0x3000, s8;
	s17 =	sadd.s32 $0x3800, s8;
	[dreg:$0x7] =	wrdreg s21  }
0x11: {  	s18 =	sadd.s32 $0x4000, s8;
	s19 =	sadd.s32 $0x4800, s8;
	[dreg:$0x8] =	wrdreg s22  }
0x12: {  	s20 =	sadd.s32 $0x5000, s8;
	s28 =	sadd.s32 $0x8800, s8;
	[dreg:$0x9] =	wrdreg s23  }
0x13: {  	s29 =	sadd.s32 $0x9000, s8;
	s30 =	sadd.s32 $0x9800, s8;
	[dreg:$0xa] =	wrdreg s24  }
.Ltmp0:
0x14: {  	s2 =	simm.s32 $0x10400;
	[dreg:$0xb] =	wrdreg s25;
	(pc) =	sbr.rel .LBB2_1-.Ltmp0, $4  }
0x15: {  	s0 =	sadd.s32 s3, s0;
	[dreg:$0xc] =	wrdreg s26;
	s21 =	sadd.s32 $0x5800, s8  }
0x16: {  	s22 =	sadd.s32 $0x6000, s8;
	s23 =	sadd.s32 $0x6800, s8;
	s24 =	sadd.s32 $0x7000, s8  }
0x17: {  	s25 =	sadd.s32 $0x7800, s8;
	s26 =	sadd.s32 $0x8000, s8;
	s0 =	sadd.s32 $0xAA200, s0  }
0x18: {  	v2 =	vimm.f32 $0.0e+00;
	s3 =	simm.s32 $0x50;
	[dreg:$0x6] =	wrdreg s0;
	s0 =	simm.s32 $0x3  }
.LBB2_6:
0x19: {  	v3 =	vld [tilespmem:s13+$0x8080];
	_ =	sdelay $0x4  }
0x1a: {  	v3 =	vsub.s32 v3, v0  }
0x1b: {  	vm0 =	vlt.u32 v3, $0x1400  }
0x1c: {  	v3 =	vsel vm0, v3, v1  }
0x1d: {  	[tilespmem:$0x10000] =	vst v3  }
0x1e: {  	v3 =	vld [tilespmem:s13+$0x8090];
	_ =	sdelay $0x4  }
0x1f: {  	v3 =	vsub.s32 v3, v0  }
0x20: {  	vm12 =	vlt.u32 v3, $0x1400  }
0x21: {  	v3 =	vsel vm12, v3, v1  }
0x22: {  	[tilespmem:$0x10010] =	vst v3  }
0x23: {  	v3 =	vld [tilespmem:s13+$0x80A0];
	_ =	sdelay $0x4  }
0x24: {  	v3 =	vsub.s32 v3, v0  }
0x25: {  	vm13 =	vlt.u32 v3, $0x1400  }
0x26: {  	v3 =	vsel vm13, v3, v1  }
0x27: {  	[tilespmem:$0x10020] =	vst v3  }
0x28: {  	v3 =	vld [tilespmem:s13+$0x80B0];
	_ =	sdelay $0x4  }
0x29: {  	v3 =	vsub.s32 v3, v0  }
0x2a: {  	vm14 =	vlt.u32 v3, $0x1400  }
0x2b: {  	v3 =	vsel vm14, v3, v1  }
0x2c: {  	[tilespmem:$0x10030] =	vst v3  }
0x2d: {  	v3 =	vld [tilespmem:s13+$0x80C0];
	_ =	sdelay $0x4  }
0x2e: {  	v3 =	vsub.s32 v3, v0  }
0x2f: {  	vm15 =	vlt.u32 v3, $0x1400  }
0x30: {  	v3 =	vsel vm15, v3, v1  }
0x31: {  	[tilespmem:$0x10040] =	vst v3  }
0x32: {  	[spmem:s1] =	stream.indirect.scatter.add.f32 [tilespmem:s6], [sflag:$0x3], $0x80, s7, s3, $0xb8;
	[tilespmem:$0x1FC80] =	vst v63  }
0x33: {  	_ =	swait.ge [sflag:s0], $0x2800  }
0x34: {  	[sflag:s0] =	ssyncset.done $0x0  }
0x35: {  	s12 =	stileid.u32;
	[sflag:s0] =	ssyncadd.s32 $0xFFFFD800  }
0x36: {  	s12 =	sshll.u32 s12, $0x6;
	[bflag:$0x0] =	sbarrier.arrive $0xFFFF  }
0x37: {  	s15 =	sshrl.u32 s8, $0x3;
	s12 =	sor.u32 $0x1C03, s12;
	s14 =	rddreg [dreg:$0x6]  }
0x38: {  	[hbm:s14], [sflag:s12] =	dma.local [spmem:s15], $0x1400  }
0x39: {  	_ =	swait.ge [sflag:s0], $0x1400  }
0x3a: {  	s11 =	sadd.s32 $0x1, s11;
	s15 =	rddreg [dreg:$0x7]  }
0x3b: {  	p1 =	sne.s32 s11, s15  }
.Ltmp1:
0x3c: {  	_ = 	snop;
	(pc) =	sbr.rel @!p1 .LBB2_7-.Ltmp1, $3  }
0x3d: {  	_ =	sdelay $0x1  }
0x3e: {  	[sflag:s0] =	ssyncset.done $0x0  }
0x3f: {  	[sflag:s0] =	ssyncadd.s32 $0xFFFFEC00  }
.LBB2_1:
0x40: {  	s13 =	simm.s32 $0x0  }
0x41: {  	s12 =	sand.u32 $0x1E00, s13  }
0x42: {  	s13 =	sand.u32 $0x70, s13;
	s14 =	sshrl.u32 s12, $0x2  }
0x43: {  	s12 =	simm.s32 $0x40;
	s14 =	sor.u32 s13, s14;
	s13 =	simm.s32 $0x0  }
.LBB2_2:
0x44: {  	p1 =	sne.s32 s12, $0x1FC0  }
0x45: {  	[tilespmem:s14+$0x15400] =	vst v2;
	s13 =	sadd.s32 $0x10, s13;
	s14 =	smov.u32 s12;
	s12 =	sadd.s32 $0x40, s12  }
.Ltmp2:
0x46: {  	(pc) =	sbr.rel @p1 .LBB2_2-.Ltmp2, $4  }
0x47: {  	_ = 	snop  }
0x48: {  	s14 =	sand.u32 $0x1E00, s14  }
0x49: {  	s15 =	sand.u32 $0x70, s13;
	s14 =	sshrl.u32 s14, $0x2  }
0x4a: {  	s14 =	sor.u32 s15, s14  }
0x4b: {  	[tilespmem:s14+$0x15400] =	vst v2  }
0x4c: {  	[spmem:s8] =	stream.linear.scatter [tilespmem:s31], [sflag:$0x3], $0x800, $0x38;
	[tilespmem:$0x1FC80] =	vst v63  }
0x4d: {  	_ =	swait.ge [sflag:s0], $0x800  }
0x4e: {  	[sflag:s0] =	ssyncset.done $0x0  }
0x4f: {  	s12 =	rddreg [dreg:$0x8];
	[sflag:s0] =	ssyncadd.s32 $0xFFFFF800  }
0x50: {  	[spmem:s12] =	stream.linear.scatter [tilespmem:s31], [sflag:$0x3], $0x800, $0x38;
	[tilespmem:$0x1FC80] =	vst v63  }
0x51: {  	_ =	swait.ge [sflag:s0], $0x800  }
0x52: {  	[sflag:s0] =	ssyncset.done $0x0  }
0x53: {  	s14 =	rddreg [dreg:$0x9];
	[sflag:s0] =	ssyncadd.s32 $0xFFFFF800  }
0x54: {  	[spmem:s14] =	stream.linear.scatter [tilespmem:s31], [sflag:$0x3], $0x800, $0x38;
	[tilespmem:$0x1FC80] =	vst v63  }
0x55: {  	_ =	swait.ge [sflag:s0], $0x800  }
0x56: {  	[sflag:s0] =	ssyncset.done $0x0  }
0x57: {  	s15 =	rddreg [dreg:$0xa];
	[sflag:s0] =	ssyncadd.s32 $0xFFFFF800  }
0x58: {  	[spmem:s15] =	stream.linear.scatter [tilespmem:s31], [sflag:$0x3], $0x800, $0x38;
	[tilespmem:$0x1FC80] =	vst v63  }
0x59: {  	_ =	swait.ge [sflag:s0], $0x800  }
0x5a: {  	[sflag:s0] =	ssyncset.done $0x0  }
0x5b: {  	s13 =	rddreg [dreg:$0xb];
	[sflag:s0] =	ssyncadd.s32 $0xFFFFF800  }
0x5c: {  	[spmem:s13] =	stream.linear.scatter [tilespmem:s31], [sflag:$0x3], $0x800, $0x38;
	[tilespmem:$0x1FC80] =	vst v63  }
0x5d: {  	_ =	swait.ge [sflag:s0], $0x800  }
0x5e: {  	[sflag:s0] =	ssyncset.done $0x0  }
0x5f: {  	s14 =	rddreg [dreg:$0xc];
	[sflag:s0] =	ssyncadd.s32 $0xFFFFF800  }
0x60: {  	[spmem:s14] =	stream.linear.scatter [tilespmem:s31], [sflag:$0x3], $0x800, $0x38;
	[tilespmem:$0x1FC80] =	vst v63  }
0x61: {  	_ =	swait.ge [sflag:s0], $0x800  }
0x62: {  	[sflag:s0] =	ssyncset.done $0x0  }
0x63: {  	[sflag:s0] =	ssyncadd.s32 $0xFFFFF800  }
0x64: {  	[spmem:s16] =	stream.linear.scatter [tilespmem:s31], [sflag:$0x3], $0x800, $0x38;
	[tilespmem:$0x1FC80] =	vst v63  }
0x65: {  	_ =	swait.ge [sflag:s0], $0x800  }
0x66: {  	[sflag:s0] =	ssyncset.done $0x0  }
0x67: {  	[sflag:s0] =	ssyncadd.s32 $0xFFFFF800  }
0x68: {  	[spmem:s17] =	stream.linear.scatter [tilespmem:s31], [sflag:$0x3], $0x800, $0x38;
	[tilespmem:$0x1FC80] =	vst v63  }
0x69: {  	_ =	swait.ge [sflag:s0], $0x800  }
0x6a: {  	[sflag:s0] =	ssyncset.done $0x0  }
0x6b: {  	[sflag:s0] =	ssyncadd.s32 $0xFFFFF800  }
0x6c: {  	[spmem:s18] =	stream.linear.scatter [tilespmem:s31], [sflag:$0x3], $0x800, $0x38;
	[tilespmem:$0x1FC80] =	vst v63  }
0x6d: {  	_ =	swait.ge [sflag:s0], $0x800  }
0x6e: {  	[sflag:s0] =	ssyncset.done $0x0  }
0x6f: {  	[sflag:s0] =	ssyncadd.s32 $0xFFFFF800  }
0x70: {  	[spmem:s19] =	stream.linear.scatter [tilespmem:s31], [sflag:$0x3], $0x800, $0x38;
	[tilespmem:$0x1FC80] =	vst v63  }
0x71: {  	_ =	swait.ge [sflag:s0], $0x800  }
0x72: {  	[sflag:s0] =	ssyncset.done $0x0  }
0x73: {  	[sflag:s0] =	ssyncadd.s32 $0xFFFFF800  }
0x74: {  	[spmem:s20] =	stream.linear.scatter [tilespmem:s31], [sflag:$0x3], $0x800, $0x38;
	[tilespmem:$0x1FC80] =	vst v63  }
0x75: {  	_ =	swait.ge [sflag:s0], $0x800  }
0x76: {  	[sflag:s0] =	ssyncset.done $0x0  }
0x77: {  	[sflag:s0] =	ssyncadd.s32 $0xFFFFF800  }
0x78: {  	[spmem:s21] =	stream.linear.scatter [tilespmem:s31], [sflag:$0x3], $0x800, $0x38;
	[tilespmem:$0x1FC80] =	vst v63  }
0x79: {  	_ =	swait.ge [sflag:s0], $0x800  }
0x7a: {  	[sflag:s0] =	ssyncset.done $0x0  }
0x7b: {  	[sflag:s0] =	ssyncadd.s32 $0xFFFFF800  }
0x7c: {  	[spmem:s22] =	stream.linear.scatter [tilespmem:s31], [sflag:$0x3], $0x800, $0x38;
	[tilespmem:$0x1FC80] =	vst v63  }
0x7d: {  	_ =	swait.ge [sflag:s0], $0x800  }
0x7e: {  	[sflag:s0] =	ssyncset.done $0x0  }
0x7f: {  	[sflag:s0] =	ssyncadd.s32 $0xFFFFF800  }
0x80: {  	[spmem:s23] =	stream.linear.scatter [tilespmem:s31], [sflag:$0x3], $0x800, $0x38;
	[tilespmem:$0x1FC80] =	vst v63  }
0x81: {  	_ =	swait.ge [sflag:s0], $0x800  }
0x82: {  	[sflag:s0] =	ssyncset.done $0x0  }
0x83: {  	[sflag:s0] =	ssyncadd.s32 $0xFFFFF800  }
0x84: {  	[spmem:s24] =	stream.linear.scatter [tilespmem:s31], [sflag:$0x3], $0x800, $0x38;
	[tilespmem:$0x1FC80] =	vst v63  }
0x85: {  	_ =	swait.ge [sflag:s0], $0x800  }
0x86: {  	[sflag:s0] =	ssyncset.done $0x0  }
0x87: {  	[sflag:s0] =	ssyncadd.s32 $0xFFFFF800  }
0x88: {  	[spmem:s25] =	stream.linear.scatter [tilespmem:s31], [sflag:$0x3], $0x800, $0x38;
	[tilespmem:$0x1FC80] =	vst v63  }
0x89: {  	_ =	swait.ge [sflag:s0], $0x800  }
0x8a: {  	[sflag:s0] =	ssyncset.done $0x0  }
0x8b: {  	[sflag:s0] =	ssyncadd.s32 $0xFFFFF800  }
0x8c: {  	[spmem:s26] =	stream.linear.scatter [tilespmem:s31], [sflag:$0x3], $0x800, $0x38;
	[tilespmem:$0x1FC80] =	vst v63  }
0x8d: {  	_ =	swait.ge [sflag:s0], $0x800  }
0x8e: {  	[sflag:s0] =	ssyncset.done $0x0  }
0x8f: {  	[sflag:s0] =	ssyncadd.s32 $0xFFFFF800  }
0x90: {  	[spmem:s28] =	stream.linear.scatter [tilespmem:s31], [sflag:$0x3], $0x800, $0x38;
	[tilespmem:$0x1FC80] =	vst v63  }
0x91: {  	_ =	swait.ge [sflag:s0], $0x800  }
0x92: {  	[sflag:s0] =	ssyncset.done $0x0  }
0x93: {  	[sflag:s0] =	ssyncadd.s32 $0xFFFFF800  }
0x94: {  	[spmem:s29] =	stream.linear.scatter [tilespmem:s31], [sflag:$0x3], $0x800, $0x38;
	[tilespmem:$0x1FC80] =	vst v63  }
0x95: {  	_ =	swait.ge [sflag:s0], $0x800  }
0x96: {  	[sflag:s0] =	ssyncset.done $0x0  }
0x97: {  	[sflag:s0] =	ssyncadd.s32 $0xFFFFF800  }
0x98: {  	[spmem:s30] =	stream.linear.scatter [tilespmem:s31], [sflag:$0x3], $0x800, $0x38;
	[tilespmem:$0x1FC80] =	vst v63  }
0x99: {  	_ =	swait.ge [sflag:s0], $0x800  }
0x9a: {  	[sflag:s0] =	ssyncset.done $0x0  }
0x9b: {  	s12 =	simm.s32 @!p0 $0x15400;
	s13 =	rddreg [dreg:$0x3];
	[sflag:s0] =	ssyncadd.s32 $0xFFFFF800  }
0x9c: {  	[spmem:s13] =	stream.linear.scatter @!p0 [tilespmem:s12], [sflag:$0x3], $0x800, $0x38;
	[tilespmem:$0x1FC80] =	vst v63  }
0x9d: {  	s12 =	simm.s32 @!p0 $0x3  }
0x9e: {  	_ =	swait.ge @!p0 [sflag:s12], $0x800  }
0x9f: {  	[sflag:s12] =	ssyncset.done @!p0 $0x0  }
0xa0: {  	[sflag:s12] =	ssyncadd.s32 @!p0 $0xFFFFF800  }
0xa1: {  	[bflag:$0x0] =	sbarrier.arrive $0xFFFF  }
0xa2: {  	s12 =	simm.s32 $0x0;
	s15 =	rddreg [dreg:$0x4]  }
0xa3: {  	[tilespmem:s12], [sflag:$0x3] =	stream.linear.gather [hbm4b:s15+s12], $0x7D00, $0x38;
	[tilespmem:$0x1FC80] =	vst v63  }
0xa4: {  	_ =	swait.ge [sflag:s0], $0x7D00  }
0xa5: {  	[sflag:s0] =	ssyncset.done $0x0  }
0xa6: {  	s15 =	simm.s32 $0x8000;
	s14 =	rddreg [dreg:$0x5];
	[sflag:s0] =	ssyncadd.s32 $0xFFFF8300  }
0xa7: {  	[tilespmem:s15], [sflag:$0x3] =	stream.linear.gather [hbm4b:s14+s12], $0x7D00, $0x38;
	[tilespmem:$0x1FC80] =	vst v63  }
0xa8: {  	_ =	swait.ge [sflag:s0], $0x7D00  }
0xa9: {  	[sflag:s0] =	ssyncset.done $0x0  }
0xaa: {  	[sflag:s0] =	ssyncadd.s32 $0xFFFF8300  }
0xab: {  	[tilespmem:s2], [sflag:$0x1] =	stream.indirect.gather [hbm4b:s4+s3], $0x80, s12, s3, $0xb8;
	[tilespmem:$0x1FC80] =	vst v63  }
0xac: {  	_ =	swait.ge [sflag:s5], $0x2800  }
0xad: {  	[sflag:s5] =	ssyncset.done $0x0  }
0xae: {  	[sflag:s5] =	ssyncadd.s32 $0xFFFFD800  }
.LBB2_4:
0xaf: {  	s13 =	sshra.s32 s12, $0x2  }
0xb0: {  	s14 =	sadd.s32 $0x80, s13  }
0xb1: {  	[tilespmem:s6], [sflag:$0x2] =	stream.indirect.gather [hbm4b:s4+s3], $0x80, s14, s3, $0xb8;
	[tilespmem:$0x1FC80] =	vst v63  }
0xb2: {  	v3 =	vld [tilespmem:s13+$0x8000];
	_ =	sdelay $0x4  }
0xb3: {  	v3 =	vsub.s32 v3, v0  }
0xb4: {  	vm0 =	vlt.u32 v3, $0x1400  }
0xb5: {  	v3 =	vsel vm0, v3, v1  }
0xb6: {  	[tilespmem:$0x10000] =	vst v3  }
0xb7: {  	v3 =	vld [tilespmem:s13+$0x8010];
	_ =	sdelay $0x4  }
0xb8: {  	v3 =	vsub.s32 v3, v0  }
0xb9: {  	vm12 =	vlt.u32 v3, $0x1400  }
0xba: {  	v3 =	vsel vm12, v3, v1  }
0xbb: {  	[tilespmem:$0x10010] =	vst v3  }
0xbc: {  	v3 =	vld [tilespmem:s13+$0x8020];
	_ =	sdelay $0x4  }
0xbd: {  	v3 =	vsub.s32 v3, v0  }
0xbe: {  	vm13 =	vlt.u32 v3, $0x1400  }
0xbf: {  	v3 =	vsel vm13, v3, v1  }
0xc0: {  	[tilespmem:$0x10020] =	vst v3  }
0xc1: {  	v3 =	vld [tilespmem:s13+$0x8030];
	_ =	sdelay $0x4  }
0xc2: {  	v3 =	vsub.s32 v3, v0  }
0xc3: {  	vm14 =	vlt.u32 v3, $0x1400  }
0xc4: {  	v3 =	vsel vm14, v3, v1  }
0xc5: {  	[tilespmem:$0x10030] =	vst v3  }
0xc6: {  	v3 =	vld [tilespmem:s13+$0x8040];
	_ =	sdelay $0x4  }
0xc7: {  	v3 =	vsub.s32 v3, v0  }
0xc8: {  	vm15 =	vlt.u32 v3, $0x1400  }
0xc9: {  	v3 =	vsel vm15, v3, v1  }
0xca: {  	[tilespmem:$0x10040] =	vst v3  }
0xcb: {  	[spmem:s1] =	stream.indirect.scatter.add.f32 [tilespmem:s2], [sflag:$0x4], $0x80, s7, s3, $0xb8;
	[tilespmem:$0x1FC80] =	vst v63  }
0xcc: {  	p1 =	seq.s32 s12, $0x1F000;
	_ =	swait.ge [sflag:s9], $0x2800  }
.Ltmp3:
0xcd: {  	[sflag:s9] =	ssyncset.done $0x0;
	(pc) =	sbr.rel @p1 .LBB2_6-.Ltmp3, $4  }
0xce: {  	[sflag:s9] =	ssyncadd.s32 $0xFFFFD800  }
0xcf: {  	_ =	swait.ge [sflag:s10], $0x2800  }
0xd0: {  	[sflag:s10] =	ssyncset.done $0x0  }
0xd1: {  	[sflag:s10] =	ssyncadd.s32 $0xFFFFD800  }
0xd2: {  	s14 =	sadd.s32 $0x100, s13  }
0xd3: {  	[tilespmem:s2], [sflag:$0x1] =	stream.indirect.gather [hbm4b:s4+s3], $0x80, s14, s3, $0xb8;
	[tilespmem:$0x1FC80] =	vst v63  }
0xd4: {  	v3 =	vld [tilespmem:s13+$0x8080];
	_ =	sdelay $0x4  }
0xd5: {  	v3 =	vsub.s32 v3, v0  }
0xd6: {  	vm0 =	vlt.u32 v3, $0x1400  }
0xd7: {  	v3 =	vsel vm0, v3, v1  }
0xd8: {  	[tilespmem:$0x10000] =	vst v3  }
0xd9: {  	v3 =	vld [tilespmem:s13+$0x8090];
	_ =	sdelay $0x4  }
0xda: {  	v3 =	vsub.s32 v3, v0  }
0xdb: {  	vm12 =	vlt.u32 v3, $0x1400  }
0xdc: {  	v3 =	vsel vm12, v3, v1  }
0xdd: {  	[tilespmem:$0x10010] =	vst v3  }
0xde: {  	v3 =	vld [tilespmem:s13+$0x80A0];
	_ =	sdelay $0x4  }
0xdf: {  	v3 =	vsub.s32 v3, v0  }
0xe0: {  	vm13 =	vlt.u32 v3, $0x1400  }
0xe1: {  	v3 =	vsel vm13, v3, v1  }
0xe2: {  	[tilespmem:$0x10020] =	vst v3  }
0xe3: {  	v3 =	vld [tilespmem:s13+$0x80B0];
	_ =	sdelay $0x4  }
0xe4: {  	v3 =	vsub.s32 v3, v0  }
0xe5: {  	vm14 =	vlt.u32 v3, $0x1400  }
0xe6: {  	v3 =	vsel vm14, v3, v1  }
0xe7: {  	[tilespmem:$0x10030] =	vst v3  }
0xe8: {  	v3 =	vld [tilespmem:s13+$0x80C0];
	_ =	sdelay $0x4  }
0xe9: {  	v3 =	vsub.s32 v3, v0  }
0xea: {  	vm15 =	vlt.u32 v3, $0x1400  }
0xeb: {  	v3 =	vsel vm15, v3, v1  }
0xec: {  	[tilespmem:$0x10040] =	vst v3  }
0xed: {  	[spmem:s1] =	stream.indirect.scatter.add.f32 [tilespmem:s6], [sflag:$0x4], $0x80, s7, s3, $0xb8;
	[tilespmem:$0x1FC80] =	vst v63  }
0xee: {  	_ =	swait.ge [sflag:s9], $0x2800  }
.Ltmp4:
0xef: {  	[sflag:s9] =	ssyncset.done $0x0;
	(pc) =	sbr.rel .LBB2_4-.Ltmp4, $4  }
0xf0: {  	[sflag:s9] =	ssyncadd.s32 $0xFFFFD800  }
0xf1: {  	_ =	swait.ge [sflag:s5], $0x2800  }
0xf2: {  	[sflag:s5] =	ssyncset.done $0x0  }
0xf3: {  	s12 =	sadd.s32 $0x400, s12;
	[sflag:s5] =	ssyncadd.s32 $0xFFFFD800  }
.LBB2_7:
0xf4: {  	_ =	sfence.sel $0x180000  }
0xf5: {  	[bflag:$0x0] =	sbarrier.arrive $0xFFFF  }
0xf6: {  	_ =	strace $0x9000004D  }
0xf7: {  	[bflag:$0x2] =	sbarrier.arrive $0xFFFF  }
0xf8: {  	s0 =	rddreg [dreg:$0x2]  }
0xf9: {  	s0 =	sadd.s32 @!p0 $0x100000, s0  }
0xfa: {  	[sflag:s0] =	ssyncadd.tile.s32 @!p0 $0x1;
	_ =	shalt  }
.Lfunc_end2:
_tile_overlayer_lowered:
.L_overlay_start_2:
0xfb: {  	(tag) =	ssettag $0x2  }
0xfc: {  	s0 =	rddreg [dreg:$0x0];
	s2 =	stileid.u32  }
0xfd: {  	s1 =	rddreg [dreg:$0x1];
	p0 =	sne.s32 s2, $0x0  }
0xfe: {  	s3 =	rddreg [dreg:$0x2];
	[bflag:$0x3] =	sbarrier.arrive $0xFFFF;
	s2 =	simm.s32 @!p0 $0x1C03  }
0xff: {  	[timem:s3], [sflag:s2] =	dma.local @!p0 [hbm:s0], s1  }
0x100: {  	s0 =	simm.s32 @!p0 $0x3  }
0x101: {  	_ =	swait.ge @!p0 [sflag:s0], s1  }
0x102: {  	s1 =	ssub.s32 @!p0 $0x0, s1;
	[sflag:s0] =	ssyncset.done @!p0 $0x0  }
0x103: {  	[sflag:s0] =	ssyncadd.s32 @!p0 s1  }
0x104: {  	[bflag:$0x3] =	sbarrier.arrive $0xFFFF  }
0x105: {  	_ =	shalt  }

// kernel: kernel.8.cloned.1.call-start
scs
__scs_entry_jumppad:
0x0: {  	(pc) =	sbr.rel $0x88, $3  }
0x1: {  	(tag) =	ssettag $0x0;
	lr =	simm.s32 $0x1  }
0x2: {  	[smem:$0x3F9B] =	sst lr;
	_ =	strace $0xD0000000  }
0x3: {  	_ = 	snop  }
0x4: {  	_ = 	snop  }
0x5: {  	_ = 	snop  }
0x6: {  	_ = 	snop  }
0x7: {  	_ = 	snop  }
__scs_overlays_trampoline_lowered:
0x8: {  	[smem:$0x3FAA] =	sst s0  }
0x9: {  	[smem:$0x3FAB] =	sst s1  }
0xa: {  	[smem:$0x3FAC] =	sst s2  }
0xb: {  	[smem:$0x3FAD] =	sst s3  }
0xc: {  	[smem:$0x3FAE] =	sst s4  }
0xd: {  	[smem:$0x3FAF] =	sst s5  }
0xe: {  	[smem:$0x3FB0] =	sst s6  }
0xf: {  	[smem:$0x3FB1] =	sst s7  }
0x10: {  	[smem:$0x3FB2] =	sst s8  }
0x11: {  	[smem:$0x3FB3] =	sst s9;
	s0 =	simm.s32 @!p0 $0x0  }
0x12: {  	s1 =	sld [smem:$0x3F99];
	s0 =	simm.s32 @p0 $0x1  }
0x13: {  	[smem:$0x3FB4] =	sst s0;
	s0 =	simm.s32 @!p1 $0x0  }
0x14: {  	s2 =	sld [smem:$0x3F98];
	s0 =	simm.s32 @p1 $0x1  }
0x15: {  	[smem:$0x3FB5] =	sst s0;
	s0 =	simm.s32 @!p2 $0x0  }
0x16: {  	s3 =	sld [smem:$0x3FDB];
	s0 =	simm.s32 @p2 $0x1  }
0x17: {  	s4 =	simm.s32 $0x1BF5;
	[smem:$0x3FB7] =	sst s0  }
0x18: {  	s0 =	sld [smem:$0x3F9A];
	_ =	swait.ge [sflag:s4], $0x0  }
0x19: {  	s7 =	sld [smem:$0x3F9B]  }
0x1a: {  	s8 =	sadd.s32 $0xFFFFE003, lr  }
0x1b: {  	s9 =	sadd.s32 $0xFFFFFEF7, lr;
	s5 =	simm.s32 $0xFFFFFFFF;
	p2 =	slt.u32 s8, $0xFFFFF086  }
0x1c: {  	p1 =	slt.u32 s9, $0xF7A;
	s5 =	simm.s32 @!p2 $0x0  }
0x1d: {  	s5 =	simm.s32 @p1 $0x1;
	p0 =	seq.s32 s7, s2  }
0x1e: {  	s7 =	smul.u32 @!p0 $0xF7A, s2;
	p2 =	seq.s32 @!p0 s5, $0x0  }
0x1f: {  	s9 =	smul.u32 $0xF7A, s1;
	s8 =	simm.s32 @!p0 $0x1BF5;
	p2 =	por !p2, p0  }
0x20: {  	[sflag:s8] =	ssyncset.s32 @!p0 $0xFFFFF086;
	s6 =	sadd.s32 @!p0 s3, s7;
	s7 =	simm.s32 @!p0 $0x108  }
0x21: {  	s3 =	sadd.s32 s3, s9;
	s6 =	sadd.s32 @!p0 $0x88, s6;
	s7 =	simm.s32 @p2 $0x1082  }
0x22: {  	[simem:s7], [sflag:s8] =	dma.local @!p0 [hbm:s6], $0xF7A  }
0x23: {  	s9 =	sor.u32 $0xD0000000, s2;
	s6 =	simm.s32 $0x108;
	_ =	swait.ge @!p0 [sflag:s8], $0x0  }
0x24: {  	s3 =	sadd.s32 $0x88, s3;
	s6 =	simm.s32 @!p1 $0x1082;
	[sflag:s4] =	ssyncset.s32 $0xFFFFF086  }
0x25: {  	[simem:s6], [sflag:s4] =	dma.local [hbm:s3], $0xF7A  }
0x26: {  	[smem:$0x3F9B] =	sst s1;
	(tag) =	ssettag s2;
	_ =	strace s9  }
0x27: {  	s1 =	sld [smem:$0x3FAB]  }
0x28: {  	s2 =	sld [smem:$0x3FAC]  }
0x29: {  	s4 =	sld [smem:$0x3FAE]  }
0x2a: {  	p0 =	seq.s32 s5, $0x0;
	s5 =	sld [smem:$0x3FAF]  }
0x2b: {  	s6 =	sld [smem:$0x3FB0]  }
0x2c: {  	s7 =	sld [smem:$0x3FB1]  }
0x2d: {  	s3 =	simm.s32 $0x108;
	s8 =	sld [smem:$0x3FB2]  }
0x2e: {  	s3 =	simm.s32 @!p0 $0x1082;
	s9 =	sld [smem:$0x3FB3]  }
0x2f: {  	lr =	sadd.s32 s0, s3;
	s0 =	sld [smem:$0x3FAA]  }
0x30: {  	s3 =	sld [smem:$0x3FAD]  }
0x31: {  	[smem:$0x3FB6] =	sst s10  }
0x32: {  	s10 =	sld [smem:$0x3FB4];
	_ =	sdelay $0x3  }
0x33: {  	p0 =	seq.s32 s10, $0x1;
	s10 =	sld [smem:$0x3FB6];
	_ =	sdelay $0x3  }
0x34: {  	[smem:$0x3FB6] =	sst s10  }
0x35: {  	s10 =	sld [smem:$0x3FB5];
	_ =	sdelay $0x3  }
0x36: {  	p1 =	seq.s32 s10, $0x1;
	s10 =	sld [smem:$0x3FB6];
	_ =	sdelay $0x3  }
0x37: {  	[smem:$0x3FB6] =	sst s10  }
0x38: {  	s10 =	sld [smem:$0x3FB7]  }
0x39: {  	_ = 	snop;
	(pc) =	sbr.ind lr, $3  }
0x3a: {  	_ = 	snop  }
0x3b: {  	_ = 	snop  }
0x3c: {  	p2 =	seq.s32 s10, $0x1;
	s10 =	sld [smem:$0x3FB6]  }
0x3d: {  	_ =	shalt  }
0x3e: {  	_ =	shalt  }
0x3f: {  	_ =	shalt  }
0x40: {  	_ =	shalt  }
0x41: {  	_ =	shalt  }
0x42: {  	_ =	shalt  }
0x43: {  	_ =	shalt  }
0x44: {  	_ =	shalt  }
0x45: {  	_ =	shalt  }
0x46: {  	_ =	shalt  }
0x47: {  	_ =	shalt  }
0x48: {  	_ =	shalt  }
0x49: {  	_ =	shalt  }
0x4a: {  	_ =	shalt  }
0x4b: {  	_ =	shalt  }
0x4c: {  	_ =	shalt  }
0x4d: {  	_ =	shalt  }
0x4e: {  	_ =	shalt  }
0x4f: {  	_ =	shalt  }
0x50: {  	_ =	shalt  }
0x51: {  	_ =	shalt  }
0x52: {  	_ =	shalt  }
0x53: {  	_ =	shalt  }
0x54: {  	_ =	shalt  }
0x55: {  	_ =	shalt  }
0x56: {  	_ =	shalt  }
0x57: {  	_ =	shalt  }
0x58: {  	_ =	shalt  }
0x59: {  	_ =	shalt  }
0x5a: {  	_ =	shalt  }
0x5b: {  	_ =	shalt  }
0x5c: {  	_ =	shalt  }
0x5d: {  	_ =	shalt  }
0x5e: {  	_ =	shalt  }
0x5f: {  	_ =	shalt  }
0x60: {  	_ =	shalt  }
0x61: {  	_ =	shalt  }
0x62: {  	_ =	shalt  }
0x63: {  	_ =	shalt  }
0x64: {  	_ =	shalt  }
0x65: {  	_ =	shalt  }
0x66: {  	_ =	shalt  }
0x67: {  	_ =	shalt  }
0x68: {  	_ =	shalt  }
0x69: {  	_ =	shalt  }
0x6a: {  	_ =	shalt  }
0x6b: {  	_ =	shalt  }
0x6c: {  	_ =	shalt  }
0x6d: {  	_ =	shalt  }
0x6e: {  	_ =	shalt  }
0x6f: {  	_ =	shalt  }
0x70: {  	_ =	shalt  }
0x71: {  	_ =	shalt  }
0x72: {  	_ =	shalt  }
0x73: {  	_ =	shalt  }
0x74: {  	_ =	shalt  }
0x75: {  	_ =	shalt  }
0x76: {  	_ =	shalt  }
0x77: {  	_ =	shalt  }
0x78: {  	_ =	shalt  }
0x79: {  	_ =	shalt  }
0x7a: {  	_ =	shalt  }
0x7b: {  	_ =	shalt  }
0x7c: {  	_ =	shalt  }
0x7d: {  	_ =	shalt  }
0x7e: {  	_ =	shalt  }
0x7f: {  	_ =	shalt  }
0x80: {  	_ =	shalt  }
0x81: {  	_ =	shalt  }
0x82: {  	_ =	shalt  }
0x83: {  	_ =	shalt  }
0x84: {  	_ =	shalt  }
0x85: {  	_ =	shalt  }
0x86: {  	_ =	shalt  }
0x87: {  	_ =	shalt  }
.Lfunc_end0:
.L_simem_size_0:
called_computation_lowered:
.L_overlay_start_0:
0x88: {  	s2 =	sld [smem:$0x3FD9]  }
0x89: {  	s3 =	sld [smem:$0x3FFE];
	_ =	sdelay $0x1  }
0x8a: {  	s1 =	srdreg.scid  }
0x8b: {  	s0 =	sand.u32 $0x1, s1  }
0x8c: {  	s16 =	sshll.u32 s0, $0xA;
	s2 =	sadd.s32 s3, s2  }
0x8d: {  	s2 =	sadd.s32 s2, s16  }
0x8e: {  	[smem:$0x3FC2] =	sst s2  }
0x8f: {  	_ = 	snop  }
0x90: {  	(tm) =	ssettm $0x1  }
0x91: {  	s17 =	sld [smem:$0x3FFB];
	_ =	sdelay $0x3  }
0x92: {  	_ =	strace s17  }
0x93: {  	s2 =	sld [smem:$0x3FFC];
	_ =	sdelay $0x3  }
0x94: {  	_ =	strace s2  }
0x95: {  	s2 =	sld [smem:$0x3FFD];
	_ =	sdelay $0x3  }
0x96: {  	_ =	strace s2  }
0x97: {  	_ =	strace $0x8FFFFFFF  }
0x98: {  	s18 =	sld [smem:$0x3FDB];
	_ =	sdelay $0x1  }
0x99: {  	s19 =	simm.s32 $_scs_section_size  }
0x9a: {  	s4 =	simm.s32 $_size__tile_overlayer_lowered;
	s5 =	simm.s32 $_tile_overlayer_lowered  }
0x9b: {  	s22 =	simm.s32 $0x1BFF;
	s21 =	sshll.u32 s5, $0x1;
	s2 =	sadd.s32 s19, s18  }
0x9c: {  	s6 =	simm.s32 $0x0;
	s20 =	sshll.u32 s4, $0x1;
	s4 =	sadd.s32 s21, s2  }
0x9d: {  	[timem:s6], [sflag:s22] =	dma.local [hbm:s4], s20  }
0x9e: {  	_ =	swait.ge [sflag:s22], s20  }
0x9f: {  	s3 =	ssub.s32 $0x0, s20;
	[sflag:s22] =	ssyncset.done $0x0  }
0xa0: {  	[sflag:s22] =	ssyncadd.s32 s3;
	_ =	sdelay $0x1  }
0xa1: {  	s23 =	simm.s32 $0x1B8B  }
0xa2: {  	_ =	swait.ge [sflag:s23], $0x1  }
0xa3: {  	[sflag:s23] =	ssyncset.done $0x0  }
0xa4: {  	s25 =	simm.s32 $0x1B8E;
	s24 =	sld [smem:$0x3FFE];
	[sflag:s23] =	ssyncadd.s32 $0xFFFFFFFF  }
0xa5: {  	s26 =	simm.s32 $execute0_lowered;
	[smem:$0x3FD2] =	sst s25  }
0xa6: {  	s4 =	sshll.u32 s26, $0x1;
	_ =	strace $0x80000046;
	[dreg:$0x1] =	wrdreg $0xFFFFFFFF  }
0xa7: {  	s28 =	simm.s32 $_size_execute0_lowered;
	s2 =	sadd.s32 s2, s4;
	[dreg:$0x0] =	wrdreg $0x0  }
0xa8: {  	s4 =	sshll.u32 s28, $0x1;
	[dreg:$0x2] =	wrdreg s2  }
0xa9: {  	[dreg:$0x3] =	wrdreg s4  }
0xaa: {  	[dreg:$0x4] =	wrdreg $0xC0  }
0xab: {  	_ =	task [dreg:s6], $0x5FFFF  }
0xac: {  	[dreg:$0x1] =	wrdreg $0xFFFFFFFF  }
0xad: {  	[dreg:$0x0] =	wrdreg $0x60  }
0xae: {  	[dreg:$0x2] =	wrdreg s24  }
0xaf: {  	[dreg:$0x3] =	wrdreg $0xA8000  }
0xb0: {  	[dreg:$0x4] =	wrdreg $0x9  }
0xb1: {  	_ =	task.clear_ibuf [dreg:s6], $0x5FFFF;
	_ =	strace $0x90000046  }
0xb2: {  	s29 =	simm.s32 $0x9;
	_ =	strace $0x80000048  }
0xb3: {  	_ =	swait.ge [sflag:s29], $0x1  }
0xb4: {  	[sflag:s29] =	ssyncadd.s32 $0xFFFFFFFF  }
0xb5: {  	_ =	strace $0x90000048  }
0xb6: {  	_ =	sfence  }
0xb7: {  	s30 =	sld [smem:$0x0];
	_ =	sdelay $0x2  }
0xb8: {  	s31 =	sshll.u32 s1, $0xD;
	s1 =	sshrl.u32 s1, $0x2  }
0xb9: {  	s3 =	sand.u32 $0x4000, s31;
	s1 =	sadd.s32 s1, s30  }
0xba: {  	s0 =	sor.u32 s3, s0;
	s1 =	sshll.u32 s1, $0x11  }
0xbb: {  	s0 =	sor.u32 s1, s0  }
0xbc: {  	s0 =	sadd.s32 $0x8F2B, s0  }
0xbd: {  	[sflag:s0] =	ssyncadd.remote.s32 $0x1  }
0xbe: {  	_ =	sfence.sel $0xFFFF  }
0xbf: {  	[dreg:$0x0] =	wrdreg $0xFFFFFFFF;
	(pc) =	sbr.abs _section_cstart, $3  }
0xc0: {  	[dreg:$0x1] =	wrdreg $0xFFFFFFFF  }
0xc1: {  	_ =	task.clear_ibuf [dreg:s6], $0x2FFFF;
	_ =	strace $0x9FFFFFFF  }
0xc2: {  	(tm) =	ssettm $0x7FFFFFFF  }
0xc3: {  	_ =	shalt  }
tec
execute0_lowered:
.L_overlay_start_1:
0x0: {  	(tag) =	ssettag $0x1  }
0x1: {  	s4 =	rddreg [dreg:$0x0]  }
0x2: {  	s1 =	rddreg [dreg:$0x1]  }
0x3: {  	s0 =	rddreg [dreg:$0x2]  }
0x4: {  	s3 =	simm.s32 $0x0;
	s5 =	srdreg.scid;
	s2 =	stileid.u32  }
0x5: {  	[smem:$0x7FF] =	sst s3;
	s13 =	smul.u32 $0x14000, s2  }
0x6: {  	s5 =	sand.u32 $0x1, s5;
	s6 =	sshll.u32 s2, $0xB;
	s8 =	smul.u32 $0x50000, s2  }
0x7: {  	s15 =	sadd.s32 $0x12200, s4;
	_ =	strace $0x80000047;
	s14 =	smul.u32 $0x140000, s5  }
0x8: {  	s6 =	sadd.s32 s6, s4;
	s7 =	ssub.s32 $0x2, s5;
	s26 =	sshll.u32 s5, $0xF  }
0x9: {  	s25 =	sshrl.u32 s7, $0x1;
	s8 =	sshrl.u32 s8, $0x2;
	s6 =	sadd.s32 s26, s6  }
0xa: {  	s16 =	sadd.s32 $0x4000, s13;
	s17 =	sadd.s32 $0x8000, s13;
	s18 =	sadd.s32 $0xC000, s13  }
0xb: {  	s19 =	sadd.s32 $0x10000, s13;
	s7 =	ssub.s32 s7, s25;
	s28 =	sadd.s32 s14, s13  }
0xc: {  	s4 =	sadd.s32 s8, s1;
	s5 =	sadd.s32 $0x2200, s6;
	s12 =	sadd.s32 s14, s16  }
0xd: {  	s20 =	sadd.s32 s16, s1;
	s29 =	sadd.s32 s14, s17;
	s30 =	sadd.s32 s14, s18  }
0xe: {  	s14 =	sadd.s32 s14, s19;
	s21 =	sadd.s32 s17, s1;
	s22 =	sadd.s32 s18, s1  }
0xf: {  	s23 =	sadd.s32 s19, s1;
	s17 =	simm.s32 $0x1;
	s18 =	simm.s32 $0x50  }
0x10: {  	s19 =	simm.s32 $0x4000;
	s9 =	sshrl.u32 s28, $0x3;
	s7 =	smax.u32 s7, $0x1  }
0x11: {  	s8 =	sadd.s32 $0x4000, s4;
	s10 =	sadd.s32 $0xC000, s4;
	s11 =	sadd.s32 $0x10000, s4  }
0x12: {  	s12 =	sshrl.u32 s12, $0x3;
	s16 =	sshrl.u32 s29, $0x3;
	s31 =	sshrl.u32 s14, $0x3  }
0x13: {  	s20 =	sshrl.u32 s20, $0x3;
	s21 =	sshrl.u32 s21, $0x3;
	s22 =	sshrl.u32 s22, $0x3  }
0x14: {  	s23 =	sshrl.u32 s23, $0x3;
	s6 =	sadd.s32 s15, s9;
	s9 =	sadd.s32 $0x8000, s4  }
0x15: {  	s12 =	sadd.s32 s15, s12;
	s13 =	sadd.s32 s15, s16;
	s16 =	sshrl.u32 s30, $0x3  }
0x16: {  	v0 =	vimm.f32 $0.0e+00;
	v1 =	vimm.f32 $1.000000000e+00;
	s14 =	sadd.s32 s15, s16;
	s15 =	sadd.s32 s15, s31;
	s16 =	simm.s32 $0x6800  }
.LBB2_1:
0x17: {  	s24 =	simm.s32 $0x0  }
.LBB2_2:
0x18: {  	p0 =	sne.s32 s24, $0xFE00  }
.Ltmp0:
0x19: {  	_ = 	snop;
	(pc) =	sbr.rel @p0 .LBB2_2-.Ltmp0, $3  }
0x1a: {  	_ =	sdelay $0x1  }
0x1b: {  	s25 =	sshra.s32 s24, $0x2  }
0x1c: {  	s24 =	sadd.s32 $0x200, s24;
	[tilespmem:s25+$0x6800] =	vst v0  }
0x1d: {  	s24 =	simm.s32 $0x200;
	s25 =	simm.s32 $0x0  }
.LBB2_4:
0x1e: {  	p0 =	sne.s32 s24, $0x9E00;
	[tilespmem:s25+$0x4000] =	vst v1;
	s25 =	smov.u32 s24;
	s24 =	sadd.s32 $0x200, s24  }
.Ltmp1:
0x1f: {  	(pc) =	sbr.rel @p0 .LBB2_4-.Ltmp1, $2  }
0x20: {  	_ =	sdelay $0x2  }
0x21: {  	s25 =	sshra.s32 s25, $0x2  }
0x22: {  	[tilespmem:s25+$0x4000] =	vst v1  }
0x23: {  	[spmem:s4] =	stream.linear.scatter [tilespmem:s16], [sflag:$0x1], $0x4000, $0x38;
	[tilespmem:$0xD000] =	vst v63  }
0x24: {  	_ =	swait.ge [sflag:s17], $0x4000  }
0x25: {  	[sflag:s17] =	ssyncset.done $0x0  }
0x26: {  	[sflag:s17] =	ssyncadd.s32 $0xFFFFC000  }
0x27: {  	[spmem:s8] =	stream.linear.scatter [tilespmem:s16], [sflag:$0x1], $0x4000, $0x38;
	[tilespmem:$0xD000] =	vst v63  }
0x28: {  	_ =	swait.ge [sflag:s17], $0x4000  }
0x29: {  	[sflag:s17] =	ssyncset.done $0x0  }
0x2a: {  	[sflag:s17] =	ssyncadd.s32 $0xFFFFC000  }
0x2b: {  	[spmem:s9] =	stream.linear.scatter [tilespmem:s16], [sflag:$0x1], $0x4000, $0x38;
	[tilespmem:$0xD000] =	vst v63  }
0x2c: {  	_ =	swait.ge [sflag:s17], $0x4000  }
0x2d: {  	[sflag:s17] =	ssyncset.done $0x0  }
0x2e: {  	[sflag:s17] =	ssyncadd.s32 $0xFFFFC000  }
0x2f: {  	[spmem:s10] =	stream.linear.scatter [tilespmem:s16], [sflag:$0x1], $0x4000, $0x38;
	[tilespmem:$0xD000] =	vst v63  }
0x30: {  	_ =	swait.ge [sflag:s17], $0x4000  }
0x31: {  	[sflag:s17] =	ssyncset.done $0x0  }
0x32: {  	[sflag:s17] =	ssyncadd.s32 $0xFFFFC000  }
0x33: {  	[spmem:s11] =	stream.linear.scatter [tilespmem:s16], [sflag:$0x1], $0x4000, $0x38;
	[tilespmem:$0xD000] =	vst v63  }
0x34: {  	_ =	swait.ge [sflag:s17], $0x4000  }
0x35: {  	[sflag:s17] =	ssyncset.done $0x0  }
0x36: {  	[sflag:s17] =	ssyncadd.s32 $0xFFFFC000  }
0x37: {  	s24 =	simm.s32 $0x0;
	[bflag:$0x0] =	sbarrier.arrive $0xFFFF  }
0x38: {  	[tilespmem:s24], [sflag:$0x1] =	stream.linear.gather [hbm4b:s5+s24], $0x3E80, $0x38;
	[tilespmem:$0xD000] =	vst v63  }
0x39: {  	_ =	swait.ge [sflag:s17], $0x3E80  }
0x3a: {  	[sflag:s17] =	ssyncset.done $0x0  }
0x3b: {  	s31 =	simm.s32 $0x0;
	[sflag:s17] =	ssyncadd.s32 $0xFFFFC180  }
0x3c: {  	[spmem:s1] =	stream.indirect.scatter.add.f32 [tilespmem:s19], [sflag:$0x1], $0x10, s31, s18, $0xb8;
	[tilespmem:$0xD000] =	vst v63  }
0x3d: {  	_ =	swait.ge [sflag:s17], $0x500  }
0x3e: {  	s24 =	simm.s32 $0x200;
	[sflag:s17] =	ssyncset.done $0x0  }
.LBB2_6:
0x3f: {  	s25 =	sshra.s32 s24, $0x2;
	[sflag:s17] =	ssyncadd.s32 $0xFFFFFB00;
	p0 =	sne.s32 s24, $0xF800  }
0x40: {  	[spmem:s1] =	stream.indirect.scatter.add.f32 [tilespmem:s19], [sflag:$0x1], $0x10, s25, s18, $0xb8;
	[tilespmem:$0xD000] =	vst v63  }
.Ltmp2:
0x41: {  	_ = 	snop;
	(pc) =	sbr.rel @p0 .LBB2_6-.Ltmp2, $4  }
0x42: {  	_ = 	snop  }
0x43: {  	s24 =	sadd.s32 $0x200, s24  }
0x44: {  	_ =	swait.ge [sflag:s17], $0x500  }
0x45: {  	[sflag:s17] =	ssyncset.done $0x0  }
0x46: {  	[sflag:s17] =	ssyncadd.s32 $0xFFFFFB00;
	s24 =	sshll.u32 s2, $0x6  }
0x47: {  	s25 =	sshrl.u32 s4, $0x3;
	[bflag:$0x0] =	sbarrier.arrive $0xFFFF;
	s24 =	sor.u32 $0x1C01, s24  }
0x48: {  	[hbm:s6], [sflag:s24] =	dma.local [spmem:s25], $0x800  }
0x49: {  	_ =	swait.ge [sflag:s17], $0x800  }
0x4a: {  	[sflag:s17] =	ssyncset.done $0x0  }
0x4b: {  	[sflag:s17] =	ssyncadd.s32 $0xFFFFF800  }
0x4c: {  	[hbm:s12], [sflag:s24] =	dma.local [spmem:s20], $0x800  }
0x4d: {  	_ =	swait.ge [sflag:s17], $0x800  }
0x4e: {  	[sflag:s17] =	ssyncset.done $0x0  }
0x4f: {  	[sflag:s17] =	ssyncadd.s32 $0xFFFFF800  }
0x50: {  	[hbm:s13], [sflag:s24] =	dma.local [spmem:s21], $0x800  }
0x51: {  	_ =	swait.ge [sflag:s17], $0x800  }
0x52: {  	[sflag:s17] =	ssyncset.done $0x0  }
0x53: {  	[sflag:s17] =	ssyncadd.s32 $0xFFFFF800  }
0x54: {  	[hbm:s14], [sflag:s24] =	dma.local [spmem:s22], $0x800  }
0x55: {  	s3 =	sadd.s32 $0x1, s3;
	_ =	swait.ge [sflag:s17], $0x800  }
0x56: {  	p0 =	sne.s32 s3, s7;
	[sflag:s17] =	ssyncset.done $0x0  }
.Ltmp3:
0x57: {  	[sflag:s17] =	ssyncadd.s32 $0xFFFFF800;
	(pc) =	sbr.rel @p0 .LBB2_1-.Ltmp3, $4  }
0x58: {  	[hbm:s15], [sflag:s24] =	dma.local [spmem:s23], $0x800  }
0x59: {  	_ =	swait.ge [sflag:s17], $0x800  }
0x5a: {  	[sflag:s17] =	ssyncset.done $0x0  }
0x5b: {  	[sflag:s17] =	ssyncadd.s32 $0xFFFFF800  }
0x5c: {  	_ =	sfence.sel $0x180000  }
0x5d: {  	[bflag:$0x0] =	sbarrier.arrive $0xFFFF  }
0x5e: {  	p0 =	sne.s32 s2, $0x0;
	_ =	strace $0x90000047  }
0x5f: {  	s0 =	sadd.s32 @!p0 $0x100000, s0;
	[bflag:$0x2] =	sbarrier.arrive $0xFFFF  }
0x60: {  	[sflag:s0] =	ssyncadd.tile.s32 @!p0 $0x1;
	_ =	shalt  }
.Lfunc_end2:
_tile_overlayer_lowered:
.L_overlay_start_2:
0x61: {  	(tag) =	ssettag $0x2  }
0x62: {  	s0 =	rddreg [dreg:$0x0];
	s2 =	stileid.u32  }
0x63: {  	s1 =	rddreg [dreg:$0x1];
	p0 =	sne.s32 s2, $0x0  }
0x64: {  	s3 =	rddreg [dreg:$0x2];
	[bflag:$0x3] =	sbarrier.arrive $0xFFFF;
	s2 =	simm.s32 @!p0 $0x1C01  }
0x65: {  	[timem:s3], [sflag:s2] =	dma.local @!p0 [hbm:s0], s1  }
0x66: {  	s0 =	simm.s32 @!p0 $0x1  }
0x67: {  	_ =	swait.ge @!p0 [sflag:s0], s1  }
0x68: {  	s1 =	ssub.s32 @!p0 $0x0, s1;
	[sflag:s0] =	ssyncset.done @!p0 $0x0  }
0x69: {  	[sflag:s0] =	ssyncadd.s32 @!p0 s1  }
0x6a: {  	[bflag:$0x3] =	sbarrier.arrive $0xFFFF  }
0x6b: {  	_ =	shalt  }

</sc_bundles>
